<compile_context>
chip_gen: v7x
topology: tpu7x:2x2x1
jax: 0.10.2.dev20260603
libtpu: 0.0.44.dev20260713+nightly
codegen_flags: <defaults>
</compile_context>

<pallas_src>
import functools

import jax
import jax.numpy as jnp
from jax import lax
from jax.experimental import pallas as pl
from jax.experimental.pallas import tpu as pltpu
from jax.experimental.pallas import tpu_sc as plsc

TOPK = 5
POOL = 30
PLEN = 8
DIM = 768
B = 1024
IHALF = PLEN // 2
HALF = IHALF * DIM

NC = 2
NS = 16
NW = NC * NS
BPW = B // NW
CHUNK = 16
NCH = BPW // CHUNK
NSLOT = 2


def _topk_body(xq_ref, ek_ref, idx_ref):
    s = lax.dot_general(
        xq_ref[...], ek_ref[...], (((1,), (1,)), ((), ())),
        preferred_element_type=jnp.float32)
    iota = lax.broadcasted_iota(jnp.int32, s.shape, 1)
    cols = []
    for _ in range(TOPK):
        m = jnp.max(s, axis=1, keepdims=True)
        it = jnp.min(jnp.where(s == m, iota, POOL), axis=1, keepdims=True)
        cols.append(it)
        s = jnp.where(iota == it, -jnp.inf, s)
    cols += [jnp.zeros((B, 1), jnp.int32)] * (8 - TOPK)
    idx_ref[...] = jnp.concatenate(cols, axis=1)


_topk = pl.pallas_call(
    _topk_body,
    out_shape=jax.ShapeDtypeStruct((B, 8), jnp.int32),
)


def _gather_body(ekt, idx_hbm, pk_out, idx_v,
                 buf0, buf1, gsem0, gsem1, wsem0, wsem1):
    wid = lax.axis_index("s") * NC + lax.axis_index("c")
    b0 = wid * BPW
    pltpu.sync_copy(idx_hbm.at[:, pl.ds(NCH * wid, NCH), :], idx_v)

    bufs = (buf0, buf1)
    gsems = (gsem0, gsem1)
    wsems = (wsem0, wsem1)
    NU = TOPK * NCH

    def start_gather(u, slot):
        t, c = divmod(u, NCH)
        return pltpu.async_copy(ekt.at[idx_v.at[t, c]], bufs[slot], gsems[slot])

    def start_writes(u, slot):
        t, c = divmod(u, NCH)
        dst_b = pl.ds(b0 + c * CHUNK, CHUNK)
        return [
            pltpu.async_copy(
                bufs[slot].at[:, pl.ds(i * DIM, DIM)],
                pk_out.at[IHALF * t + i, dst_b, :],
                wsems[slot])
            for i in range(IHALF)
        ]

    pend_w = [None] * NSLOT
    g = [None] * NSLOT
    depth = NSLOT - 1
    for u in range(min(depth, NU)):
        g[u % NSLOT] = start_gather(u, u % NSLOT)
    for u in range(NU):
        slot = u % NSLOT
        pre = u + depth
        if pre < NU:
            ps = pre % NSLOT
            if pend_w[ps] is not None:
                for d in pend_w[ps]:
                    d.wait()
                pend_w[ps] = None
            g[ps] = start_gather(pre, ps)
        g[slot].wait()
        pend_w[slot] = start_writes(u, slot)
    for slot in range(NSLOT):
        if pend_w[slot] is not None:
            for d in pend_w[slot]:
                d.wait()


@functools.lru_cache(maxsize=1)
def _gather_call():
    return pl.kernel(
        _gather_body,
        out_type=jax.ShapeDtypeStruct((TOPK * IHALF, B, DIM), jnp.float32),
        mesh=plsc.VectorSubcoreMesh(
            core_axis_name="c", subcore_axis_name="s",
            num_cores=NC, num_subcores=NS),
        scratch_types=(
            [pltpu.VMEM((TOPK, NCH, CHUNK), jnp.int32)]
            + [pltpu.VMEM((CHUNK, HALF), jnp.float32)] * NSLOT
            + [pltpu.SemaphoreType.DMA] * (2 * NSLOT)
        ),
    )


NBLK = 4
BS = B // NBLK


def _evwr_body(idx_ref, tbl_ref, out_ref):
    pool_iota = lax.broadcasted_iota(jnp.int32, (BS, POOL), 1)
    for t in range(TOPK):
        oh = (idx_ref[:, t:t + 1] == pool_iota).astype(jnp.float32)
        for i in range(IHALF):
            seg = lax.dot_general(
                oh, tbl_ref[:, i, :], (((1,), (0,)), ((), ())),
                preferred_element_type=jnp.float32,
                precision=lax.Precision.HIGHEST)
            out_ref[IHALF * t + i, :, :] = seg


_evwriter = pl.pallas_call(
    _evwr_body,
    grid=(NBLK,),
    in_specs=[
        pl.BlockSpec((BS, 8), lambda j: (j, 0)),
        pl.BlockSpec((POOL, IHALF, DIM), lambda j: (0, 0, 0)),
    ],
    out_specs=pl.BlockSpec((TOPK * IHALF, BS, DIM), lambda j: (0, j, 0)),
    out_shape=jax.ShapeDtypeStruct((TOPK * IHALF, B, DIM), jnp.float32),
)


def _normalize(v, axis):
    n = jnp.linalg.norm(v, axis=axis, keepdims=True)
    return v / jnp.maximum(n, 1e-12)


def kernel(x_query, x, e_k, e_p, layer_id):
    idx8 = _topk(_normalize(x_query, 1), _normalize(e_k, 1))
    idx = idx8[:, :TOPK].T.reshape(TOPK, B // CHUNK, CHUNK)
    ekt = e_p[:, :IHALF, :].reshape(POOL, HALF)
    pk = _gather_call()(ekt, idx)
    pv = _evwriter(idx8, e_p[:, IHALF:, :])
    ek_o = jnp.transpose(pk, (1, 0, 2))
    ev_o = jnp.transpose(pv, (1, 0, 2))
    return (ek_o, ev_o, jnp.float32(0.0), x)

# --- scband reference (transcript-rebuilt; emitter-appended) ---
"""Pipeline reference for scband-l2-p-54563264528725 (READ-ONLY COPY).

The authoritative reference and input builder live on the scoring server;
editing this copy changes nothing except your own understanding.
"""

import jax, jax.numpy as jnp
import numpy as np

TOP_K = 5
POOL = 30
PLEN = 8
DIM = 768
KDIM = 768
B = 1024


def _normalize(v, axis):
    n = jnp.linalg.norm(v, axis=axis, keepdims=True)
    return v / jnp.maximum(n, 1e-12)


def setup_inputs(seed: int = 0) -> dict:
    key = jax.random.key(seed)
    k1, k2, k3, k4 = jax.random.split(key, 4)
    x_query = jax.random.normal(k1, (B, KDIM), dtype=jnp.float32)
    x = jax.random.normal(k2, (B, DIM), dtype=jnp.float32)
    # learned params (nn.init.uniform_ default is U[0,1))
    e_k = jax.random.uniform(k3, (POOL, KDIM), dtype=jnp.float32)
    e_p = jax.random.uniform(k4, (POOL, PLEN, DIM), dtype=jnp.float32)
    return {"x_query": x_query, "x": x, "e_k": e_k, "e_p": e_p, "layer_id": 0}


def reference(x_query, x, e_k, e_p, layer_id):
    # layer_id=0 is always in e_layers
    Bb, C = x_query.shape
    normalized_prompt_key = _normalize(e_k, 1)
    normalized_x_query = jax.lax.stop_gradient(_normalize(x_query, 1))
    cosine_similarity = jnp.einsum('bj,kj->bk', normalized_x_query, normalized_prompt_key)
    _, selected_prompt_indices = jax.lax.top_k(cosine_similarity, TOP_K)
    # memory-bound gather: [B, top_k, PLEN, DIM]
    selected_prompt = jnp.take(e_p, selected_prompt_indices, axis=0)
    i = PLEN // 2
    Ek = selected_prompt[:, :, :i, :].reshape((Bb, -1, DIM))
    Ev = selected_prompt[:, :, i:, :].reshape((Bb, -1, DIM))
    loss = jnp.float32(0.0)  # train=False path
    return (Ek, Ev, loss, x)

if __name__ == "__main__":
    import jax
    _d = setup_inputs()
    print(jax.jit(kernel)(*tuple(_d.values())))

</pallas_src>

<mosaic_0001>
#map = affine_map<(d0, d1) -> (0, 0)>
#map1 = affine_map<(d0, d1) -> (0, 0, 0)>
module attributes {stable_mosaic.version = 14 : i64} {
  func.func @_gather_body(%arg0: i32, %arg1: i32, %arg2: memref<30x3072xf32, #tpu.memory_space<hbm>>, %arg3: memref<5x64x16xi32, #tpu.memory_space<hbm>>, %arg4: memref<20x1024x768xf32, #tpu.memory_space<hbm>>, %arg5: memref<5x2x16xi32, #tpu.memory_space<vmem>>, %arg6: memref<16x3072xf32, #tpu.memory_space<vmem>>, %arg7: memref<16x3072xf32, #tpu.memory_space<vmem>>, %arg8: memref<!tpu.dma_semaphore, #tpu.memory_space<semaphore_mem>>, %arg9: memref<!tpu.dma_semaphore, #tpu.memory_space<semaphore_mem>>, %arg10: memref<!tpu.dma_semaphore, #tpu.memory_space<semaphore_mem>>, %arg11: memref<!tpu.dma_semaphore, #tpu.memory_space<semaphore_mem>>) attributes {dimension_semantics = [#tpu.dimension_semantics<core_parallel>, #tpu.dimension_semantics<subcore_parallel>], iteration_bounds = array<i64: 2, 16>, scalar_prefetch = 0 : i64, scratch_operands = 7 : i64, tpu.core_type = #tpu.core_type<sc_vector_subcore>, window_params = [{transform_indices = #map}, {transform_indices = #map1}, {transform_indices = #map1}]} {
    %mul3A = arith.constant 2 : i32
    %mul3A_0 = arith.muli %arg1, %mul3A : i32
    %add3A = arith.addi %mul3A_0, %arg0 : i32
    %mul3A_1 = arith.constant 32 : i32
    %mul3A_2 = arith.muli %add3A, %mul3A_1 : i32
    %mul3A_3 = arith.constant 2 : i32
    %mul3A_4 = arith.muli %mul3A_3, %add3A : i32
    "tpu.region"() ({
      %run_scoped3A = tpu.sem_alloc : memref<!tpu.dma_semaphore, #tpu.memory_space<semaphore_mem>>
      %dma_start3A_1223 = arith.constant 0 : i32
      %dma_start3A_1224 = arith.constant 0 : i32
      %dma_start3A_1225 = tpu.memref_slice %arg3[%dma_start3A_1223, %mul3A_4, %dma_start3A_1224] : memref<5x64x16xi32, #tpu.memory_space<hbm>> -> memref<5x2x16xi32, #tpu.memory_space<hbm>>
      %dma_start3A_1226 = arith.constant 0 : i32
      %dma_start3A_1227 = arith.constant 0 : i32
      %dma_start3A_1228 = tpu.memref_slice %arg3[%dma_start3A_1226, %mul3A_4, %dma_start3A_1227] : memref<5x64x16xi32, #tpu.memory_space<hbm>> -> memref<5x2x16xi32, #tpu.memory_space<hbm>>
      tpu.enqueue_dma source(%dma_start3A_1228 : memref<5x2x16xi32, #tpu.memory_space<hbm>>) target(%arg5 : memref<5x2x16xi32, #tpu.memory_space<vmem>>) target_semaphore(%run_scoped3A : memref<!tpu.dma_semaphore, #tpu.memory_space<semaphore_mem>>)
      %dma_wait3A_1229 = arith.constant 0 : i32
      %dma_wait3A_1230 = arith.constant 0 : i32
      %dma_wait3A_1231 = tpu.memref_slice %arg3[%dma_wait3A_1229, %mul3A_4, %dma_wait3A_1230] : memref<5x64x16xi32, #tpu.memory_space<hbm>> -> memref<5x2x16xi32, #tpu.memory_space<hbm>>
      %dma_wait3A_1232 = arith.constant 0 : i32
      %dma_wait3A_1233 = arith.constant 0 : i32
      %dma_wait3A_1234 = tpu.memref_slice %arg3[%dma_wait3A_1232, %mul3A_4, %dma_wait3A_1233] : memref<5x64x16xi32, #tpu.memory_space<hbm>> -> memref<5x2x16xi32, #tpu.memory_space<hbm>>
      tpu.wait_dma2 semaphore(%run_scoped3A : memref<!tpu.dma_semaphore, #tpu.memory_space<semaphore_mem>>) src(%dma_wait3A_1234 : memref<5x2x16xi32, #tpu.memory_space<hbm>>) dst(%arg5 : memref<5x2x16xi32, #tpu.memory_space<vmem>>)
      tpu.yield
    }) : () -> ()
    %dma_start3A = arith.constant 0 : i32
    %dma_start3A_5 = arith.constant 0 : i32
    %dma_start3A_6 = arith.constant 0 : i32
    %dma_start3A_7 = tpu.memref_slice %arg5[%dma_start3A, %dma_start3A_5, %dma_start3A_6] : memref<5x2x16xi32, #tpu.memory_space<vmem>> -> memref<1x1x16xi32, #tpu.memory_space<vmem>>
    %dma_start3A_8 = tpu.memref_squeeze %dma_start3A_7 : memref<1x1x16xi32, #tpu.memory_space<vmem>> -> memref<16xi32, #tpu.memory_space<vmem>>
    %dma_start3A_9 = arith.constant 0 : i32
    %dma_start3A_10 = arith.constant 0 : i32
    %dma_start3A_11 = tpu.memref_slice %arg2[%dma_start3A_9, %dma_start3A_10] : memref<30x3072xf32, #tpu.memory_space<hbm>> -> memref<30x3072xf32, #tpu.memory_space<hbm>>
    tpu.enqueue_indirect_dma source(%dma_start3A_11 : memref<30x3072xf32, #tpu.memory_space<hbm>>) target(%arg6 : memref<16x3072xf32, #tpu.memory_space<vmem>>) offsets(%dma_start3A_8 : memref<16xi32, #tpu.memory_space<vmem>>) semaphore(%arg8 : memref<!tpu.dma_semaphore, #tpu.memory_space<semaphore_mem>>)
    %dma_start3A_12 = arith.constant 0 : i32
    %dma_start3A_13 = arith.constant 1 : i32
    %dma_start3A_14 = arith.constant 0 : i32
    %dma_start3A_15 = tpu.memref_slice %arg5[%dma_start3A_12, %dma_start3A_13, %dma_start3A_14] : memref<5x2x16xi32, #tpu.memory_space<vmem>> -> memref<1x1x16xi32, #tpu.memory_space<vmem>>
    %dma_start3A_16 = tpu.memref_squeeze %dma_start3A_15 : memref<1x1x16xi32, #tpu.memory_space<vmem>> -> memref<16xi32, #tpu.memory_space<vmem>>
    %dma_start3A_17 = arith.constant 0 : i32
    %dma_start3A_18 = arith.constant 0 : i32
    %dma_start3A_19 = tpu.memref_slice %arg2[%dma_start3A_17, %dma_start3A_18] : memref<30x3072xf32, #tpu.memory_space<hbm>> -> memref<30x3072xf32, #tpu.memory_space<hbm>>
    tpu.enqueue_indirect_dma source(%dma_start3A_19 : memref<30x3072xf32, #tpu.memory_space<hbm>>) target(%arg7 : memref<16x3072xf32, #tpu.memory_space<vmem>>) offsets(%dma_start3A_16 : memref<16xi32, #tpu.memory_space<vmem>>) semaphore(%arg9 : memref<!tpu.dma_semaphore, #tpu.memory_space<semaphore_mem>>)
    %dma_wait3A = arith.constant 0 : i32
    %dma_wait3A_20 = arith.constant 0 : i32
    %dma_wait3A_21 = arith.constant 0 : i32
    %dma_wait3A_22 = tpu.memref_slice %arg5[%dma_wait3A, %dma_wait3A_20, %dma_wait3A_21] : memref<5x2x16xi32, #tpu.memory_space<vmem>> -> memref<1x1x16xi32, #tpu.memory_space<vmem>>
    %dma_wait3A_23 = tpu.memref_squeeze %dma_wait3A_22 : memref<1x1x16xi32, #tpu.memory_space<vmem>> -> memref<16xi32, #tpu.memory_space<vmem>>
    %dma_wait3A_24 = arith.constant 0 : i32
    %dma_wait3A_25 = arith.constant 0 : i32
    %dma_wait3A_26 = tpu.memref_slice %arg2[%dma_wait3A_24, %dma_wait3A_25] : memref<30x3072xf32, #tpu.memory_space<hbm>> -> memref<30x3072xf32, #tpu.memory_space<hbm>>
    tpu.wait_indirect_dma semaphore(%arg8 : memref<!tpu.dma_semaphore, #tpu.memory_space<semaphore_mem>>) src(%dma_wait3A_26 : memref<30x3072xf32, #tpu.memory_space<hbm>>) dst(%arg6 : memref<16x3072xf32, #tpu.memory_space<vmem>>)
    %add3A_27 = arith.constant 0 : i32
    %add3A_28 = arith.addi %mul3A_2, %add3A_27 : i32
    %dma_start3A_29 = arith.constant 0 : i32
    %dma_start3A_30 = arith.constant 0 : i32
    %dma_start3A_31 = arith.constant 0 : i32
    %dma_start3A_32 = tpu.memref_slice %arg6[%dma_start3A_30, %dma_start3A_31] : memref<16x3072xf32, #tpu.memory_space<vmem>> -> memref<16x768xf32, #tpu.memory_space<vmem>>
    %dma_start3A_33 = arith.constant 0 : i32
    %dma_start3A_34 = tpu.memref_slice %arg4[%dma_start3A_29, %add3A_28, %dma_start3A_33] : memref<20x1024x768xf32, #tpu.memory_space<hbm>> -> memref<1x16x768xf32, #tpu.memory_space<hbm>>
    %dma_start3A_35 = tpu.memref_squeeze %dma_start3A_34 : memref<1x16x768xf32, #tpu.memory_space<hbm>> -> memref<16x768xf32, #tpu.memory_space<hbm>>
    %dma_start3A_36 = arith.constant 0 : i32
    %dma_start3A_37 = tpu.memref_slice %arg4[%dma_start3A_29, %add3A_28, %dma_start3A_36] : memref<20x1024x768xf32, #tpu.memory_space<hbm>> -> memref<1x16x768xf32, #tpu.memory_space<hbm>>
    %dma_start3A_38 = tpu.memref_squeeze %dma_start3A_37 : memref<1x16x768xf32, #tpu.memory_space<hbm>> -> memref<16x768xf32, #tpu.memory_space<hbm>>
    %dma_start3A_39 = arith.constant 0 : i32
    %dma_start3A_40 = arith.constant 0 : i32
    %dma_start3A_41 = tpu.memref_slice %arg6[%dma_start3A_39, %dma_start3A_40] : memref<16x3072xf32, #tpu.memory_space<vmem>> -> memref<16x768xf32, #tpu.memory_space<vmem>>
    tpu.enqueue_dma source(%dma_start3A_41 : memref<16x768xf32, #tpu.memory_space<vmem>>) target(%dma_start3A_38 : memref<16x768xf32, #tpu.memory_space<hbm>>) target_semaphore(%arg10 : memref<!tpu.dma_semaphore, #tpu.memory_space<semaphore_mem>>)
    %dma_start3A_42 = arith.constant 1 : i32
    %dma_start3A_43 = arith.constant 0 : i32
    %dma_start3A_44 = arith.constant 768 : i32
    %dma_start3A_45 = tpu.memref_slice %arg6[%dma_start3A_43, %dma_start3A_44] : memref<16x3072xf32, #tpu.memory_space<vmem>> -> memref<16x768xf32, #tpu.memory_space<vmem>>
    %dma_start3A_46 = arith.constant 0 : i32
    %dma_start3A_47 = tpu.memref_slice %arg4[%dma_start3A_42, %add3A_28, %dma_start3A_46] : memref<20x1024x768xf32, #tpu.memory_space<hbm>> -> memref<1x16x768xf32, #tpu.memory_space<hbm>>
    %dma_start3A_48 = tpu.memref_squeeze %dma_start3A_47 : memref<1x16x768xf32, #tpu.memory_space<hbm>> -> memref<16x768xf32, #tpu.memory_space<hbm>>
    %dma_start3A_49 = arith.constant 0 : i32
    %dma_start3A_50 = tpu.memref_slice %arg4[%dma_start3A_42, %add3A_28, %dma_start3A_49] : memref<20x1024x768xf32, #tpu.memory_space<hbm>> -> memref<1x16x768xf32, #tpu.memory_space<hbm>>
    %dma_start3A_51 = tpu.memref_squeeze %dma_start3A_50 : memref<1x16x768xf32, #tpu.memory_space<hbm>> -> memref<16x768xf32, #tpu.memory_space<hbm>>
    %dma_start3A_52 = arith.constant 0 : i32
    %dma_start3A_53 = arith.constant 768 : i32
    %dma_start3A_54 = tpu.memref_slice %arg6[%dma_start3A_52, %dma_start3A_53] : memref<16x3072xf32, #tpu.memory_space<vmem>> -> memref<16x768xf32, #tpu.memory_space<vmem>>
    tpu.enqueue_dma source(%dma_start3A_54 : memref<16x768xf32, #tpu.memory_space<vmem>>) target(%dma_start3A_51 : memref<16x768xf32, #tpu.memory_space<hbm>>) target_semaphore(%arg10 : memref<!tpu.dma_semaphore, #tpu.memory_space<semaphore_mem>>)
    %dma_start3A_55 = arith.constant 2 : i32
    %dma_start3A_56 = arith.constant 0 : i32
    %dma_start3A_57 = arith.constant 1536 : i32
    %dma_start3A_58 = tpu.memref_slice %arg6[%dma_start3A_56, %dma_start3A_57] : memref<16x3072xf32, #tpu.memory_space<vmem>> -> memref<16x768xf32, #tpu.memory_space<vmem>>
    %dma_start3A_59 = arith.constant 0 : i32
    %dma_start3A_60 = tpu.memref_slice %arg4[%dma_start3A_55, %add3A_28, %dma_start3A_59] : memref<20x1024x768xf32, #tpu.memory_space<hbm>> -> memref<1x16x768xf32, #tpu.memory_space<hbm>>
    %dma_start3A_61 = tpu.memref_squeeze %dma_start3A_60 : memref<1x16x768xf32, #tpu.memory_space<hbm>> -> memref<16x768xf32, #tpu.memory_space<hbm>>
    %dma_start3A_62 = arith.constant 0 : i32
    %dma_start3A_63 = tpu.memref_slice %arg4[%dma_start3A_55, %add3A_28, %dma_start3A_62] : memref<20x1024x768xf32, #tpu.memory_space<hbm>> -> memref<1x16x768xf32, #tpu.memory_space<hbm>>
    %dma_start3A_64 = tpu.memref_squeeze %dma_start3A_63 : memref<1x16x768xf32, #tpu.memory_space<hbm>> -> memref<16x768xf32, #tpu.memory_space<hbm>>
    %dma_start3A_65 = arith.constant 0 : i32
    %dma_start3A_66 = arith.constant 1536 : i32
    %dma_start3A_67 = tpu.memref_slice %arg6[%dma_start3A_65, %dma_start3A_66] : memref<16x3072xf32, #tpu.memory_space<vmem>> -> memref<16x768xf32, #tpu.memory_space<vmem>>
    tpu.enqueue_dma source(%dma_start3A_67 : memref<16x768xf32, #tpu.memory_space<vmem>>) target(%dma_start3A_64 : memref<16x768xf32, #tpu.memory_space<hbm>>) target_semaphore(%arg10 : memref<!tpu.dma_semaphore, #tpu.memory_space<semaphore_mem>>)
    %dma_start3A_68 = arith.constant 3 : i32
    %dma_start3A_69 = arith.constant 0 : i32
    %dma_start3A_70 = arith.constant 2304 : i32
    %dma_start3A_71 = tpu.memref_slice %arg6[%dma_start3A_69, %dma_start3A_70] : memref<16x3072xf32, #tpu.memory_space<vmem>> -> memref<16x768xf32, #tpu.memory_space<vmem>>
    %dma_start3A_72 = arith.constant 0 : i32
    %dma_start3A_73 = tpu.memref_slice %arg4[%dma_start3A_68, %add3A_28, %dma_start3A_72] : memref<20x1024x768xf32, #tpu.memory_space<hbm>> -> memref<1x16x768xf32, #tpu.memory_space<hbm>>
    %dma_start3A_74 = tpu.memref_squeeze %dma_start3A_73 : memref<1x16x768xf32, #tpu.memory_space<hbm>> -> memref<16x768xf32, #tpu.memory_space<hbm>>
    %dma_start3A_75 = arith.constant 0 : i32
    %dma_start3A_76 = tpu.memref_slice %arg4[%dma_start3A_68, %add3A_28, %dma_start3A_75] : memref<20x1024x768xf32, #tpu.memory_space<hbm>> -> memref<1x16x768xf32, #tpu.memory_space<hbm>>
    %dma_start3A_77 = tpu.memref_squeeze %dma_start3A_76 : memref<1x16x768xf32, #tpu.memory_space<hbm>> -> memref<16x768xf32, #tpu.memory_space<hbm>>
    %dma_start3A_78 = arith.constant 0 : i32
    %dma_start3A_79 = arith.constant 2304 : i32
    %dma_start3A_80 = tpu.memref_slice %arg6[%dma_start3A_78, %dma_start3A_79] : memref<16x3072xf32, #tpu.memory_space<vmem>> -> memref<16x768xf32, #tpu.memory_space<vmem>>
    tpu.enqueue_dma source(%dma_start3A_80 : memref<16x768xf32, #tpu.memory_space<vmem>>) target(%dma_start3A_77 : memref<16x768xf32, #tpu.memory_space<hbm>>) target_semaphore(%arg10 : memref<!tpu.dma_semaphore, #tpu.memory_space<semaphore_mem>>)
    %dma_wait3A_81 = arith.constant 0 : i32
    %dma_wait3A_82 = arith.constant 0 : i32
    %dma_wait3A_83 = arith.constant 0 : i32
    %dma_wait3A_84 = tpu.memref_slice %arg6[%dma_wait3A_82, %dma_wait3A_83] : memref<16x3072xf32, #tpu.memory_space<vmem>> -> memref<16x768xf32, #tpu.memory_space<vmem>>
    %dma_wait3A_85 = arith.constant 0 : i32
    %dma_wait3A_86 = tpu.memref_slice %arg4[%dma_wait3A_81, %add3A_28, %dma_wait3A_85] : memref<20x1024x768xf32, #tpu.memory_space<hbm>> -> memref<1x16x768xf32, #tpu.memory_space<hbm>>
    %dma_wait3A_87 = tpu.memref_squeeze %dma_wait3A_86 : memref<1x16x768xf32, #tpu.memory_space<hbm>> -> memref<16x768xf32, #tpu.memory_space<hbm>>
    %dma_wait3A_88 = arith.constant 0 : i32
    %dma_wait3A_89 = tpu.memref_slice %arg4[%dma_wait3A_81, %add3A_28, %dma_wait3A_88] : memref<20x1024x768xf32, #tpu.memory_space<hbm>> -> memref<1x16x768xf32, #tpu.memory_space<hbm>>
    %dma_wait3A_90 = tpu.memref_squeeze %dma_wait3A_89 : memref<1x16x768xf32, #tpu.memory_space<hbm>> -> memref<16x768xf32, #tpu.memory_space<hbm>>
    %dma_wait3A_91 = arith.constant 0 : i32
    %dma_wait3A_92 = arith.constant 0 : i32
    %dma_wait3A_93 = tpu.memref_slice %arg6[%dma_wait3A_91, %dma_wait3A_92] : memref<16x3072xf32, #tpu.memory_space<vmem>> -> memref<16x768xf32, #tpu.memory_space<vmem>>
    tpu.wait_dma2 semaphore(%arg10 : memref<!tpu.dma_semaphore, #tpu.memory_space<semaphore_mem>>) src(%dma_wait3A_93 : memref<16x768xf32, #tpu.memory_space<vmem>>) dst(%dma_wait3A_90 : memref<16x768xf32, #tpu.memory_space<hbm>>)
    %dma_wait3A_94 = arith.constant 1 : i32
    %dma_wait3A_95 = arith.constant 0 : i32
    %dma_wait3A_96 = arith.constant 768 : i32
    %dma_wait3A_97 = tpu.memref_slice %arg6[%dma_wait3A_95, %dma_wait3A_96] : memref<16x3072xf32, #tpu.memory_space<vmem>> -> memref<16x768xf32, #tpu.memory_space<vmem>>
    %dma_wait3A_98 = arith.constant 0 : i32
    %dma_wait3A_99 = tpu.memref_slice %arg4[%dma_wait3A_94, %add3A_28, %dma_wait3A_98] : memref<20x1024x768xf32, #tpu.memory_space<hbm>> -> memref<1x16x768xf32, #tpu.memory_space<hbm>>
    %dma_wait3A_100 = tpu.memref_squeeze %dma_wait3A_99 : memref<1x16x768xf32, #tpu.memory_space<hbm>> -> memref<16x768xf32, #tpu.memory_space<hbm>>
    %dma_wait3A_101 = arith.constant 0 : i32
    %dma_wait3A_102 = tpu.memref_slice %arg4[%dma_wait3A_94, %add3A_28, %dma_wait3A_101] : memref<20x1024x768xf32, #tpu.memory_space<hbm>> -> memref<1x16x768xf32, #tpu.memory_space<hbm>>
    %dma_wait3A_103 = tpu.memref_squeeze %dma_wait3A_102 : memref<1x16x768xf32, #tpu.memory_space<hbm>> -> memref<16x768xf32, #tpu.memory_space<hbm>>
    %dma_wait3A_104 = arith.constant 0 : i32
    %dma_wait3A_105 = arith.constant 768 : i32
    %dma_wait3A_106 = tpu.memref_slice %arg6[%dma_wait3A_104, %dma_wait3A_105] : memref<16x3072xf32, #tpu.memory_space<vmem>> -> memref<16x768xf32, #tpu.memory_space<vmem>>
    tpu.wait_dma2 semaphore(%arg10 : memref<!tpu.dma_semaphore, #tpu.memory_space<semaphore_mem>>) src(%dma_wait3A_106 : memref<16x768xf32, #tpu.memory_space<vmem>>) dst(%dma_wait3A_103 : memref<16x768xf32, #tpu.memory_space<hbm>>)
    %dma_wait3A_107 = arith.constant 2 : i32
    %dma_wait3A_108 = arith.constant 0 : i32
    %dma_wait3A_109 = arith.constant 1536 : i32
    %dma_wait3A_110 = tpu.memref_slice %arg6[%dma_wait3A_108, %dma_wait3A_109] : memref<16x3072xf32, #tpu.memory_space<vmem>> -> memref<16x768xf32, #tpu.memory_space<vmem>>
    %dma_wait3A_111 = arith.constant 0 : i32
    %dma_wait3A_112 = tpu.memref_slice %arg4[%dma_wait3A_107, %add3A_28, %dma_wait3A_111] : memref<20x1024x768xf32, #tpu.memory_space<hbm>> -> memref<1x16x768xf32, #tpu.memory_space<hbm>>
    %dma_wait3A_113 = tpu.memref_squeeze %dma_wait3A_112 : memref<1x16x768xf32, #tpu.memory_space<hbm>> -> memref<16x768xf32, #tpu.memory_space<hbm>>
    %dma_wait3A_114 = arith.constant 0 : i32
    %dma_wait3A_115 = tpu.memref_slice %arg4[%dma_wait3A_107, %add3A_28, %dma_wait3A_114] : memref<20x1024x768xf32, #tpu.memory_space<hbm>> -> memref<1x16x768xf32, #tpu.memory_space<hbm>>
    %dma_wait3A_116 = tpu.memref_squeeze %dma_wait3A_115 : memref<1x16x768xf32, #tpu.memory_space<hbm>> -> memref<16x768xf32, #tpu.memory_space<hbm>>
    %dma_wait3A_117 = arith.constant 0 : i32
    %dma_wait3A_118 = arith.constant 1536 : i32
    %dma_wait3A_119 = tpu.memref_slice %arg6[%dma_wait3A_117, %dma_wait3A_118] : memref<16x3072xf32, #tpu.memory_space<vmem>> -> memref<16x768xf32, #tpu.memory_space<vmem>>
    tpu.wait_dma2 semaphore(%arg10 : memref<!tpu.dma_semaphore, #tpu.memory_space<semaphore_mem>>) src(%dma_wait3A_119 : memref<16x768xf32, #tpu.memory_space<vmem>>) dst(%dma_wait3A_116 : memref<16x768xf32, #tpu.memory_space<hbm>>)
    %dma_wait3A_120 = arith.constant 3 : i32
    %dma_wait3A_121 = arith.constant 0 : i32
    %dma_wait3A_122 = arith.constant 2304 : i32
    %dma_wait3A_123 = tpu.memref_slice %arg6[%dma_wait3A_121, %dma_wait3A_122] : memref<16x3072xf32, #tpu.memory_space<vmem>> -> memref<16x768xf32, #tpu.memory_space<vmem>>
    %dma_wait3A_124 = arith.constant 0 : i32
    %dma_wait3A_125 = tpu.memref_slice %arg4[%dma_wait3A_120, %add3A_28, %dma_wait3A_124] : memref<20x1024x768xf32, #tpu.memory_space<hbm>> -> memref<1x16x768xf32, #tpu.memory_space<hbm>>
    %dma_wait3A_126 = tpu.memref_squeeze %dma_wait3A_125 : memref<1x16x768xf32, #tpu.memory_space<hbm>> -> memref<16x768xf32, #tpu.memory_space<hbm>>
    %dma_wait3A_127 = arith.constant 0 : i32
    %dma_wait3A_128 = tpu.memref_slice %arg4[%dma_wait3A_120, %add3A_28, %dma_wait3A_127] : memref<20x1024x768xf32, #tpu.memory_space<hbm>> -> memref<1x16x768xf32, #tpu.memory_space<hbm>>
    %dma_wait3A_129 = tpu.memref_squeeze %dma_wait3A_128 : memref<1x16x768xf32, #tpu.memory_space<hbm>> -> memref<16x768xf32, #tpu.memory_space<hbm>>
    %dma_wait3A_130 = arith.constant 0 : i32
    %dma_wait3A_131 = arith.constant 2304 : i32
    %dma_wait3A_132 = tpu.memref_slice %arg6[%dma_wait3A_130, %dma_wait3A_131] : memref<16x3072xf32, #tpu.memory_space<vmem>> -> memref<16x768xf32, #tpu.memory_space<vmem>>
    tpu.wait_dma2 semaphore(%arg10 : memref<!tpu.dma_semaphore, #tpu.memory_space<semaphore_mem>>) src(%dma_wait3A_132 : memref<16x768xf32, #tpu.memory_space<vmem>>) dst(%dma_wait3A_129 : memref<16x768xf32, #tpu.memory_space<hbm>>)
    %dma_start3A_133 = arith.constant 1 : i32
    %dma_start3A_134 = arith.constant 0 : i32
    %dma_start3A_135 = arith.constant 0 : i32
    %dma_start3A_136 = tpu.memref_slice %arg5[%dma_start3A_133, %dma_start3A_134, %dma_start3A_135] : memref<5x2x16xi32, #tpu.memory_space<vmem>> -> memref<1x1x16xi32, #tpu.memory_space<vmem>>
    %dma_start3A_137 = tpu.memref_squeeze %dma_start3A_136 : memref<1x1x16xi32, #tpu.memory_space<vmem>> -> memref<16xi32, #tpu.memory_space<vmem>>
    %dma_start3A_138 = arith.constant 0 : i32
    %dma_start3A_139 = arith.constant 0 : i32
    %dma_start3A_140 = tpu.memref_slice %arg2[%dma_start3A_138, %dma_start3A_139] : memref<30x3072xf32, #tpu.memory_space<hbm>> -> memref<30x3072xf32, #tpu.memory_space<hbm>>
    tpu.enqueue_indirect_dma source(%dma_start3A_140 : memref<30x3072xf32, #tpu.memory_space<hbm>>) target(%arg6 : memref<16x3072xf32, #tpu.memory_space<vmem>>) offsets(%dma_start3A_137 : memref<16xi32, #tpu.memory_space<vmem>>) semaphore(%arg8 : memref<!tpu.dma_semaphore, #tpu.memory_space<semaphore_mem>>)
    %dma_wait3A_141 = arith.constant 0 : i32
    %dma_wait3A_142 = arith.constant 1 : i32
    %dma_wait3A_143 = arith.constant 0 : i32
    %dma_wait3A_144 = tpu.memref_slice %arg5[%dma_wait3A_141, %dma_wait3A_142, %dma_wait3A_143] : memref<5x2x16xi32, #tpu.memory_space<vmem>> -> memref<1x1x16xi32, #tpu.memory_space<vmem>>
    %dma_wait3A_145 = tpu.memref_squeeze %dma_wait3A_144 : memref<1x1x16xi32, #tpu.memory_space<vmem>> -> memref<16xi32, #tpu.memory_space<vmem>>
    %dma_wait3A_146 = arith.constant 0 : i32
    %dma_wait3A_147 = arith.constant 0 : i32
    %dma_wait3A_148 = tpu.memref_slice %arg2[%dma_wait3A_146, %dma_wait3A_147] : memref<30x3072xf32, #tpu.memory_space<hbm>> -> memref<30x3072xf32, #tpu.memory_space<hbm>>
    tpu.wait_indirect_dma semaphore(%arg9 : memref<!tpu.dma_semaphore, #tpu.memory_space<semaphore_mem>>) src(%dma_wait3A_148 : memref<30x3072xf32, #tpu.memory_space<hbm>>) dst(%arg7 : memref<16x3072xf32, #tpu.memory_space<vmem>>)
    %add3A_149 = arith.constant 16 : i32
    %add3A_150 = arith.addi %mul3A_2, %add3A_149 : i32
    %dma_start3A_151 = arith.constant 0 : i32
    %dma_start3A_152 = arith.constant 0 : i32
    %dma_start3A_153 = arith.constant 0 : i32
    %dma_start3A_154 = tpu.memref_slice %arg7[%dma_start3A_152, %dma_start3A_153] : memref<16x3072xf32, #tpu.memory_space<vmem>> -> memref<16x768xf32, #tpu.memory_space<vmem>>
    %dma_start3A_155 = arith.constant 0 : i32
    %dma_start3A_156 = tpu.memref_slice %arg4[%dma_start3A_151, %add3A_150, %dma_start3A_155] : memref<20x1024x768xf32, #tpu.memory_space<hbm>> -> memref<1x16x768xf32, #tpu.memory_space<hbm>>
    %dma_start3A_157 = tpu.memref_squeeze %dma_start3A_156 : memref<1x16x768xf32, #tpu.memory_space<hbm>> -> memref<16x768xf32, #tpu.memory_space<hbm>>
    %dma_start3A_158 = arith.constant 0 : i32
    %dma_start3A_159 = tpu.memref_slice %arg4[%dma_start3A_151, %add3A_150, %dma_start3A_158] : memref<20x1024x768xf32, #tpu.memory_space<hbm>> -> memref<1x16x768xf32, #tpu.memory_space<hbm>>
    %dma_start3A_160 = tpu.memref_squeeze %dma_start3A_159 : memref<1x16x768xf32, #tpu.memory_space<hbm>> -> memref<16x768xf32, #tpu.memory_space<hbm>>
    %dma_start3A_161 = arith.constant 0 : i32
    %dma_start3A_162 = arith.constant 0 : i32
    %dma_start3A_163 = tpu.memref_slice %arg7[%dma_start3A_161, %dma_start3A_162] : memref<16x3072xf32, #tpu.memory_space<vmem>> -> memref<16x768xf32, #tpu.memory_space<vmem>>
    tpu.enqueue_dma source(%dma_start3A_163 : memref<16x768xf32, #tpu.memory_space<vmem>>) target(%dma_start3A_160 : memref<16x768xf32, #tpu.memory_space<hbm>>) target_semaphore(%arg11 : memref<!tpu.dma_semaphore, #tpu.memory_space<semaphore_mem>>)
    %dma_start3A_164 = arith.constant 1 : i32
    %dma_start3A_165 = arith.constant 0 : i32
    %dma_start3A_166 = arith.constant 768 : i32
    %dma_start3A_167 = tpu.memref_slice %arg7[%dma_start3A_165, %dma_start3A_166] : memref<16x3072xf32, #tpu.memory_space<vmem>> -> memref<16x768xf32, #tpu.memory_space<vmem>>
    %dma_start3A_168 = arith.constant 0 : i32
    %dma_start3A_169 = tpu.memref_slice %arg4[%dma_start3A_164, %add3A_150, %dma_start3A_168] : memref<20x1024x768xf32, #tpu.memory_space<hbm>> -> memref<1x16x768xf32, #tpu.memory_space<hbm>>
    %dma_start3A_170 = tpu.memref_squeeze %dma_start3A_169 : memref<1x16x768xf32, #tpu.memory_space<hbm>> -> memref<16x768xf32, #tpu.memory_space<hbm>>
    %dma_start3A_171 = arith.constant 0 : i32
    %dma_start3A_172 = tpu.memref_slice %arg4[%dma_start3A_164, %add3A_150, %dma_start3A_171] : memref<20x1024x768xf32, #tpu.memory_space<hbm>> -> memref<1x16x768xf32, #tpu.memory_space<hbm>>
    %dma_start3A_173 = tpu.memref_squeeze %dma_start3A_172 : memref<1x16x768xf32, #tpu.memory_space<hbm>> -> memref<16x768xf32, #tpu.memory_space<hbm>>
    %dma_start3A_174 = arith.constant 0 : i32
    %dma_start3A_175 = arith.constant 768 : i32
    %dma_start3A_176 = tpu.memref_slice %arg7[%dma_start3A_174, %dma_start3A_175] : memref<16x3072xf32, #tpu.memory_space<vmem>> -> memref<16x768xf32, #tpu.memory_space<vmem>>
    tpu.enqueue_dma source(%dma_start3A_176 : memref<16x768xf32, #tpu.memory_space<vmem>>) target(%dma_start3A_173 : memref<16x768xf32, #tpu.memory_space<hbm>>) target_semaphore(%arg11 : memref<!tpu.dma_semaphore, #tpu.memory_space<semaphore_mem>>)
    %dma_start3A_177 = arith.constant 2 : i32
    %dma_start3A_178 = arith.constant 0 : i32
    %dma_start3A_179 = arith.constant 1536 : i32
    %dma_start3A_180 = tpu.memref_slice %arg7[%dma_start3A_178, %dma_start3A_179] : memref<16x3072xf32, #tpu.memory_space<vmem>> -> memref<16x768xf32, #tpu.memory_space<vmem>>
    %dma_start3A_181 = arith.constant 0 : i32
    %dma_start3A_182 = tpu.memref_slice %arg4[%dma_start3A_177, %add3A_150, %dma_start3A_181] : memref<20x1024x768xf32, #tpu.memory_space<hbm>> -> memref<1x16x768xf32, #tpu.memory_space<hbm>>
    %dma_start3A_183 = tpu.memref_squeeze %dma_start3A_182 : memref<1x16x768xf32, #tpu.memory_space<hbm>> -> memref<16x768xf32, #tpu.memory_space<hbm>>
    %dma_start3A_184 = arith.constant 0 : i32
    %dma_start3A_185 = tpu.memref_slice %arg4[%dma_start3A_177, %add3A_150, %dma_start3A_184] : memref<20x1024x768xf32, #tpu.memory_space<hbm>> -> memref<1x16x768xf32, #tpu.memory_space<hbm>>
    %dma_start3A_186 = tpu.memref_squeeze %dma_start3A_185 : memref<1x16x768xf32, #tpu.memory_space<hbm>> -> memref<16x768xf32, #tpu.memory_space<hbm>>
    %dma_start3A_187 = arith.constant 0 : i32
    %dma_start3A_188 = arith.constant 1536 : i32
    %dma_start3A_189 = tpu.memref_slice %arg7[%dma_start3A_187, %dma_start3A_188] : memref<16x3072xf32, #tpu.memory_space<vmem>> -> memref<16x768xf32, #tpu.memory_space<vmem>>
    tpu.enqueue_dma source(%dma_start3A_189 : memref<16x768xf32, #tpu.memory_space<vmem>>) target(%dma_start3A_186 : memref<16x768xf32, #tpu.memory_space<hbm>>) target_semaphore(%arg11 : memref<!tpu.dma_semaphore, #tpu.memory_space<semaphore_mem>>)
    %dma_start3A_190 = arith.constant 3 : i32
    %dma_start3A_191 = arith.constant 0 : i32
    %dma_start3A_192 = arith.constant 2304 : i32
    %dma_start3A_193 = tpu.memref_slice %arg7[%dma_start3A_191, %dma_start3A_192] : memref<16x3072xf32, #tpu.memory_space<vmem>> -> memref<16x768xf32, #tpu.memory_space<vmem>>
    %dma_start3A_194 = arith.constant 0 : i32
    %dma_start3A_195 = tpu.memref_slice %arg4[%dma_start3A_190, %add3A_150, %dma_start3A_194] : memref<20x1024x768xf32, #tpu.memory_space<hbm>> -> memref<1x16x768xf32, #tpu.memory_space<hbm>>
    %dma_start3A_196 = tpu.memref_squeeze %dma_start3A_195 : memref<1x16x768xf32, #tpu.memory_space<hbm>> -> memref<16x768xf32, #tpu.memory_space<hbm>>
    %dma_start3A_197 = arith.constant 0 : i32
    %dma_start3A_198 = tpu.memref_slice %arg4[%dma_start3A_190, %add3A_150, %dma_start3A_197] : memref<20x1024x768xf32, #tpu.memory_space<hbm>> -> memref<1x16x768xf32, #tpu.memory_space<hbm>>
    %dma_start3A_199 = tpu.memref_squeeze %dma_start3A_198 : memref<1x16x768xf32, #tpu.memory_space<hbm>> -> memref<16x768xf32, #tpu.memory_space<hbm>>
    %dma_start3A_200 = arith.constant 0 : i32
    %dma_start3A_201 = arith.constant 2304 : i32
    %dma_start3A_202 = tpu.memref_slice %arg7[%dma_start3A_200, %dma_start3A_201] : memref<16x3072xf32, #tpu.memory_space<vmem>> -> memref<16x768xf32, #tpu.memory_space<vmem>>
    tpu.enqueue_dma source(%dma_start3A_202 : memref<16x768xf32, #tpu.memory_space<vmem>>) target(%dma_start3A_199 : memref<16x768xf32, #tpu.memory_space<hbm>>) target_semaphore(%arg11 : memref<!tpu.dma_semaphore, #tpu.memory_space<semaphore_mem>>)
    %dma_wait3A_203 = arith.constant 0 : i32
    %dma_wait3A_204 = arith.constant 0 : i32
    %dma_wait3A_205 = arith.constant 0 : i32
    %dma_wait3A_206 = tpu.memref_slice %arg7[%dma_wait3A_204, %dma_wait3A_205] : memref<16x3072xf32, #tpu.memory_space<vmem>> -> memref<16x768xf32, #tpu.memory_space<vmem>>
    %dma_wait3A_207 = arith.constant 0 : i32
    %dma_wait3A_208 = tpu.memref_slice %arg4[%dma_wait3A_203, %add3A_150, %dma_wait3A_207] : memref<20x1024x768xf32, #tpu.memory_space<hbm>> -> memref<1x16x768xf32, #tpu.memory_space<hbm>>
    %dma_wait3A_209 = tpu.memref_squeeze %dma_wait3A_208 : memref<1x16x768xf32, #tpu.memory_space<hbm>> -> memref<16x768xf32, #tpu.memory_space<hbm>>
    %dma_wait3A_210 = arith.constant 0 : i32
    %dma_wait3A_211 = tpu.memref_slice %arg4[%dma_wait3A_203, %add3A_150, %dma_wait3A_210] : memref<20x1024x768xf32, #tpu.memory_space<hbm>> -> memref<1x16x768xf32, #tpu.memory_space<hbm>>
    %dma_wait3A_212 = tpu.memref_squeeze %dma_wait3A_211 : memref<1x16x768xf32, #tpu.memory_space<hbm>> -> memref<16x768xf32, #tpu.memory_space<hbm>>
    %dma_wait3A_213 = arith.constant 0 : i32
    %dma_wait3A_214 = arith.constant 0 : i32
    %dma_wait3A_215 = tpu.memref_slice %arg7[%dma_wait3A_213, %dma_wait3A_214] : memref<16x3072xf32, #tpu.memory_space<vmem>> -> memref<16x768xf32, #tpu.memory_space<vmem>>
    tpu.wait_dma2 semaphore(%arg11 : memref<!tpu.dma_semaphore, #tpu.memory_space<semaphore_mem>>) src(%dma_wait3A_215 : memref<16x768xf32, #tpu.memory_space<vmem>>) dst(%dma_wait3A_212 : memref<16x768xf32, #tpu.memory_space<hbm>>)
    %dma_wait3A_216 = arith.constant 1 : i32
    %dma_wait3A_217 = arith.constant 0 : i32
    %dma_wait3A_218 = arith.constant 768 : i32
    %dma_wait3A_219 = tpu.memref_slice %arg7[%dma_wait3A_217, %dma_wait3A_218] : memref<16x3072xf32, #tpu.memory_space<vmem>> -> memref<16x768xf32, #tpu.memory_space<vmem>>
    %dma_wait3A_220 = arith.constant 0 : i32
    %dma_wait3A_221 = tpu.memref_slice %arg4[%dma_wait3A_216, %add3A_150, %dma_wait3A_220] : memref<20x1024x768xf32, #tpu.memory_space<hbm>> -> memref<1x16x768xf32, #tpu.memory_space<hbm>>
    %dma_wait3A_222 = tpu.memref_squeeze %dma_wait3A_221 : memref<1x16x768xf32, #tpu.memory_space<hbm>> -> memref<16x768xf32, #tpu.memory_space<hbm>>
    %dma_wait3A_223 = arith.constant 0 : i32
    %dma_wait3A_224 = tpu.memref_slice %arg4[%dma_wait3A_216, %add3A_150, %dma_wait3A_223] : memref<20x1024x768xf32, #tpu.memory_space<hbm>> -> memref<1x16x768xf32, #tpu.memory_space<hbm>>
    %dma_wait3A_225 = tpu.memref_squeeze %dma_wait3A_224 : memref<1x16x768xf32, #tpu.memory_space<hbm>> -> memref<16x768xf32, #tpu.memory_space<hbm>>
    %dma_wait3A_226 = arith.constant 0 : i32
    %dma_wait3A_227 = arith.constant 768 : i32
    %dma_wait3A_228 = tpu.memref_slice %arg7[%dma_wait3A_226, %dma_wait3A_227] : memref<16x3072xf32, #tpu.memory_space<vmem>> -> memref<16x768xf32, #tpu.memory_space<vmem>>
    tpu.wait_dma2 semaphore(%arg11 : memref<!tpu.dma_semaphore, #tpu.memory_space<semaphore_mem>>) src(%dma_wait3A_228 : memref<16x768xf32, #tpu.memory_space<vmem>>) dst(%dma_wait3A_225 : memref<16x768xf32, #tpu.memory_space<hbm>>)
    %dma_wait3A_229 = arith.constant 2 : i32
    %dma_wait3A_230 = arith.constant 0 : i32
    %dma_wait3A_231 = arith.constant 1536 : i32
    %dma_wait3A_232 = tpu.memref_slice %arg7[%dma_wait3A_230, %dma_wait3A_231] : memref<16x3072xf32, #tpu.memory_space<vmem>> -> memref<16x768xf32, #tpu.memory_space<vmem>>
    %dma_wait3A_233 = arith.constant 0 : i32
    %dma_wait3A_234 = tpu.memref_slice %arg4[%dma_wait3A_229, %add3A_150, %dma_wait3A_233] : memref<20x1024x768xf32, #tpu.memory_space<hbm>> -> memref<1x16x768xf32, #tpu.memory_space<hbm>>
    %dma_wait3A_235 = tpu.memref_squeeze %dma_wait3A_234 : memref<1x16x768xf32, #tpu.memory_space<hbm>> -> memref<16x768xf32, #tpu.memory_space<hbm>>
    %dma_wait3A_236 = arith.constant 0 : i32
    %dma_wait3A_237 = tpu.memref_slice %arg4[%dma_wait3A_229, %add3A_150, %dma_wait3A_236] : memref<20x1024x768xf32, #tpu.memory_space<hbm>> -> memref<1x16x768xf32, #tpu.memory_space<hbm>>
    %dma_wait3A_238 = tpu.memref_squeeze %dma_wait3A_237 : memref<1x16x768xf32, #tpu.memory_space<hbm>> -> memref<16x768xf32, #tpu.memory_space<hbm>>
    %dma_wait3A_239 = arith.constant 0 : i32
    %dma_wait3A_240 = arith.constant 1536 : i32
    %dma_wait3A_241 = tpu.memref_slice %arg7[%dma_wait3A_239, %dma_wait3A_240] : memref<16x3072xf32, #tpu.memory_space<vmem>> -> memref<16x768xf32, #tpu.memory_space<vmem>>
    tpu.wait_dma2 semaphore(%arg11 : memref<!tpu.dma_semaphore, #tpu.memory_space<semaphore_mem>>) src(%dma_wait3A_241 : memref<16x768xf32, #tpu.memory_space<vmem>>) dst(%dma_wait3A_238 : memref<16x768xf32, #tpu.memory_space<hbm>>)
    %dma_wait3A_242 = arith.constant 3 : i32
    %dma_wait3A_243 = arith.constant 0 : i32
    %dma_wait3A_244 = arith.constant 2304 : i32
    %dma_wait3A_245 = tpu.memref_slice %arg7[%dma_wait3A_243, %dma_wait3A_244] : memref<16x3072xf32, #tpu.memory_space<vmem>> -> memref<16x768xf32, #tpu.memory_space<vmem>>
    %dma_wait3A_246 = arith.constant 0 : i32
    %dma_wait3A_247 = tpu.memref_slice %arg4[%dma_wait3A_242, %add3A_150, %dma_wait3A_246] : memref<20x1024x768xf32, #tpu.memory_space<hbm>> -> memref<1x16x768xf32, #tpu.memory_space<hbm>>
    %dma_wait3A_248 = tpu.memref_squeeze %dma_wait3A_247 : memref<1x16x768xf32, #tpu.memory_space<hbm>> -> memref<16x768xf32, #tpu.memory_space<hbm>>
    %dma_wait3A_249 = arith.constant 0 : i32
    %dma_wait3A_250 = tpu.memref_slice %arg4[%dma_wait3A_242, %add3A_150, %dma_wait3A_249] : memref<20x1024x768xf32, #tpu.memory_space<hbm>> -> memref<1x16x768xf32, #tpu.memory_space<hbm>>
    %dma_wait3A_251 = tpu.memref_squeeze %dma_wait3A_250 : memref<1x16x768xf32, #tpu.memory_space<hbm>> -> memref<16x768xf32, #tpu.memory_space<hbm>>
    %dma_wait3A_252 = arith.constant 0 : i32
    %dma_wait3A_253 = arith.constant 2304 : i32
    %dma_wait3A_254 = tpu.memref_slice %arg7[%dma_wait3A_252, %dma_wait3A_253] : memref<16x3072xf32, #tpu.memory_space<vmem>> -> memref<16x768xf32, #tpu.memory_space<vmem>>
    tpu.wait_dma2 semaphore(%arg11 : memref<!tpu.dma_semaphore, #tpu.memory_space<semaphore_mem>>) src(%dma_wait3A_254 : memref<16x768xf32, #tpu.memory_space<vmem>>) dst(%dma_wait3A_251 : memref<16x768xf32, #tpu.memory_space<hbm>>)
    %dma_start3A_255 = arith.constant 1 : i32
    %dma_start3A_256 = arith.constant 1 : i32
    %dma_start3A_257 = arith.constant 0 : i32
    %dma_start3A_258 = tpu.memref_slice %arg5[%dma_start3A_255, %dma_start3A_256, %dma_start3A_257] : memref<5x2x16xi32, #tpu.memory_space<vmem>> -> memref<1x1x16xi32, #tpu.memory_space<vmem>>
    %dma_start3A_259 = tpu.memref_squeeze %dma_start3A_258 : memref<1x1x16xi32, #tpu.memory_space<vmem>> -> memref<16xi32, #tpu.memory_space<vmem>>
    %dma_start3A_260 = arith.constant 0 : i32
    %dma_start3A_261 = arith.constant 0 : i32
    %dma_start3A_262 = tpu.memref_slice %arg2[%dma_start3A_260, %dma_start3A_261] : memref<30x3072xf32, #tpu.memory_space<hbm>> -> memref<30x3072xf32, #tpu.memory_space<hbm>>
    tpu.enqueue_indirect_dma source(%dma_start3A_262 : memref<30x3072xf32, #tpu.memory_space<hbm>>) target(%arg7 : memref<16x3072xf32, #tpu.memory_space<vmem>>) offsets(%dma_start3A_259 : memref<16xi32, #tpu.memory_space<vmem>>) semaphore(%arg9 : memref<!tpu.dma_semaphore, #tpu.memory_space<semaphore_mem>>)
    %dma_wait3A_263 = arith.constant 1 : i32
    %dma_wait3A_264 = arith.constant 0 : i32
    %dma_wait3A_265 = arith.constant 0 : i32
    %dma_wait3A_266 = tpu.memref_slice %arg5[%dma_wait3A_263, %dma_wait3A_264, %dma_wait3A_265] : memref<5x2x16xi32, #tpu.memory_space<vmem>> -> memref<1x1x16xi32, #tpu.memory_space<vmem>>
    %dma_wait3A_267 = tpu.memref_squeeze %dma_wait3A_266 : memref<1x1x16xi32, #tpu.memory_space<vmem>> -> memref<16xi32, #tpu.memory_space<vmem>>
    %dma_wait3A_268 = arith.constant 0 : i32
    %dma_wait3A_269 = arith.constant 0 : i32
    %dma_wait3A_270 = tpu.memref_slice %arg2[%dma_wait3A_268, %dma_wait3A_269] : memref<30x3072xf32, #tpu.memory_space<hbm>> -> memref<30x3072xf32, #tpu.memory_space<hbm>>
    tpu.wait_indirect_dma semaphore(%arg8 : memref<!tpu.dma_semaphore, #tpu.memory_space<semaphore_mem>>) src(%dma_wait3A_270 : memref<30x3072xf32, #tpu.memory_space<hbm>>) dst(%arg6 : memref<16x3072xf32, #tpu.memory_space<vmem>>)
    %add3A_271 = arith.constant 0 : i32
    %add3A_272 = arith.addi %mul3A_2, %add3A_271 : i32
    %dma_start3A_273 = arith.constant 4 : i32
    %dma_start3A_274 = arith.constant 0 : i32
    %dma_start3A_275 = arith.constant 0 : i32
    %dma_start3A_276 = tpu.memref_slice %arg6[%dma_start3A_274, %dma_start3A_275] : memref<16x3072xf32, #tpu.memory_space<vmem>> -> memref<16x768xf32, #tpu.memory_space<vmem>>
    %dma_start3A_277 = arith.constant 0 : i32
    %dma_start3A_278 = tpu.memref_slice %arg4[%dma_start3A_273, %add3A_272, %dma_start3A_277] : memref<20x1024x768xf32, #tpu.memory_space<hbm>> -> memref<1x16x768xf32, #tpu.memory_space<hbm>>
    %dma_start3A_279 = tpu.memref_squeeze %dma_start3A_278 : memref<1x16x768xf32, #tpu.memory_space<hbm>> -> memref<16x768xf32, #tpu.memory_space<hbm>>
    %dma_start3A_280 = arith.constant 0 : i32
    %dma_start3A_281 = tpu.memref_slice %arg4[%dma_start3A_273, %add3A_272, %dma_start3A_280] : memref<20x1024x768xf32, #tpu.memory_space<hbm>> -> memref<1x16x768xf32, #tpu.memory_space<hbm>>
    %dma_start3A_282 = tpu.memref_squeeze %dma_start3A_281 : memref<1x16x768xf32, #tpu.memory_space<hbm>> -> memref<16x768xf32, #tpu.memory_space<hbm>>
    %dma_start3A_283 = arith.constant 0 : i32
    %dma_start3A_284 = arith.constant 0 : i32
    %dma_start3A_285 = tpu.memref_slice %arg6[%dma_start3A_283, %dma_start3A_284] : memref<16x3072xf32, #tpu.memory_space<vmem>> -> memref<16x768xf32, #tpu.memory_space<vmem>>
    tpu.enqueue_dma source(%dma_start3A_285 : memref<16x768xf32, #tpu.memory_space<vmem>>) target(%dma_start3A_282 : memref<16x768xf32, #tpu.memory_space<hbm>>) target_semaphore(%arg10 : memref<!tpu.dma_semaphore, #tpu.memory_space<semaphore_mem>>)
    %dma_start3A_286 = arith.constant 5 : i32
    %dma_start3A_287 = arith.constant 0 : i32
    %dma_start3A_288 = arith.constant 768 : i32
    %dma_start3A_289 = tpu.memref_slice %arg6[%dma_start3A_287, %dma_start3A_288] : memref<16x3072xf32, #tpu.memory_space<vmem>> -> memref<16x768xf32, #tpu.memory_space<vmem>>
    %dma_start3A_290 = arith.constant 0 : i32
    %dma_start3A_291 = tpu.memref_slice %arg4[%dma_start3A_286, %add3A_272, %dma_start3A_290] : memref<20x1024x768xf32, #tpu.memory_space<hbm>> -> memref<1x16x768xf32, #tpu.memory_space<hbm>>
    %dma_start3A_292 = tpu.memref_squeeze %dma_start3A_291 : memref<1x16x768xf32, #tpu.memory_space<hbm>> -> memref<16x768xf32, #tpu.memory_space<hbm>>
    %dma_start3A_293 = arith.constant 0 : i32
    %dma_start3A_294 = tpu.memref_slice %arg4[%dma_start3A_286, %add3A_272, %dma_start3A_293] : memref<20x1024x768xf32, #tpu.memory_space<hbm>> -> memref<1x16x768xf32, #tpu.memory_space<hbm>>
    %dma_start3A_295 = tpu.memref_squeeze %dma_start3A_294 : memref<1x16x768xf32, #tpu.memory_space<hbm>> -> memref<16x768xf32, #tpu.memory_space<hbm>>
    %dma_start3A_296 = arith.constant 0 : i32
    %dma_start3A_297 = arith.constant 768 : i32
    %dma_start3A_298 = tpu.memref_slice %arg6[%dma_start3A_296, %dma_start3A_297] : memref<16x3072xf32, #tpu.memory_space<vmem>> -> memref<16x768xf32, #tpu.memory_space<vmem>>
    tpu.enqueue_dma source(%dma_start3A_298 : memref<16x768xf32, #tpu.memory_space<vmem>>) target(%dma_start3A_295 : memref<16x768xf32, #tpu.memory_space<hbm>>) target_semaphore(%arg10 : memref<!tpu.dma_semaphore, #tpu.memory_space<semaphore_mem>>)
    %dma_start3A_299 = arith.constant 6 : i32
    %dma_start3A_300 = arith.constant 0 : i32
    %dma_start3A_301 = arith.constant 1536 : i32
    %dma_start3A_302 = tpu.memref_slice %arg6[%dma_start3A_300, %dma_start3A_301] : memref<16x3072xf32, #tpu.memory_space<vmem>> -> memref<16x768xf32, #tpu.memory_space<vmem>>
    %dma_start3A_303 = arith.constant 0 : i32
    %dma_start3A_304 = tpu.memref_slice %arg4[%dma_start3A_299, %add3A_272, %dma_start3A_303] : memref<20x1024x768xf32, #tpu.memory_space<hbm>> -> memref<1x16x768xf32, #tpu.memory_space<hbm>>
    %dma_start3A_305 = tpu.memref_squeeze %dma_start3A_304 : memref<1x16x768xf32, #tpu.memory_space<hbm>> -> memref<16x768xf32, #tpu.memory_space<hbm>>
    %dma_start3A_306 = arith.constant 0 : i32
    %dma_start3A_307 = tpu.memref_slice %arg4[%dma_start3A_299, %add3A_272, %dma_start3A_306] : memref<20x1024x768xf32, #tpu.memory_space<hbm>> -> memref<1x16x768xf32, #tpu.memory_space<hbm>>
    %dma_start3A_308 = tpu.memref_squeeze %dma_start3A_307 : memref<1x16x768xf32, #tpu.memory_space<hbm>> -> memref<16x768xf32, #tpu.memory_space<hbm>>
    %dma_start3A_309 = arith.constant 0 : i32
    %dma_start3A_310 = arith.constant 1536 : i32
    %dma_start3A_311 = tpu.memref_slice %arg6[%dma_start3A_309, %dma_start3A_310] : memref<16x3072xf32, #tpu.memory_space<vmem>> -> memref<16x768xf32, #tpu.memory_space<vmem>>
    tpu.enqueue_dma source(%dma_start3A_311 : memref<16x768xf32, #tpu.memory_space<vmem>>) target(%dma_start3A_308 : memref<16x768xf32, #tpu.memory_space<hbm>>) target_semaphore(%arg10 : memref<!tpu.dma_semaphore, #tpu.memory_space<semaphore_mem>>)
    %dma_start3A_312 = arith.constant 7 : i32
    %dma_start3A_313 = arith.constant 0 : i32
    %dma_start3A_314 = arith.constant 2304 : i32
    %dma_start3A_315 = tpu.memref_slice %arg6[%dma_start3A_313, %dma_start3A_314] : memref<16x3072xf32, #tpu.memory_space<vmem>> -> memref<16x768xf32, #tpu.memory_space<vmem>>
    %dma_start3A_316 = arith.constant 0 : i32
    %dma_start3A_317 = tpu.memref_slice %arg4[%dma_start3A_312, %add3A_272, %dma_start3A_316] : memref<20x1024x768xf32, #tpu.memory_space<hbm>> -> memref<1x16x768xf32, #tpu.memory_space<hbm>>
    %dma_start3A_318 = tpu.memref_squeeze %dma_start3A_317 : memref<1x16x768xf32, #tpu.memory_space<hbm>> -> memref<16x768xf32, #tpu.memory_space<hbm>>
    %dma_start3A_319 = arith.constant 0 : i32
    %dma_start3A_320 = tpu.memref_slice %arg4[%dma_start3A_312, %add3A_272, %dma_start3A_319] : memref<20x1024x768xf32, #tpu.memory_space<hbm>> -> memref<1x16x768xf32, #tpu.memory_space<hbm>>
    %dma_start3A_321 = tpu.memref_squeeze %dma_start3A_320 : memref<1x16x768xf32, #tpu.memory_space<hbm>> -> memref<16x768xf32, #tpu.memory_space<hbm>>
    %dma_start3A_322 = arith.constant 0 : i32
    %dma_start3A_323 = arith.constant 2304 : i32
    %dma_start3A_324 = tpu.memref_slice %arg6[%dma_start3A_322, %dma_start3A_323] : memref<16x3072xf32, #tpu.memory_space<vmem>> -> memref<16x768xf32, #tpu.memory_space<vmem>>
    tpu.enqueue_dma source(%dma_start3A_324 : memref<16x768xf32, #tpu.memory_space<vmem>>) target(%dma_start3A_321 : memref<16x768xf32, #tpu.memory_space<hbm>>) target_semaphore(%arg10 : memref<!tpu.dma_semaphore, #tpu.memory_space<semaphore_mem>>)
    %dma_wait3A_325 = arith.constant 4 : i32
    %dma_wait3A_326 = arith.constant 0 : i32
    %dma_wait3A_327 = arith.constant 0 : i32
    %dma_wait3A_328 = tpu.memref_slice %arg6[%dma_wait3A_326, %dma_wait3A_327] : memref<16x3072xf32, #tpu.memory_space<vmem>> -> memref<16x768xf32, #tpu.memory_space<vmem>>
    %dma_wait3A_329 = arith.constant 0 : i32
    %dma_wait3A_330 = tpu.memref_slice %arg4[%dma_wait3A_325, %add3A_272, %dma_wait3A_329] : memref<20x1024x768xf32, #tpu.memory_space<hbm>> -> memref<1x16x768xf32, #tpu.memory_space<hbm>>
    %dma_wait3A_331 = tpu.memref_squeeze %dma_wait3A_330 : memref<1x16x768xf32, #tpu.memory_space<hbm>> -> memref<16x768xf32, #tpu.memory_space<hbm>>
    %dma_wait3A_332 = arith.constant 0 : i32
    %dma_wait3A_333 = tpu.memref_slice %arg4[%dma_wait3A_325, %add3A_272, %dma_wait3A_332] : memref<20x1024x768xf32, #tpu.memory_space<hbm>> -> memref<1x16x768xf32, #tpu.memory_space<hbm>>
    %dma_wait3A_334 = tpu.memref_squeeze %dma_wait3A_333 : memref<1x16x768xf32, #tpu.memory_space<hbm>> -> memref<16x768xf32, #tpu.memory_space<hbm>>
    %dma_wait3A_335 = arith.constant 0 : i32
    %dma_wait3A_336 = arith.constant 0 : i32
    %dma_wait3A_337 = tpu.memref_slice %arg6[%dma_wait3A_335, %dma_wait3A_336] : memref<16x3072xf32, #tpu.memory_space<vmem>> -> memref<16x768xf32, #tpu.memory_space<vmem>>
    tpu.wait_dma2 semaphore(%arg10 : memref<!tpu.dma_semaphore, #tpu.memory_space<semaphore_mem>>) src(%dma_wait3A_337 : memref<16x768xf32, #tpu.memory_space<vmem>>) dst(%dma_wait3A_334 : memref<16x768xf32, #tpu.memory_space<hbm>>)
    %dma_wait3A_338 = arith.constant 5 : i32
    %dma_wait3A_339 = arith.constant 0 : i32
    %dma_wait3A_340 = arith.constant 768 : i32
    %dma_wait3A_341 = tpu.memref_slice %arg6[%dma_wait3A_339, %dma_wait3A_340] : memref<16x3072xf32, #tpu.memory_space<vmem>> -> memref<16x768xf32, #tpu.memory_space<vmem>>
    %dma_wait3A_342 = arith.constant 0 : i32
    %dma_wait3A_343 = tpu.memref_slice %arg4[%dma_wait3A_338, %add3A_272, %dma_wait3A_342] : memref<20x1024x768xf32, #tpu.memory_space<hbm>> -> memref<1x16x768xf32, #tpu.memory_space<hbm>>
    %dma_wait3A_344 = tpu.memref_squeeze %dma_wait3A_343 : memref<1x16x768xf32, #tpu.memory_space<hbm>> -> memref<16x768xf32, #tpu.memory_space<hbm>>
    %dma_wait3A_345 = arith.constant 0 : i32
    %dma_wait3A_346 = tpu.memref_slice %arg4[%dma_wait3A_338, %add3A_272, %dma_wait3A_345] : memref<20x1024x768xf32, #tpu.memory_space<hbm>> -> memref<1x16x768xf32, #tpu.memory_space<hbm>>
    %dma_wait3A_347 = tpu.memref_squeeze %dma_wait3A_346 : memref<1x16x768xf32, #tpu.memory_space<hbm>> -> memref<16x768xf32, #tpu.memory_space<hbm>>
    %dma_wait3A_348 = arith.constant 0 : i32
    %dma_wait3A_349 = arith.constant 768 : i32
    %dma_wait3A_350 = tpu.memref_slice %arg6[%dma_wait3A_348, %dma_wait3A_349] : memref<16x3072xf32, #tpu.memory_space<vmem>> -> memref<16x768xf32, #tpu.memory_space<vmem>>
    tpu.wait_dma2 semaphore(%arg10 : memref<!tpu.dma_semaphore, #tpu.memory_space<semaphore_mem>>) src(%dma_wait3A_350 : memref<16x768xf32, #tpu.memory_space<vmem>>) dst(%dma_wait3A_347 : memref<16x768xf32, #tpu.memory_space<hbm>>)
    %dma_wait3A_351 = arith.constant 6 : i32
    %dma_wait3A_352 = arith.constant 0 : i32
    %dma_wait3A_353 = arith.constant 1536 : i32
    %dma_wait3A_354 = tpu.memref_slice %arg6[%dma_wait3A_352, %dma_wait3A_353] : memref<16x3072xf32, #tpu.memory_space<vmem>> -> memref<16x768xf32, #tpu.memory_space<vmem>>
    %dma_wait3A_355 = arith.constant 0 : i32
    %dma_wait3A_356 = tpu.memref_slice %arg4[%dma_wait3A_351, %add3A_272, %dma_wait3A_355] : memref<20x1024x768xf32, #tpu.memory_space<hbm>> -> memref<1x16x768xf32, #tpu.memory_space<hbm>>
    %dma_wait3A_357 = tpu.memref_squeeze %dma_wait3A_356 : memref<1x16x768xf32, #tpu.memory_space<hbm>> -> memref<16x768xf32, #tpu.memory_space<hbm>>
    %dma_wait3A_358 = arith.constant 0 : i32
    %dma_wait3A_359 = tpu.memref_slice %arg4[%dma_wait3A_351, %add3A_272, %dma_wait3A_358] : memref<20x1024x768xf32, #tpu.memory_space<hbm>> -> memref<1x16x768xf32, #tpu.memory_space<hbm>>
    %dma_wait3A_360 = tpu.memref_squeeze %dma_wait3A_359 : memref<1x16x768xf32, #tpu.memory_space<hbm>> -> memref<16x768xf32, #tpu.memory_space<hbm>>
    %dma_wait3A_361 = arith.constant 0 : i32
    %dma_wait3A_362 = arith.constant 1536 : i32
    %dma_wait3A_363 = tpu.memref_slice %arg6[%dma_wait3A_361, %dma_wait3A_362] : memref<16x3072xf32, #tpu.memory_space<vmem>> -> memref<16x768xf32, #tpu.memory_space<vmem>>
    tpu.wait_dma2 semaphore(%arg10 : memref<!tpu.dma_semaphore, #tpu.memory_space<semaphore_mem>>) src(%dma_wait3A_363 : memref<16x768xf32, #tpu.memory_space<vmem>>) dst(%dma_wait3A_360 : memref<16x768xf32, #tpu.memory_space<hbm>>)
    %dma_wait3A_364 = arith.constant 7 : i32
    %dma_wait3A_365 = arith.constant 0 : i32
    %dma_wait3A_366 = arith.constant 2304 : i32
    %dma_wait3A_367 = tpu.memref_slice %arg6[%dma_wait3A_365, %dma_wait3A_366] : memref<16x3072xf32, #tpu.memory_space<vmem>> -> memref<16x768xf32, #tpu.memory_space<vmem>>
    %dma_wait3A_368 = arith.constant 0 : i32
    %dma_wait3A_369 = tpu.memref_slice %arg4[%dma_wait3A_364, %add3A_272, %dma_wait3A_368] : memref<20x1024x768xf32, #tpu.memory_space<hbm>> -> memref<1x16x768xf32, #tpu.memory_space<hbm>>
    %dma_wait3A_370 = tpu.memref_squeeze %dma_wait3A_369 : memref<1x16x768xf32, #tpu.memory_space<hbm>> -> memref<16x768xf32, #tpu.memory_space<hbm>>
    %dma_wait3A_371 = arith.constant 0 : i32
    %dma_wait3A_372 = tpu.memref_slice %arg4[%dma_wait3A_364, %add3A_272, %dma_wait3A_371] : memref<20x1024x768xf32, #tpu.memory_space<hbm>> -> memref<1x16x768xf32, #tpu.memory_space<hbm>>
    %dma_wait3A_373 = tpu.memref_squeeze %dma_wait3A_372 : memref<1x16x768xf32, #tpu.memory_space<hbm>> -> memref<16x768xf32, #tpu.memory_space<hbm>>
    %dma_wait3A_374 = arith.constant 0 : i32
    %dma_wait3A_375 = arith.constant 2304 : i32
    %dma_wait3A_376 = tpu.memref_slice %arg6[%dma_wait3A_374, %dma_wait3A_375] : memref<16x3072xf32, #tpu.memory_space<vmem>> -> memref<16x768xf32, #tpu.memory_space<vmem>>
    tpu.wait_dma2 semaphore(%arg10 : memref<!tpu.dma_semaphore, #tpu.memory_space<semaphore_mem>>) src(%dma_wait3A_376 : memref<16x768xf32, #tpu.memory_space<vmem>>) dst(%dma_wait3A_373 : memref<16x768xf32, #tpu.memory_space<hbm>>)
    %dma_start3A_377 = arith.constant 2 : i32
    %dma_start3A_378 = arith.constant 0 : i32
    %dma_start3A_379 = arith.constant 0 : i32
    %dma_start3A_380 = tpu.memref_slice %arg5[%dma_start3A_377, %dma_start3A_378, %dma_start3A_379] : memref<5x2x16xi32, #tpu.memory_space<vmem>> -> memref<1x1x16xi32, #tpu.memory_space<vmem>>
    %dma_start3A_381 = tpu.memref_squeeze %dma_start3A_380 : memref<1x1x16xi32, #tpu.memory_space<vmem>> -> memref<16xi32, #tpu.memory_space<vmem>>
    %dma_start3A_382 = arith.constant 0 : i32
    %dma_start3A_383 = arith.constant 0 : i32
    %dma_start3A_384 = tpu.memref_slice %arg2[%dma_start3A_382, %dma_start3A_383] : memref<30x3072xf32, #tpu.memory_space<hbm>> -> memref<30x3072xf32, #tpu.memory_space<hbm>>
    tpu.enqueue_indirect_dma source(%dma_start3A_384 : memref<30x3072xf32, #tpu.memory_space<hbm>>) target(%arg6 : memref<16x3072xf32, #tpu.memory_space<vmem>>) offsets(%dma_start3A_381 : memref<16xi32, #tpu.memory_space<vmem>>) semaphore(%arg8 : memref<!tpu.dma_semaphore, #tpu.memory_space<semaphore_mem>>)
    %dma_wait3A_385 = arith.constant 1 : i32
    %dma_wait3A_386 = arith.constant 1 : i32
    %dma_wait3A_387 = arith.constant 0 : i32
    %dma_wait3A_388 = tpu.memref_slice %arg5[%dma_wait3A_385, %dma_wait3A_386, %dma_wait3A_387] : memref<5x2x16xi32, #tpu.memory_space<vmem>> -> memref<1x1x16xi32, #tpu.memory_space<vmem>>
    %dma_wait3A_389 = tpu.memref_squeeze %dma_wait3A_388 : memref<1x1x16xi32, #tpu.memory_space<vmem>> -> memref<16xi32, #tpu.memory_space<vmem>>
    %dma_wait3A_390 = arith.constant 0 : i32
    %dma_wait3A_391 = arith.constant 0 : i32
    %dma_wait3A_392 = tpu.memref_slice %arg2[%dma_wait3A_390, %dma_wait3A_391] : memref<30x3072xf32, #tpu.memory_space<hbm>> -> memref<30x3072xf32, #tpu.memory_space<hbm>>
    tpu.wait_indirect_dma semaphore(%arg9 : memref<!tpu.dma_semaphore, #tpu.memory_space<semaphore_mem>>) src(%dma_wait3A_392 : memref<30x3072xf32, #tpu.memory_space<hbm>>) dst(%arg7 : memref<16x3072xf32, #tpu.memory_space<vmem>>)
    %add3A_393 = arith.constant 16 : i32
    %add3A_394 = arith.addi %mul3A_2, %add3A_393 : i32
    %dma_start3A_395 = arith.constant 4 : i32
    %dma_start3A_396 = arith.constant 0 : i32
    %dma_start3A_397 = arith.constant 0 : i32
    %dma_start3A_398 = tpu.memref_slice %arg7[%dma_start3A_396, %dma_start3A_397] : memref<16x3072xf32, #tpu.memory_space<vmem>> -> memref<16x768xf32, #tpu.memory_space<vmem>>
    %dma_start3A_399 = arith.constant 0 : i32
    %dma_start3A_400 = tpu.memref_slice %arg4[%dma_start3A_395, %add3A_394, %dma_start3A_399] : memref<20x1024x768xf32, #tpu.memory_space<hbm>> -> memref<1x16x768xf32, #tpu.memory_space<hbm>>
    %dma_start3A_401 = tpu.memref_squeeze %dma_start3A_400 : memref<1x16x768xf32, #tpu.memory_space<hbm>> -> memref<16x768xf32, #tpu.memory_space<hbm>>
    %dma_start3A_402 = arith.constant 0 : i32
    %dma_start3A_403 = tpu.memref_slice %arg4[%dma_start3A_395, %add3A_394, %dma_start3A_402] : memref<20x1024x768xf32, #tpu.memory_space<hbm>> -> memref<1x16x768xf32, #tpu.memory_space<hbm>>
    %dma_start3A_404 = tpu.memref_squeeze %dma_start3A_403 : memref<1x16x768xf32, #tpu.memory_space<hbm>> -> memref<16x768xf32, #tpu.memory_space<hbm>>
    %dma_start3A_405 = arith.constant 0 : i32
    %dma_start3A_406 = arith.constant 0 : i32
    %dma_start3A_407 = tpu.memref_slice %arg7[%dma_start3A_405, %dma_start3A_406] : memref<16x3072xf32, #tpu.memory_space<vmem>> -> memref<16x768xf32, #tpu.memory_space<vmem>>
    tpu.enqueue_dma source(%dma_start3A_407 : memref<16x768xf32, #tpu.memory_space<vmem>>) target(%dma_start3A_404 : memref<16x768xf32, #tpu.memory_space<hbm>>) target_semaphore(%arg11 : memref<!tpu.dma_semaphore, #tpu.memory_space<semaphore_mem>>)
    %dma_start3A_408 = arith.constant 5 : i32
    %dma_start3A_409 = arith.constant 0 : i32
    %dma_start3A_410 = arith.constant 768 : i32
    %dma_start3A_411 = tpu.memref_slice %arg7[%dma_start3A_409, %dma_start3A_410] : memref<16x3072xf32, #tpu.memory_space<vmem>> -> memref<16x768xf32, #tpu.memory_space<vmem>>
    %dma_start3A_412 = arith.constant 0 : i32
    %dma_start3A_413 = tpu.memref_slice %arg4[%dma_start3A_408, %add3A_394, %dma_start3A_412] : memref<20x1024x768xf32, #tpu.memory_space<hbm>> -> memref<1x16x768xf32, #tpu.memory_space<hbm>>
    %dma_start3A_414 = tpu.memref_squeeze %dma_start3A_413 : memref<1x16x768xf32, #tpu.memory_space<hbm>> -> memref<16x768xf32, #tpu.memory_space<hbm>>
    %dma_start3A_415 = arith.constant 0 : i32
    %dma_start3A_416 = tpu.memref_slice %arg4[%dma_start3A_408, %add3A_394, %dma_start3A_415] : memref<20x1024x768xf32, #tpu.memory_space<hbm>> -> memref<1x16x768xf32, #tpu.memory_space<hbm>>
    %dma_start3A_417 = tpu.memref_squeeze %dma_start3A_416 : memref<1x16x768xf32, #tpu.memory_space<hbm>> -> memref<16x768xf32, #tpu.memory_space<hbm>>
    %dma_start3A_418 = arith.constant 0 : i32
    %dma_start3A_419 = arith.constant 768 : i32
    %dma_start3A_420 = tpu.memref_slice %arg7[%dma_start3A_418, %dma_start3A_419] : memref<16x3072xf32, #tpu.memory_space<vmem>> -> memref<16x768xf32, #tpu.memory_space<vmem>>
    tpu.enqueue_dma source(%dma_start3A_420 : memref<16x768xf32, #tpu.memory_space<vmem>>) target(%dma_start3A_417 : memref<16x768xf32, #tpu.memory_space<hbm>>) target_semaphore(%arg11 : memref<!tpu.dma_semaphore, #tpu.memory_space<semaphore_mem>>)
    %dma_start3A_421 = arith.constant 6 : i32
    %dma_start3A_422 = arith.constant 0 : i32
    %dma_start3A_423 = arith.constant 1536 : i32
    %dma_start3A_424 = tpu.memref_slice %arg7[%dma_start3A_422, %dma_start3A_423] : memref<16x3072xf32, #tpu.memory_space<vmem>> -> memref<16x768xf32, #tpu.memory_space<vmem>>
    %dma_start3A_425 = arith.constant 0 : i32
    %dma_start3A_426 = tpu.memref_slice %arg4[%dma_start3A_421, %add3A_394, %dma_start3A_425] : memref<20x1024x768xf32, #tpu.memory_space<hbm>> -> memref<1x16x768xf32, #tpu.memory_space<hbm>>
    %dma_start3A_427 = tpu.memref_squeeze %dma_start3A_426 : memref<1x16x768xf32, #tpu.memory_space<hbm>> -> memref<16x768xf32, #tpu.memory_space<hbm>>
    %dma_start3A_428 = arith.constant 0 : i32
    %dma_start3A_429 = tpu.memref_slice %arg4[%dma_start3A_421, %add3A_394, %dma_start3A_428] : memref<20x1024x768xf32, #tpu.memory_space<hbm>> -> memref<1x16x768xf32, #tpu.memory_space<hbm>>
    %dma_start3A_430 = tpu.memref_squeeze %dma_start3A_429 : memref<1x16x768xf32, #tpu.memory_space<hbm>> -> memref<16x768xf32, #tpu.memory_space<hbm>>
    %dma_start3A_431 = arith.constant 0 : i32
    %dma_start3A_432 = arith.constant 1536 : i32
    %dma_start3A_433 = tpu.memref_slice %arg7[%dma_start3A_431, %dma_start3A_432] : memref<16x3072xf32, #tpu.memory_space<vmem>> -> memref<16x768xf32, #tpu.memory_space<vmem>>
    tpu.enqueue_dma source(%dma_start3A_433 : memref<16x768xf32, #tpu.memory_space<vmem>>) target(%dma_start3A_430 : memref<16x768xf32, #tpu.memory_space<hbm>>) target_semaphore(%arg11 : memref<!tpu.dma_semaphore, #tpu.memory_space<semaphore_mem>>)
    %dma_start3A_434 = arith.constant 7 : i32
    %dma_start3A_435 = arith.constant 0 : i32
    %dma_start3A_436 = arith.constant 2304 : i32
    %dma_start3A_437 = tpu.memref_slice %arg7[%dma_start3A_435, %dma_start3A_436] : memref<16x3072xf32, #tpu.memory_space<vmem>> -> memref<16x768xf32, #tpu.memory_space<vmem>>
    %dma_start3A_438 = arith.constant 0 : i32
    %dma_start3A_439 = tpu.memref_slice %arg4[%dma_start3A_434, %add3A_394, %dma_start3A_438] : memref<20x1024x768xf32, #tpu.memory_space<hbm>> -> memref<1x16x768xf32, #tpu.memory_space<hbm>>
    %dma_start3A_440 = tpu.memref_squeeze %dma_start3A_439 : memref<1x16x768xf32, #tpu.memory_space<hbm>> -> memref<16x768xf32, #tpu.memory_space<hbm>>
    %dma_start3A_441 = arith.constant 0 : i32
    %dma_start3A_442 = tpu.memref_slice %arg4[%dma_start3A_434, %add3A_394, %dma_start3A_441] : memref<20x1024x768xf32, #tpu.memory_space<hbm>> -> memref<1x16x768xf32, #tpu.memory_space<hbm>>
    %dma_start3A_443 = tpu.memref_squeeze %dma_start3A_442 : memref<1x16x768xf32, #tpu.memory_space<hbm>> -> memref<16x768xf32, #tpu.memory_space<hbm>>
    %dma_start3A_444 = arith.constant 0 : i32
    %dma_start3A_445 = arith.constant 2304 : i32
    %dma_start3A_446 = tpu.memref_slice %arg7[%dma_start3A_444, %dma_start3A_445] : memref<16x3072xf32, #tpu.memory_space<vmem>> -> memref<16x768xf32, #tpu.memory_space<vmem>>
    tpu.enqueue_dma source(%dma_start3A_446 : memref<16x768xf32, #tpu.memory_space<vmem>>) target(%dma_start3A_443 : memref<16x768xf32, #tpu.memory_space<hbm>>) target_semaphore(%arg11 : memref<!tpu.dma_semaphore, #tpu.memory_space<semaphore_mem>>)
    %dma_wait3A_447 = arith.constant 4 : i32
    %dma_wait3A_448 = arith.constant 0 : i32
    %dma_wait3A_449 = arith.constant 0 : i32
    %dma_wait3A_450 = tpu.memref_slice %arg7[%dma_wait3A_448, %dma_wait3A_449] : memref<16x3072xf32, #tpu.memory_space<vmem>> -> memref<16x768xf32, #tpu.memory_space<vmem>>
    %dma_wait3A_451 = arith.constant 0 : i32
    %dma_wait3A_452 = tpu.memref_slice %arg4[%dma_wait3A_447, %add3A_394, %dma_wait3A_451] : memref<20x1024x768xf32, #tpu.memory_space<hbm>> -> memref<1x16x768xf32, #tpu.memory_space<hbm>>
    %dma_wait3A_453 = tpu.memref_squeeze %dma_wait3A_452 : memref<1x16x768xf32, #tpu.memory_space<hbm>> -> memref<16x768xf32, #tpu.memory_space<hbm>>
    %dma_wait3A_454 = arith.constant 0 : i32
    %dma_wait3A_455 = tpu.memref_slice %arg4[%dma_wait3A_447, %add3A_394, %dma_wait3A_454] : memref<20x1024x768xf32, #tpu.memory_space<hbm>> -> memref<1x16x768xf32, #tpu.memory_space<hbm>>
    %dma_wait3A_456 = tpu.memref_squeeze %dma_wait3A_455 : memref<1x16x768xf32, #tpu.memory_space<hbm>> -> memref<16x768xf32, #tpu.memory_space<hbm>>
    %dma_wait3A_457 = arith.constant 0 : i32
    %dma_wait3A_458 = arith.constant 0 : i32
    %dma_wait3A_459 = tpu.memref_slice %arg7[%dma_wait3A_457, %dma_wait3A_458] : memref<16x3072xf32, #tpu.memory_space<vmem>> -> memref<16x768xf32, #tpu.memory_space<vmem>>
    tpu.wait_dma2 semaphore(%arg11 : memref<!tpu.dma_semaphore, #tpu.memory_space<semaphore_mem>>) src(%dma_wait3A_459 : memref<16x768xf32, #tpu.memory_space<vmem>>) dst(%dma_wait3A_456 : memref<16x768xf32, #tpu.memory_space<hbm>>)
    %dma_wait3A_460 = arith.constant 5 : i32
    %dma_wait3A_461 = arith.constant 0 : i32
    %dma_wait3A_462 = arith.constant 768 : i32
    %dma_wait3A_463 = tpu.memref_slice %arg7[%dma_wait3A_461, %dma_wait3A_462] : memref<16x3072xf32, #tpu.memory_space<vmem>> -> memref<16x768xf32, #tpu.memory_space<vmem>>
    %dma_wait3A_464 = arith.constant 0 : i32
    %dma_wait3A_465 = tpu.memref_slice %arg4[%dma_wait3A_460, %add3A_394, %dma_wait3A_464] : memref<20x1024x768xf32, #tpu.memory_space<hbm>> -> memref<1x16x768xf32, #tpu.memory_space<hbm>>
    %dma_wait3A_466 = tpu.memref_squeeze %dma_wait3A_465 : memref<1x16x768xf32, #tpu.memory_space<hbm>> -> memref<16x768xf32, #tpu.memory_space<hbm>>
    %dma_wait3A_467 = arith.constant 0 : i32
    %dma_wait3A_468 = tpu.memref_slice %arg4[%dma_wait3A_460, %add3A_394, %dma_wait3A_467] : memref<20x1024x768xf32, #tpu.memory_space<hbm>> -> memref<1x16x768xf32, #tpu.memory_space<hbm>>
    %dma_wait3A_469 = tpu.memref_squeeze %dma_wait3A_468 : memref<1x16x768xf32, #tpu.memory_space<hbm>> -> memref<16x768xf32, #tpu.memory_space<hbm>>
    %dma_wait3A_470 = arith.constant 0 : i32
    %dma_wait3A_471 = arith.constant 768 : i32
    %dma_wait3A_472 = tpu.memref_slice %arg7[%dma_wait3A_470, %dma_wait3A_471] : memref<16x3072xf32, #tpu.memory_space<vmem>> -> memref<16x768xf32, #tpu.memory_space<vmem>>
    tpu.wait_dma2 semaphore(%arg11 : memref<!tpu.dma_semaphore, #tpu.memory_space<semaphore_mem>>) src(%dma_wait3A_472 : memref<16x768xf32, #tpu.memory_space<vmem>>) dst(%dma_wait3A_469 : memref<16x768xf32, #tpu.memory_space<hbm>>)
    %dma_wait3A_473 = arith.constant 6 : i32
    %dma_wait3A_474 = arith.constant 0 : i32
    %dma_wait3A_475 = arith.constant 1536 : i32
    %dma_wait3A_476 = tpu.memref_slice %arg7[%dma_wait3A_474, %dma_wait3A_475] : memref<16x3072xf32, #tpu.memory_space<vmem>> -> memref<16x768xf32, #tpu.memory_space<vmem>>
    %dma_wait3A_477 = arith.constant 0 : i32
    %dma_wait3A_478 = tpu.memref_slice %arg4[%dma_wait3A_473, %add3A_394, %dma_wait3A_477] : memref<20x1024x768xf32, #tpu.memory_space<hbm>> -> memref<1x16x768xf32, #tpu.memory_space<hbm>>
    %dma_wait3A_479 = tpu.memref_squeeze %dma_wait3A_478 : memref<1x16x768xf32, #tpu.memory_space<hbm>> -> memref<16x768xf32, #tpu.memory_space<hbm>>
    %dma_wait3A_480 = arith.constant 0 : i32
    %dma_wait3A_481 = tpu.memref_slice %arg4[%dma_wait3A_473, %add3A_394, %dma_wait3A_480] : memref<20x1024x768xf32, #tpu.memory_space<hbm>> -> memref<1x16x768xf32, #tpu.memory_space<hbm>>
    %dma_wait3A_482 = tpu.memref_squeeze %dma_wait3A_481 : memref<1x16x768xf32, #tpu.memory_space<hbm>> -> memref<16x768xf32, #tpu.memory_space<hbm>>
    %dma_wait3A_483 = arith.constant 0 : i32
    %dma_wait3A_484 = arith.constant 1536 : i32
    %dma_wait3A_485 = tpu.memref_slice %arg7[%dma_wait3A_483, %dma_wait3A_484] : memref<16x3072xf32, #tpu.memory_space<vmem>> -> memref<16x768xf32, #tpu.memory_space<vmem>>
    tpu.wait_dma2 semaphore(%arg11 : memref<!tpu.dma_semaphore, #tpu.memory_space<semaphore_mem>>) src(%dma_wait3A_485 : memref<16x768xf32, #tpu.memory_space<vmem>>) dst(%dma_wait3A_482 : memref<16x768xf32, #tpu.memory_space<hbm>>)
    %dma_wait3A_486 = arith.constant 7 : i32
    %dma_wait3A_487 = arith.constant 0 : i32
    %dma_wait3A_488 = arith.constant 2304 : i32
    %dma_wait3A_489 = tpu.memref_slice %arg7[%dma_wait3A_487, %dma_wait3A_488] : memref<16x3072xf32, #tpu.memory_space<vmem>> -> memref<16x768xf32, #tpu.memory_space<vmem>>
    %dma_wait3A_490 = arith.constant 0 : i32
    %dma_wait3A_491 = tpu.memref_slice %arg4[%dma_wait3A_486, %add3A_394, %dma_wait3A_490] : memref<20x1024x768xf32, #tpu.memory_space<hbm>> -> memref<1x16x768xf32, #tpu.memory_space<hbm>>
    %dma_wait3A_492 = tpu.memref_squeeze %dma_wait3A_491 : memref<1x16x768xf32, #tpu.memory_space<hbm>> -> memref<16x768xf32, #tpu.memory_space<hbm>>
    %dma_wait3A_493 = arith.constant 0 : i32
    %dma_wait3A_494 = tpu.memref_slice %arg4[%dma_wait3A_486, %add3A_394, %dma_wait3A_493] : memref<20x1024x768xf32, #tpu.memory_space<hbm>> -> memref<1x16x768xf32, #tpu.memory_space<hbm>>
    %dma_wait3A_495 = tpu.memref_squeeze %dma_wait3A_494 : memref<1x16x768xf32, #tpu.memory_space<hbm>> -> memref<16x768xf32, #tpu.memory_space<hbm>>
    %dma_wait3A_496 = arith.constant 0 : i32
    %dma_wait3A_497 = arith.constant 2304 : i32
    %dma_wait3A_498 = tpu.memref_slice %arg7[%dma_wait3A_496, %dma_wait3A_497] : memref<16x3072xf32, #tpu.memory_space<vmem>> -> memref<16x768xf32, #tpu.memory_space<vmem>>
    tpu.wait_dma2 semaphore(%arg11 : memref<!tpu.dma_semaphore, #tpu.memory_space<semaphore_mem>>) src(%dma_wait3A_498 : memref<16x768xf32, #tpu.memory_space<vmem>>) dst(%dma_wait3A_495 : memref<16x768xf32, #tpu.memory_space<hbm>>)
    %dma_start3A_499 = arith.constant 2 : i32
    %dma_start3A_500 = arith.constant 1 : i32
    %dma_start3A_501 = arith.constant 0 : i32
    %dma_start3A_502 = tpu.memref_slice %arg5[%dma_start3A_499, %dma_start3A_500, %dma_start3A_501] : memref<5x2x16xi32, #tpu.memory_space<vmem>> -> memref<1x1x16xi32, #tpu.memory_space<vmem>>
    %dma_start3A_503 = tpu.memref_squeeze %dma_start3A_502 : memref<1x1x16xi32, #tpu.memory_space<vmem>> -> memref<16xi32, #tpu.memory_space<vmem>>
    %dma_start3A_504 = arith.constant 0 : i32
    %dma_start3A_505 = arith.constant 0 : i32
    %dma_start3A_506 = tpu.memref_slice %arg2[%dma_start3A_504, %dma_start3A_505] : memref<30x3072xf32, #tpu.memory_space<hbm>> -> memref<30x3072xf32, #tpu.memory_space<hbm>>
    tpu.enqueue_indirect_dma source(%dma_start3A_506 : memref<30x3072xf32, #tpu.memory_space<hbm>>) target(%arg7 : memref<16x3072xf32, #tpu.memory_space<vmem>>) offsets(%dma_start3A_503 : memref<16xi32, #tpu.memory_space<vmem>>) semaphore(%arg9 : memref<!tpu.dma_semaphore, #tpu.memory_space<semaphore_mem>>)
    %dma_wait3A_507 = arith.constant 2 : i32
    %dma_wait3A_508 = arith.constant 0 : i32
    %dma_wait3A_509 = arith.constant 0 : i32
    %dma_wait3A_510 = tpu.memref_slice %arg5[%dma_wait3A_507, %dma_wait3A_508, %dma_wait3A_509] : memref<5x2x16xi32, #tpu.memory_space<vmem>> -> memref<1x1x16xi32, #tpu.memory_space<vmem>>
    %dma_wait3A_511 = tpu.memref_squeeze %dma_wait3A_510 : memref<1x1x16xi32, #tpu.memory_space<vmem>> -> memref<16xi32, #tpu.memory_space<vmem>>
    %dma_wait3A_512 = arith.constant 0 : i32
    %dma_wait3A_513 = arith.constant 0 : i32
    %dma_wait3A_514 = tpu.memref_slice %arg2[%dma_wait3A_512, %dma_wait3A_513] : memref<30x3072xf32, #tpu.memory_space<hbm>> -> memref<30x3072xf32, #tpu.memory_space<hbm>>
    tpu.wait_indirect_dma semaphore(%arg8 : memref<!tpu.dma_semaphore, #tpu.memory_space<semaphore_mem>>) src(%dma_wait3A_514 : memref<30x3072xf32, #tpu.memory_space<hbm>>) dst(%arg6 : memref<16x3072xf32, #tpu.memory_space<vmem>>)
    %add3A_515 = arith.constant 0 : i32
    %add3A_516 = arith.addi %mul3A_2, %add3A_515 : i32
    %dma_start3A_517 = arith.constant 8 : i32
    %dma_start3A_518 = arith.constant 0 : i32
    %dma_start3A_519 = arith.constant 0 : i32
    %dma_start3A_520 = tpu.memref_slice %arg6[%dma_start3A_518, %dma_start3A_519] : memref<16x3072xf32, #tpu.memory_space<vmem>> -> memref<16x768xf32, #tpu.memory_space<vmem>>
    %dma_start3A_521 = arith.constant 0 : i32
    %dma_start3A_522 = tpu.memref_slice %arg4[%dma_start3A_517, %add3A_516, %dma_start3A_521] : memref<20x1024x768xf32, #tpu.memory_space<hbm>> -> memref<1x16x768xf32, #tpu.memory_space<hbm>>
    %dma_start3A_523 = tpu.memref_squeeze %dma_start3A_522 : memref<1x16x768xf32, #tpu.memory_space<hbm>> -> memref<16x768xf32, #tpu.memory_space<hbm>>
    %dma_start3A_524 = arith.constant 0 : i32
    %dma_start3A_525 = tpu.memref_slice %arg4[%dma_start3A_517, %add3A_516, %dma_start3A_524] : memref<20x1024x768xf32, #tpu.memory_space<hbm>> -> memref<1x16x768xf32, #tpu.memory_space<hbm>>
    %dma_start3A_526 = tpu.memref_squeeze %dma_start3A_525 : memref<1x16x768xf32, #tpu.memory_space<hbm>> -> memref<16x768xf32, #tpu.memory_space<hbm>>
    %dma_start3A_527 = arith.constant 0 : i32
    %dma_start3A_528 = arith.constant 0 : i32
    %dma_start3A_529 = tpu.memref_slice %arg6[%dma_start3A_527, %dma_start3A_528] : memref<16x3072xf32, #tpu.memory_space<vmem>> -> memref<16x768xf32, #tpu.memory_space<vmem>>
    tpu.enqueue_dma source(%dma_start3A_529 : memref<16x768xf32, #tpu.memory_space<vmem>>) target(%dma_start3A_526 : memref<16x768xf32, #tpu.memory_space<hbm>>) target_semaphore(%arg10 : memref<!tpu.dma_semaphore, #tpu.memory_space<semaphore_mem>>)
    %dma_start3A_530 = arith.constant 9 : i32
    %dma_start3A_531 = arith.constant 0 : i32
    %dma_start3A_532 = arith.constant 768 : i32
    %dma_start3A_533 = tpu.memref_slice %arg6[%dma_start3A_531, %dma_start3A_532] : memref<16x3072xf32, #tpu.memory_space<vmem>> -> memref<16x768xf32, #tpu.memory_space<vmem>>
    %dma_start3A_534 = arith.constant 0 : i32
    %dma_start3A_535 = tpu.memref_slice %arg4[%dma_start3A_530, %add3A_516, %dma_start3A_534] : memref<20x1024x768xf32, #tpu.memory_space<hbm>> -> memref<1x16x768xf32, #tpu.memory_space<hbm>>
    %dma_start3A_536 = tpu.memref_squeeze %dma_start3A_535 : memref<1x16x768xf32, #tpu.memory_space<hbm>> -> memref<16x768xf32, #tpu.memory_space<hbm>>
    %dma_start3A_537 = arith.constant 0 : i32
    %dma_start3A_538 = tpu.memref_slice %arg4[%dma_start3A_530, %add3A_516, %dma_start3A_537] : memref<20x1024x768xf32, #tpu.memory_space<hbm>> -> memref<1x16x768xf32, #tpu.memory_space<hbm>>
    %dma_start3A_539 = tpu.memref_squeeze %dma_start3A_538 : memref<1x16x768xf32, #tpu.memory_space<hbm>> -> memref<16x768xf32, #tpu.memory_space<hbm>>
    %dma_start3A_540 = arith.constant 0 : i32
    %dma_start3A_541 = arith.constant 768 : i32
    %dma_start3A_542 = tpu.memref_slice %arg6[%dma_start3A_540, %dma_start3A_541] : memref<16x3072xf32, #tpu.memory_space<vmem>> -> memref<16x768xf32, #tpu.memory_space<vmem>>
    tpu.enqueue_dma source(%dma_start3A_542 : memref<16x768xf32, #tpu.memory_space<vmem>>) target(%dma_start3A_539 : memref<16x768xf32, #tpu.memory_space<hbm>>) target_semaphore(%arg10 : memref<!tpu.dma_semaphore, #tpu.memory_space<semaphore_mem>>)
    %dma_start3A_543 = arith.constant 10 : i32
    %dma_start3A_544 = arith.constant 0 : i32
    %dma_start3A_545 = arith.constant 1536 : i32
    %dma_start3A_546 = tpu.memref_slice %arg6[%dma_start3A_544, %dma_start3A_545] : memref<16x3072xf32, #tpu.memory_space<vmem>> -> memref<16x768xf32, #tpu.memory_space<vmem>>
    %dma_start3A_547 = arith.constant 0 : i32
    %dma_start3A_548 = tpu.memref_slice %arg4[%dma_start3A_543, %add3A_516, %dma_start3A_547] : memref<20x1024x768xf32, #tpu.memory_space<hbm>> -> memref<1x16x768xf32, #tpu.memory_space<hbm>>
    %dma_start3A_549 = tpu.memref_squeeze %dma_start3A_548 : memref<1x16x768xf32, #tpu.memory_space<hbm>> -> memref<16x768xf32, #tpu.memory_space<hbm>>
    %dma_start3A_550 = arith.constant 0 : i32
    %dma_start3A_551 = tpu.memref_slice %arg4[%dma_start3A_543, %add3A_516, %dma_start3A_550] : memref<20x1024x768xf32, #tpu.memory_space<hbm>> -> memref<1x16x768xf32, #tpu.memory_space<hbm>>
    %dma_start3A_552 = tpu.memref_squeeze %dma_start3A_551 : memref<1x16x768xf32, #tpu.memory_space<hbm>> -> memref<16x768xf32, #tpu.memory_space<hbm>>
    %dma_start3A_553 = arith.constant 0 : i32
    %dma_start3A_554 = arith.constant 1536 : i32
    %dma_start3A_555 = tpu.memref_slice %arg6[%dma_start3A_553, %dma_start3A_554] : memref<16x3072xf32, #tpu.memory_space<vmem>> -> memref<16x768xf32, #tpu.memory_space<vmem>>
    tpu.enqueue_dma source(%dma_start3A_555 : memref<16x768xf32, #tpu.memory_space<vmem>>) target(%dma_start3A_552 : memref<16x768xf32, #tpu.memory_space<hbm>>) target_semaphore(%arg10 : memref<!tpu.dma_semaphore, #tpu.memory_space<semaphore_mem>>)
    %dma_start3A_556 = arith.constant 11 : i32
    %dma_start3A_557 = arith.constant 0 : i32
    %dma_start3A_558 = arith.constant 2304 : i32
    %dma_start3A_559 = tpu.memref_slice %arg6[%dma_start3A_557, %dma_start3A_558] : memref<16x3072xf32, #tpu.memory_space<vmem>> -> memref<16x768xf32, #tpu.memory_space<vmem>>
    %dma_start3A_560 = arith.constant 0 : i32
    %dma_start3A_561 = tpu.memref_slice %arg4[%dma_start3A_556, %add3A_516, %dma_start3A_560] : memref<20x1024x768xf32, #tpu.memory_space<hbm>> -> memref<1x16x768xf32, #tpu.memory_space<hbm>>
    %dma_start3A_562 = tpu.memref_squeeze %dma_start3A_561 : memref<1x16x768xf32, #tpu.memory_space<hbm>> -> memref<16x768xf32, #tpu.memory_space<hbm>>
    %dma_start3A_563 = arith.constant 0 : i32
    %dma_start3A_564 = tpu.memref_slice %arg4[%dma_start3A_556, %add3A_516, %dma_start3A_563] : memref<20x1024x768xf32, #tpu.memory_space<hbm>> -> memref<1x16x768xf32, #tpu.memory_space<hbm>>
    %dma_start3A_565 = tpu.memref_squeeze %dma_start3A_564 : memref<1x16x768xf32, #tpu.memory_space<hbm>> -> memref<16x768xf32, #tpu.memory_space<hbm>>
    %dma_start3A_566 = arith.constant 0 : i32
    %dma_start3A_567 = arith.constant 2304 : i32
    %dma_start3A_568 = tpu.memref_slice %arg6[%dma_start3A_566, %dma_start3A_567] : memref<16x3072xf32, #tpu.memory_space<vmem>> -> memref<16x768xf32, #tpu.memory_space<vmem>>
    tpu.enqueue_dma source(%dma_start3A_568 : memref<16x768xf32, #tpu.memory_space<vmem>>) target(%dma_start3A_565 : memref<16x768xf32, #tpu.memory_space<hbm>>) target_semaphore(%arg10 : memref<!tpu.dma_semaphore, #tpu.memory_space<semaphore_mem>>)
    %dma_wait3A_569 = arith.constant 8 : i32
    %dma_wait3A_570 = arith.constant 0 : i32
    %dma_wait3A_571 = arith.constant 0 : i32
    %dma_wait3A_572 = tpu.memref_slice %arg6[%dma_wait3A_570, %dma_wait3A_571] : memref<16x3072xf32, #tpu.memory_space<vmem>> -> memref<16x768xf32, #tpu.memory_space<vmem>>
    %dma_wait3A_573 = arith.constant 0 : i32
    %dma_wait3A_574 = tpu.memref_slice %arg4[%dma_wait3A_569, %add3A_516, %dma_wait3A_573] : memref<20x1024x768xf32, #tpu.memory_space<hbm>> -> memref<1x16x768xf32, #tpu.memory_space<hbm>>
    %dma_wait3A_575 = tpu.memref_squeeze %dma_wait3A_574 : memref<1x16x768xf32, #tpu.memory_space<hbm>> -> memref<16x768xf32, #tpu.memory_space<hbm>>
    %dma_wait3A_576 = arith.constant 0 : i32
    %dma_wait3A_577 = tpu.memref_slice %arg4[%dma_wait3A_569, %add3A_516, %dma_wait3A_576] : memref<20x1024x768xf32, #tpu.memory_space<hbm>> -> memref<1x16x768xf32, #tpu.memory_space<hbm>>
    %dma_wait3A_578 = tpu.memref_squeeze %dma_wait3A_577 : memref<1x16x768xf32, #tpu.memory_space<hbm>> -> memref<16x768xf32, #tpu.memory_space<hbm>>
    %dma_wait3A_579 = arith.constant 0 : i32
    %dma_wait3A_580 = arith.constant 0 : i32
    %dma_wait3A_581 = tpu.memref_slice %arg6[%dma_wait3A_579, %dma_wait3A_580] : memref<16x3072xf32, #tpu.memory_space<vmem>> -> memref<16x768xf32, #tpu.memory_space<vmem>>
    tpu.wait_dma2 semaphore(%arg10 : memref<!tpu.dma_semaphore, #tpu.memory_space<semaphore_mem>>) src(%dma_wait3A_581 : memref<16x768xf32, #tpu.memory_space<vmem>>) dst(%dma_wait3A_578 : memref<16x768xf32, #tpu.memory_space<hbm>>)
    %dma_wait3A_582 = arith.constant 9 : i32
    %dma_wait3A_583 = arith.constant 0 : i32
    %dma_wait3A_584 = arith.constant 768 : i32
    %dma_wait3A_585 = tpu.memref_slice %arg6[%dma_wait3A_583, %dma_wait3A_584] : memref<16x3072xf32, #tpu.memory_space<vmem>> -> memref<16x768xf32, #tpu.memory_space<vmem>>
    %dma_wait3A_586 = arith.constant 0 : i32
    %dma_wait3A_587 = tpu.memref_slice %arg4[%dma_wait3A_582, %add3A_516, %dma_wait3A_586] : memref<20x1024x768xf32, #tpu.memory_space<hbm>> -> memref<1x16x768xf32, #tpu.memory_space<hbm>>
    %dma_wait3A_588 = tpu.memref_squeeze %dma_wait3A_587 : memref<1x16x768xf32, #tpu.memory_space<hbm>> -> memref<16x768xf32, #tpu.memory_space<hbm>>
    %dma_wait3A_589 = arith.constant 0 : i32
    %dma_wait3A_590 = tpu.memref_slice %arg4[%dma_wait3A_582, %add3A_516, %dma_wait3A_589] : memref<20x1024x768xf32, #tpu.memory_space<hbm>> -> memref<1x16x768xf32, #tpu.memory_space<hbm>>
    %dma_wait3A_591 = tpu.memref_squeeze %dma_wait3A_590 : memref<1x16x768xf32, #tpu.memory_space<hbm>> -> memref<16x768xf32, #tpu.memory_space<hbm>>
    %dma_wait3A_592 = arith.constant 0 : i32
    %dma_wait3A_593 = arith.constant 768 : i32
    %dma_wait3A_594 = tpu.memref_slice %arg6[%dma_wait3A_592, %dma_wait3A_593] : memref<16x3072xf32, #tpu.memory_space<vmem>> -> memref<16x768xf32, #tpu.memory_space<vmem>>
    tpu.wait_dma2 semaphore(%arg10 : memref<!tpu.dma_semaphore, #tpu.memory_space<semaphore_mem>>) src(%dma_wait3A_594 : memref<16x768xf32, #tpu.memory_space<vmem>>) dst(%dma_wait3A_591 : memref<16x768xf32, #tpu.memory_space<hbm>>)
    %dma_wait3A_595 = arith.constant 10 : i32
    %dma_wait3A_596 = arith.constant 0 : i32
    %dma_wait3A_597 = arith.constant 1536 : i32
    %dma_wait3A_598 = tpu.memref_slice %arg6[%dma_wait3A_596, %dma_wait3A_597] : memref<16x3072xf32, #tpu.memory_space<vmem>> -> memref<16x768xf32, #tpu.memory_space<vmem>>
    %dma_wait3A_599 = arith.constant 0 : i32
    %dma_wait3A_600 = tpu.memref_slice %arg4[%dma_wait3A_595, %add3A_516, %dma_wait3A_599] : memref<20x1024x768xf32, #tpu.memory_space<hbm>> -> memref<1x16x768xf32, #tpu.memory_space<hbm>>
    %dma_wait3A_601 = tpu.memref_squeeze %dma_wait3A_600 : memref<1x16x768xf32, #tpu.memory_space<hbm>> -> memref<16x768xf32, #tpu.memory_space<hbm>>
    %dma_wait3A_602 = arith.constant 0 : i32
    %dma_wait3A_603 = tpu.memref_slice %arg4[%dma_wait3A_595, %add3A_516, %dma_wait3A_602] : memref<20x1024x768xf32, #tpu.memory_space<hbm>> -> memref<1x16x768xf32, #tpu.memory_space<hbm>>
    %dma_wait3A_604 = tpu.memref_squeeze %dma_wait3A_603 : memref<1x16x768xf32, #tpu.memory_space<hbm>> -> memref<16x768xf32, #tpu.memory_space<hbm>>
    %dma_wait3A_605 = arith.constant 0 : i32
    %dma_wait3A_606 = arith.constant 1536 : i32
    %dma_wait3A_607 = tpu.memref_slice %arg6[%dma_wait3A_605, %dma_wait3A_606] : memref<16x3072xf32, #tpu.memory_space<vmem>> -> memref<16x768xf32, #tpu.memory_space<vmem>>
    tpu.wait_dma2 semaphore(%arg10 : memref<!tpu.dma_semaphore, #tpu.memory_space<semaphore_mem>>) src(%dma_wait3A_607 : memref<16x768xf32, #tpu.memory_space<vmem>>) dst(%dma_wait3A_604 : memref<16x768xf32, #tpu.memory_space<hbm>>)
    %dma_wait3A_608 = arith.constant 11 : i32
    %dma_wait3A_609 = arith.constant 0 : i32
    %dma_wait3A_610 = arith.constant 2304 : i32
    %dma_wait3A_611 = tpu.memref_slice %arg6[%dma_wait3A_609, %dma_wait3A_610] : memref<16x3072xf32, #tpu.memory_space<vmem>> -> memref<16x768xf32, #tpu.memory_space<vmem>>
    %dma_wait3A_612 = arith.constant 0 : i32
    %dma_wait3A_613 = tpu.memref_slice %arg4[%dma_wait3A_608, %add3A_516, %dma_wait3A_612] : memref<20x1024x768xf32, #tpu.memory_space<hbm>> -> memref<1x16x768xf32, #tpu.memory_space<hbm>>
    %dma_wait3A_614 = tpu.memref_squeeze %dma_wait3A_613 : memref<1x16x768xf32, #tpu.memory_space<hbm>> -> memref<16x768xf32, #tpu.memory_space<hbm>>
    %dma_wait3A_615 = arith.constant 0 : i32
    %dma_wait3A_616 = tpu.memref_slice %arg4[%dma_wait3A_608, %add3A_516, %dma_wait3A_615] : memref<20x1024x768xf32, #tpu.memory_space<hbm>> -> memref<1x16x768xf32, #tpu.memory_space<hbm>>
    %dma_wait3A_617 = tpu.memref_squeeze %dma_wait3A_616 : memref<1x16x768xf32, #tpu.memory_space<hbm>> -> memref<16x768xf32, #tpu.memory_space<hbm>>
    %dma_wait3A_618 = arith.constant 0 : i32
    %dma_wait3A_619 = arith.constant 2304 : i32
    %dma_wait3A_620 = tpu.memref_slice %arg6[%dma_wait3A_618, %dma_wait3A_619] : memref<16x3072xf32, #tpu.memory_space<vmem>> -> memref<16x768xf32, #tpu.memory_space<vmem>>
    tpu.wait_dma2 semaphore(%arg10 : memref<!tpu.dma_semaphore, #tpu.memory_space<semaphore_mem>>) src(%dma_wait3A_620 : memref<16x768xf32, #tpu.memory_space<vmem>>) dst(%dma_wait3A_617 : memref<16x768xf32, #tpu.memory_space<hbm>>)
    %dma_start3A_621 = arith.constant 3 : i32
    %dma_start3A_622 = arith.constant 0 : i32
    %dma_start3A_623 = arith.constant 0 : i32
    %dma_start3A_624 = tpu.memref_slice %arg5[%dma_start3A_621, %dma_start3A_622, %dma_start3A_623] : memref<5x2x16xi32, #tpu.memory_space<vmem>> -> memref<1x1x16xi32, #tpu.memory_space<vmem>>
    %dma_start3A_625 = tpu.memref_squeeze %dma_start3A_624 : memref<1x1x16xi32, #tpu.memory_space<vmem>> -> memref<16xi32, #tpu.memory_space<vmem>>
    %dma_start3A_626 = arith.constant 0 : i32
    %dma_start3A_627 = arith.constant 0 : i32
    %dma_start3A_628 = tpu.memref_slice %arg2[%dma_start3A_626, %dma_start3A_627] : memref<30x3072xf32, #tpu.memory_space<hbm>> -> memref<30x3072xf32, #tpu.memory_space<hbm>>
    tpu.enqueue_indirect_dma source(%dma_start3A_628 : memref<30x3072xf32, #tpu.memory_space<hbm>>) target(%arg6 : memref<16x3072xf32, #tpu.memory_space<vmem>>) offsets(%dma_start3A_625 : memref<16xi32, #tpu.memory_space<vmem>>) semaphore(%arg8 : memref<!tpu.dma_semaphore, #tpu.memory_space<semaphore_mem>>)
    %dma_wait3A_629 = arith.constant 2 : i32
    %dma_wait3A_630 = arith.constant 1 : i32
    %dma_wait3A_631 = arith.constant 0 : i32
    %dma_wait3A_632 = tpu.memref_slice %arg5[%dma_wait3A_629, %dma_wait3A_630, %dma_wait3A_631] : memref<5x2x16xi32, #tpu.memory_space<vmem>> -> memref<1x1x16xi32, #tpu.memory_space<vmem>>
    %dma_wait3A_633 = tpu.memref_squeeze %dma_wait3A_632 : memref<1x1x16xi32, #tpu.memory_space<vmem>> -> memref<16xi32, #tpu.memory_space<vmem>>
    %dma_wait3A_634 = arith.constant 0 : i32
    %dma_wait3A_635 = arith.constant 0 : i32
    %dma_wait3A_636 = tpu.memref_slice %arg2[%dma_wait3A_634, %dma_wait3A_635] : memref<30x3072xf32, #tpu.memory_space<hbm>> -> memref<30x3072xf32, #tpu.memory_space<hbm>>
    tpu.wait_indirect_dma semaphore(%arg9 : memref<!tpu.dma_semaphore, #tpu.memory_space<semaphore_mem>>) src(%dma_wait3A_636 : memref<30x3072xf32, #tpu.memory_space<hbm>>) dst(%arg7 : memref<16x3072xf32, #tpu.memory_space<vmem>>)
    %add3A_637 = arith.constant 16 : i32
    %add3A_638 = arith.addi %mul3A_2, %add3A_637 : i32
    %dma_start3A_639 = arith.constant 8 : i32
    %dma_start3A_640 = arith.constant 0 : i32
    %dma_start3A_641 = arith.constant 0 : i32
    %dma_start3A_642 = tpu.memref_slice %arg7[%dma_start3A_640, %dma_start3A_641] : memref<16x3072xf32, #tpu.memory_space<vmem>> -> memref<16x768xf32, #tpu.memory_space<vmem>>
    %dma_start3A_643 = arith.constant 0 : i32
    %dma_start3A_644 = tpu.memref_slice %arg4[%dma_start3A_639, %add3A_638, %dma_start3A_643] : memref<20x1024x768xf32, #tpu.memory_space<hbm>> -> memref<1x16x768xf32, #tpu.memory_space<hbm>>
    %dma_start3A_645 = tpu.memref_squeeze %dma_start3A_644 : memref<1x16x768xf32, #tpu.memory_space<hbm>> -> memref<16x768xf32, #tpu.memory_space<hbm>>
    %dma_start3A_646 = arith.constant 0 : i32
    %dma_start3A_647 = tpu.memref_slice %arg4[%dma_start3A_639, %add3A_638, %dma_start3A_646] : memref<20x1024x768xf32, #tpu.memory_space<hbm>> -> memref<1x16x768xf32, #tpu.memory_space<hbm>>
    %dma_start3A_648 = tpu.memref_squeeze %dma_start3A_647 : memref<1x16x768xf32, #tpu.memory_space<hbm>> -> memref<16x768xf32, #tpu.memory_space<hbm>>
    %dma_start3A_649 = arith.constant 0 : i32
    %dma_start3A_650 = arith.constant 0 : i32
    %dma_start3A_651 = tpu.memref_slice %arg7[%dma_start3A_649, %dma_start3A_650] : memref<16x3072xf32, #tpu.memory_space<vmem>> -> memref<16x768xf32, #tpu.memory_space<vmem>>
    tpu.enqueue_dma source(%dma_start3A_651 : memref<16x768xf32, #tpu.memory_space<vmem>>) target(%dma_start3A_648 : memref<16x768xf32, #tpu.memory_space<hbm>>) target_semaphore(%arg11 : memref<!tpu.dma_semaphore, #tpu.memory_space<semaphore_mem>>)
    %dma_start3A_652 = arith.constant 9 : i32
    %dma_start3A_653 = arith.constant 0 : i32
    %dma_start3A_654 = arith.constant 768 : i32
    %dma_start3A_655 = tpu.memref_slice %arg7[%dma_start3A_653, %dma_start3A_654] : memref<16x3072xf32, #tpu.memory_space<vmem>> -> memref<16x768xf32, #tpu.memory_space<vmem>>
    %dma_start3A_656 = arith.constant 0 : i32
    %dma_start3A_657 = tpu.memref_slice %arg4[%dma_start3A_652, %add3A_638, %dma_start3A_656] : memref<20x1024x768xf32, #tpu.memory_space<hbm>> -> memref<1x16x768xf32, #tpu.memory_space<hbm>>
    %dma_start3A_658 = tpu.memref_squeeze %dma_start3A_657 : memref<1x16x768xf32, #tpu.memory_space<hbm>> -> memref<16x768xf32, #tpu.memory_space<hbm>>
    %dma_start3A_659 = arith.constant 0 : i32
    %dma_start3A_660 = tpu.memref_slice %arg4[%dma_start3A_652, %add3A_638, %dma_start3A_659] : memref<20x1024x768xf32, #tpu.memory_space<hbm>> -> memref<1x16x768xf32, #tpu.memory_space<hbm>>
    %dma_start3A_661 = tpu.memref_squeeze %dma_start3A_660 : memref<1x16x768xf32, #tpu.memory_space<hbm>> -> memref<16x768xf32, #tpu.memory_space<hbm>>
    %dma_start3A_662 = arith.constant 0 : i32
    %dma_start3A_663 = arith.constant 768 : i32
    %dma_start3A_664 = tpu.memref_slice %arg7[%dma_start3A_662, %dma_start3A_663] : memref<16x3072xf32, #tpu.memory_space<vmem>> -> memref<16x768xf32, #tpu.memory_space<vmem>>
    tpu.enqueue_dma source(%dma_start3A_664 : memref<16x768xf32, #tpu.memory_space<vmem>>) target(%dma_start3A_661 : memref<16x768xf32, #tpu.memory_space<hbm>>) target_semaphore(%arg11 : memref<!tpu.dma_semaphore, #tpu.memory_space<semaphore_mem>>)
    %dma_start3A_665 = arith.constant 10 : i32
    %dma_start3A_666 = arith.constant 0 : i32
    %dma_start3A_667 = arith.constant 1536 : i32
    %dma_start3A_668 = tpu.memref_slice %arg7[%dma_start3A_666, %dma_start3A_667] : memref<16x3072xf32, #tpu.memory_space<vmem>> -> memref<16x768xf32, #tpu.memory_space<vmem>>
    %dma_start3A_669 = arith.constant 0 : i32
    %dma_start3A_670 = tpu.memref_slice %arg4[%dma_start3A_665, %add3A_638, %dma_start3A_669] : memref<20x1024x768xf32, #tpu.memory_space<hbm>> -> memref<1x16x768xf32, #tpu.memory_space<hbm>>
    %dma_start3A_671 = tpu.memref_squeeze %dma_start3A_670 : memref<1x16x768xf32, #tpu.memory_space<hbm>> -> memref<16x768xf32, #tpu.memory_space<hbm>>
    %dma_start3A_672 = arith.constant 0 : i32
    %dma_start3A_673 = tpu.memref_slice %arg4[%dma_start3A_665, %add3A_638, %dma_start3A_672] : memref<20x1024x768xf32, #tpu.memory_space<hbm>> -> memref<1x16x768xf32, #tpu.memory_space<hbm>>
    %dma_start3A_674 = tpu.memref_squeeze %dma_start3A_673 : memref<1x16x768xf32, #tpu.memory_space<hbm>> -> memref<16x768xf32, #tpu.memory_space<hbm>>
    %dma_start3A_675 = arith.constant 0 : i32
    %dma_start3A_676 = arith.constant 1536 : i32
    %dma_start3A_677 = tpu.memref_slice %arg7[%dma_start3A_675, %dma_start3A_676] : memref<16x3072xf32, #tpu.memory_space<vmem>> -> memref<16x768xf32, #tpu.memory_space<vmem>>
    tpu.enqueue_dma source(%dma_start3A_677 : memref<16x768xf32, #tpu.memory_space<vmem>>) target(%dma_start3A_674 : memref<16x768xf32, #tpu.memory_space<hbm>>) target_semaphore(%arg11 : memref<!tpu.dma_semaphore, #tpu.memory_space<semaphore_mem>>)
    %dma_start3A_678 = arith.constant 11 : i32
    %dma_start3A_679 = arith.constant 0 : i32
    %dma_start3A_680 = arith.constant 2304 : i32
    %dma_start3A_681 = tpu.memref_slice %arg7[%dma_start3A_679, %dma_start3A_680] : memref<16x3072xf32, #tpu.memory_space<vmem>> -> memref<16x768xf32, #tpu.memory_space<vmem>>
    %dma_start3A_682 = arith.constant 0 : i32
    %dma_start3A_683 = tpu.memref_slice %arg4[%dma_start3A_678, %add3A_638, %dma_start3A_682] : memref<20x1024x768xf32, #tpu.memory_space<hbm>> -> memref<1x16x768xf32, #tpu.memory_space<hbm>>
    %dma_start3A_684 = tpu.memref_squeeze %dma_start3A_683 : memref<1x16x768xf32, #tpu.memory_space<hbm>> -> memref<16x768xf32, #tpu.memory_space<hbm>>
    %dma_start3A_685 = arith.constant 0 : i32
    %dma_start3A_686 = tpu.memref_slice %arg4[%dma_start3A_678, %add3A_638, %dma_start3A_685] : memref<20x1024x768xf32, #tpu.memory_space<hbm>> -> memref<1x16x768xf32, #tpu.memory_space<hbm>>
    %dma_start3A_687 = tpu.memref_squeeze %dma_start3A_686 : memref<1x16x768xf32, #tpu.memory_space<hbm>> -> memref<16x768xf32, #tpu.memory_space<hbm>>
    %dma_start3A_688 = arith.constant 0 : i32
    %dma_start3A_689 = arith.constant 2304 : i32
    %dma_start3A_690 = tpu.memref_slice %arg7[%dma_start3A_688, %dma_start3A_689] : memref<16x3072xf32, #tpu.memory_space<vmem>> -> memref<16x768xf32, #tpu.memory_space<vmem>>
    tpu.enqueue_dma source(%dma_start3A_690 : memref<16x768xf32, #tpu.memory_space<vmem>>) target(%dma_start3A_687 : memref<16x768xf32, #tpu.memory_space<hbm>>) target_semaphore(%arg11 : memref<!tpu.dma_semaphore, #tpu.memory_space<semaphore_mem>>)
    %dma_wait3A_691 = arith.constant 8 : i32
    %dma_wait3A_692 = arith.constant 0 : i32
    %dma_wait3A_693 = arith.constant 0 : i32
    %dma_wait3A_694 = tpu.memref_slice %arg7[%dma_wait3A_692, %dma_wait3A_693] : memref<16x3072xf32, #tpu.memory_space<vmem>> -> memref<16x768xf32, #tpu.memory_space<vmem>>
    %dma_wait3A_695 = arith.constant 0 : i32
    %dma_wait3A_696 = tpu.memref_slice %arg4[%dma_wait3A_691, %add3A_638, %dma_wait3A_695] : memref<20x1024x768xf32, #tpu.memory_space<hbm>> -> memref<1x16x768xf32, #tpu.memory_space<hbm>>
    %dma_wait3A_697 = tpu.memref_squeeze %dma_wait3A_696 : memref<1x16x768xf32, #tpu.memory_space<hbm>> -> memref<16x768xf32, #tpu.memory_space<hbm>>
    %dma_wait3A_698 = arith.constant 0 : i32
    %dma_wait3A_699 = tpu.memref_slice %arg4[%dma_wait3A_691, %add3A_638, %dma_wait3A_698] : memref<20x1024x768xf32, #tpu.memory_space<hbm>> -> memref<1x16x768xf32, #tpu.memory_space<hbm>>
    %dma_wait3A_700 = tpu.memref_squeeze %dma_wait3A_699 : memref<1x16x768xf32, #tpu.memory_space<hbm>> -> memref<16x768xf32, #tpu.memory_space<hbm>>
    %dma_wait3A_701 = arith.constant 0 : i32
    %dma_wait3A_702 = arith.constant 0 : i32
    %dma_wait3A_703 = tpu.memref_slice %arg7[%dma_wait3A_701, %dma_wait3A_702] : memref<16x3072xf32, #tpu.memory_space<vmem>> -> memref<16x768xf32, #tpu.memory_space<vmem>>
    tpu.wait_dma2 semaphore(%arg11 : memref<!tpu.dma_semaphore, #tpu.memory_space<semaphore_mem>>) src(%dma_wait3A_703 : memref<16x768xf32, #tpu.memory_space<vmem>>) dst(%dma_wait3A_700 : memref<16x768xf32, #tpu.memory_space<hbm>>)
    %dma_wait3A_704 = arith.constant 9 : i32
    %dma_wait3A_705 = arith.constant 0 : i32
    %dma_wait3A_706 = arith.constant 768 : i32
    %dma_wait3A_707 = tpu.memref_slice %arg7[%dma_wait3A_705, %dma_wait3A_706] : memref<16x3072xf32, #tpu.memory_space<vmem>> -> memref<16x768xf32, #tpu.memory_space<vmem>>
    %dma_wait3A_708 = arith.constant 0 : i32
    %dma_wait3A_709 = tpu.memref_slice %arg4[%dma_wait3A_704, %add3A_638, %dma_wait3A_708] : memref<20x1024x768xf32, #tpu.memory_space<hbm>> -> memref<1x16x768xf32, #tpu.memory_space<hbm>>
    %dma_wait3A_710 = tpu.memref_squeeze %dma_wait3A_709 : memref<1x16x768xf32, #tpu.memory_space<hbm>> -> memref<16x768xf32, #tpu.memory_space<hbm>>
    %dma_wait3A_711 = arith.constant 0 : i32
    %dma_wait3A_712 = tpu.memref_slice %arg4[%dma_wait3A_704, %add3A_638, %dma_wait3A_711] : memref<20x1024x768xf32, #tpu.memory_space<hbm>> -> memref<1x16x768xf32, #tpu.memory_space<hbm>>
    %dma_wait3A_713 = tpu.memref_squeeze %dma_wait3A_712 : memref<1x16x768xf32, #tpu.memory_space<hbm>> -> memref<16x768xf32, #tpu.memory_space<hbm>>
    %dma_wait3A_714 = arith.constant 0 : i32
    %dma_wait3A_715 = arith.constant 768 : i32
    %dma_wait3A_716 = tpu.memref_slice %arg7[%dma_wait3A_714, %dma_wait3A_715] : memref<16x3072xf32, #tpu.memory_space<vmem>> -> memref<16x768xf32, #tpu.memory_space<vmem>>
    tpu.wait_dma2 semaphore(%arg11 : memref<!tpu.dma_semaphore, #tpu.memory_space<semaphore_mem>>) src(%dma_wait3A_716 : memref<16x768xf32, #tpu.memory_space<vmem>>) dst(%dma_wait3A_713 : memref<16x768xf32, #tpu.memory_space<hbm>>)
    %dma_wait3A_717 = arith.constant 10 : i32
    %dma_wait3A_718 = arith.constant 0 : i32
    %dma_wait3A_719 = arith.constant 1536 : i32
    %dma_wait3A_720 = tpu.memref_slice %arg7[%dma_wait3A_718, %dma_wait3A_719] : memref<16x3072xf32, #tpu.memory_space<vmem>> -> memref<16x768xf32, #tpu.memory_space<vmem>>
    %dma_wait3A_721 = arith.constant 0 : i32
    %dma_wait3A_722 = tpu.memref_slice %arg4[%dma_wait3A_717, %add3A_638, %dma_wait3A_721] : memref<20x1024x768xf32, #tpu.memory_space<hbm>> -> memref<1x16x768xf32, #tpu.memory_space<hbm>>
    %dma_wait3A_723 = tpu.memref_squeeze %dma_wait3A_722 : memref<1x16x768xf32, #tpu.memory_space<hbm>> -> memref<16x768xf32, #tpu.memory_space<hbm>>
    %dma_wait3A_724 = arith.constant 0 : i32
    %dma_wait3A_725 = tpu.memref_slice %arg4[%dma_wait3A_717, %add3A_638, %dma_wait3A_724] : memref<20x1024x768xf32, #tpu.memory_space<hbm>> -> memref<1x16x768xf32, #tpu.memory_space<hbm>>
    %dma_wait3A_726 = tpu.memref_squeeze %dma_wait3A_725 : memref<1x16x768xf32, #tpu.memory_space<hbm>> -> memref<16x768xf32, #tpu.memory_space<hbm>>
    %dma_wait3A_727 = arith.constant 0 : i32
    %dma_wait3A_728 = arith.constant 1536 : i32
    %dma_wait3A_729 = tpu.memref_slice %arg7[%dma_wait3A_727, %dma_wait3A_728] : memref<16x3072xf32, #tpu.memory_space<vmem>> -> memref<16x768xf32, #tpu.memory_space<vmem>>
    tpu.wait_dma2 semaphore(%arg11 : memref<!tpu.dma_semaphore, #tpu.memory_space<semaphore_mem>>) src(%dma_wait3A_729 : memref<16x768xf32, #tpu.memory_space<vmem>>) dst(%dma_wait3A_726 : memref<16x768xf32, #tpu.memory_space<hbm>>)
    %dma_wait3A_730 = arith.constant 11 : i32
    %dma_wait3A_731 = arith.constant 0 : i32
    %dma_wait3A_732 = arith.constant 2304 : i32
    %dma_wait3A_733 = tpu.memref_slice %arg7[%dma_wait3A_731, %dma_wait3A_732] : memref<16x3072xf32, #tpu.memory_space<vmem>> -> memref<16x768xf32, #tpu.memory_space<vmem>>
    %dma_wait3A_734 = arith.constant 0 : i32
    %dma_wait3A_735 = tpu.memref_slice %arg4[%dma_wait3A_730, %add3A_638, %dma_wait3A_734] : memref<20x1024x768xf32, #tpu.memory_space<hbm>> -> memref<1x16x768xf32, #tpu.memory_space<hbm>>
    %dma_wait3A_736 = tpu.memref_squeeze %dma_wait3A_735 : memref<1x16x768xf32, #tpu.memory_space<hbm>> -> memref<16x768xf32, #tpu.memory_space<hbm>>
    %dma_wait3A_737 = arith.constant 0 : i32
    %dma_wait3A_738 = tpu.memref_slice %arg4[%dma_wait3A_730, %add3A_638, %dma_wait3A_737] : memref<20x1024x768xf32, #tpu.memory_space<hbm>> -> memref<1x16x768xf32, #tpu.memory_space<hbm>>
    %dma_wait3A_739 = tpu.memref_squeeze %dma_wait3A_738 : memref<1x16x768xf32, #tpu.memory_space<hbm>> -> memref<16x768xf32, #tpu.memory_space<hbm>>
    %dma_wait3A_740 = arith.constant 0 : i32
    %dma_wait3A_741 = arith.constant 2304 : i32
    %dma_wait3A_742 = tpu.memref_slice %arg7[%dma_wait3A_740, %dma_wait3A_741] : memref<16x3072xf32, #tpu.memory_space<vmem>> -> memref<16x768xf32, #tpu.memory_space<vmem>>
    tpu.wait_dma2 semaphore(%arg11 : memref<!tpu.dma_semaphore, #tpu.memory_space<semaphore_mem>>) src(%dma_wait3A_742 : memref<16x768xf32, #tpu.memory_space<vmem>>) dst(%dma_wait3A_739 : memref<16x768xf32, #tpu.memory_space<hbm>>)
    %dma_start3A_743 = arith.constant 3 : i32
    %dma_start3A_744 = arith.constant 1 : i32
    %dma_start3A_745 = arith.constant 0 : i32
    %dma_start3A_746 = tpu.memref_slice %arg5[%dma_start3A_743, %dma_start3A_744, %dma_start3A_745] : memref<5x2x16xi32, #tpu.memory_space<vmem>> -> memref<1x1x16xi32, #tpu.memory_space<vmem>>
    %dma_start3A_747 = tpu.memref_squeeze %dma_start3A_746 : memref<1x1x16xi32, #tpu.memory_space<vmem>> -> memref<16xi32, #tpu.memory_space<vmem>>
    %dma_start3A_748 = arith.constant 0 : i32
    %dma_start3A_749 = arith.constant 0 : i32
    %dma_start3A_750 = tpu.memref_slice %arg2[%dma_start3A_748, %dma_start3A_749] : memref<30x3072xf32, #tpu.memory_space<hbm>> -> memref<30x3072xf32, #tpu.memory_space<hbm>>
    tpu.enqueue_indirect_dma source(%dma_start3A_750 : memref<30x3072xf32, #tpu.memory_space<hbm>>) target(%arg7 : memref<16x3072xf32, #tpu.memory_space<vmem>>) offsets(%dma_start3A_747 : memref<16xi32, #tpu.memory_space<vmem>>) semaphore(%arg9 : memref<!tpu.dma_semaphore, #tpu.memory_space<semaphore_mem>>)
    %dma_wait3A_751 = arith.constant 3 : i32
    %dma_wait3A_752 = arith.constant 0 : i32
    %dma_wait3A_753 = arith.constant 0 : i32
    %dma_wait3A_754 = tpu.memref_slice %arg5[%dma_wait3A_751, %dma_wait3A_752, %dma_wait3A_753] : memref<5x2x16xi32, #tpu.memory_space<vmem>> -> memref<1x1x16xi32, #tpu.memory_space<vmem>>
    %dma_wait3A_755 = tpu.memref_squeeze %dma_wait3A_754 : memref<1x1x16xi32, #tpu.memory_space<vmem>> -> memref<16xi32, #tpu.memory_space<vmem>>
    %dma_wait3A_756 = arith.constant 0 : i32
    %dma_wait3A_757 = arith.constant 0 : i32
    %dma_wait3A_758 = tpu.memref_slice %arg2[%dma_wait3A_756, %dma_wait3A_757] : memref<30x3072xf32, #tpu.memory_space<hbm>> -> memref<30x3072xf32, #tpu.memory_space<hbm>>
    tpu.wait_indirect_dma semaphore(%arg8 : memref<!tpu.dma_semaphore, #tpu.memory_space<semaphore_mem>>) src(%dma_wait3A_758 : memref<30x3072xf32, #tpu.memory_space<hbm>>) dst(%arg6 : memref<16x3072xf32, #tpu.memory_space<vmem>>)
    %add3A_759 = arith.constant 0 : i32
    %add3A_760 = arith.addi %mul3A_2, %add3A_759 : i32
    %dma_start3A_761 = arith.constant 12 : i32
    %dma_start3A_762 = arith.constant 0 : i32
    %dma_start3A_763 = arith.constant 0 : i32
    %dma_start3A_764 = tpu.memref_slice %arg6[%dma_start3A_762, %dma_start3A_763] : memref<16x3072xf32, #tpu.memory_space<vmem>> -> memref<16x768xf32, #tpu.memory_space<vmem>>
    %dma_start3A_765 = arith.constant 0 : i32
    %dma_start3A_766 = tpu.memref_slice %arg4[%dma_start3A_761, %add3A_760, %dma_start3A_765] : memref<20x1024x768xf32, #tpu.memory_space<hbm>> -> memref<1x16x768xf32, #tpu.memory_space<hbm>>
    %dma_start3A_767 = tpu.memref_squeeze %dma_start3A_766 : memref<1x16x768xf32, #tpu.memory_space<hbm>> -> memref<16x768xf32, #tpu.memory_space<hbm>>
    %dma_start3A_768 = arith.constant 0 : i32
    %dma_start3A_769 = tpu.memref_slice %arg4[%dma_start3A_761, %add3A_760, %dma_start3A_768] : memref<20x1024x768xf32, #tpu.memory_space<hbm>> -> memref<1x16x768xf32, #tpu.memory_space<hbm>>
    %dma_start3A_770 = tpu.memref_squeeze %dma_start3A_769 : memref<1x16x768xf32, #tpu.memory_space<hbm>> -> memref<16x768xf32, #tpu.memory_space<hbm>>
    %dma_start3A_771 = arith.constant 0 : i32
    %dma_start3A_772 = arith.constant 0 : i32
    %dma_start3A_773 = tpu.memref_slice %arg6[%dma_start3A_771, %dma_start3A_772] : memref<16x3072xf32, #tpu.memory_space<vmem>> -> memref<16x768xf32, #tpu.memory_space<vmem>>
    tpu.enqueue_dma source(%dma_start3A_773 : memref<16x768xf32, #tpu.memory_space<vmem>>) target(%dma_start3A_770 : memref<16x768xf32, #tpu.memory_space<hbm>>) target_semaphore(%arg10 : memref<!tpu.dma_semaphore, #tpu.memory_space<semaphore_mem>>)
    %dma_start3A_774 = arith.constant 13 : i32
    %dma_start3A_775 = arith.constant 0 : i32
    %dma_start3A_776 = arith.constant 768 : i32
    %dma_start3A_777 = tpu.memref_slice %arg6[%dma_start3A_775, %dma_start3A_776] : memref<16x3072xf32, #tpu.memory_space<vmem>> -> memref<16x768xf32, #tpu.memory_space<vmem>>
    %dma_start3A_778 = arith.constant 0 : i32
    %dma_start3A_779 = tpu.memref_slice %arg4[%dma_start3A_774, %add3A_760, %dma_start3A_778] : memref<20x1024x768xf32, #tpu.memory_space<hbm>> -> memref<1x16x768xf32, #tpu.memory_space<hbm>>
    %dma_start3A_780 = tpu.memref_squeeze %dma_start3A_779 : memref<1x16x768xf32, #tpu.memory_space<hbm>> -> memref<16x768xf32, #tpu.memory_space<hbm>>
    %dma_start3A_781 = arith.constant 0 : i32
    %dma_start3A_782 = tpu.memref_slice %arg4[%dma_start3A_774, %add3A_760, %dma_start3A_781] : memref<20x1024x768xf32, #tpu.memory_space<hbm>> -> memref<1x16x768xf32, #tpu.memory_space<hbm>>
    %dma_start3A_783 = tpu.memref_squeeze %dma_start3A_782 : memref<1x16x768xf32, #tpu.memory_space<hbm>> -> memref<16x768xf32, #tpu.memory_space<hbm>>
    %dma_start3A_784 = arith.constant 0 : i32
    %dma_start3A_785 = arith.constant 768 : i32
    %dma_start3A_786 = tpu.memref_slice %arg6[%dma_start3A_784, %dma_start3A_785] : memref<16x3072xf32, #tpu.memory_space<vmem>> -> memref<16x768xf32, #tpu.memory_space<vmem>>
    tpu.enqueue_dma source(%dma_start3A_786 : memref<16x768xf32, #tpu.memory_space<vmem>>) target(%dma_start3A_783 : memref<16x768xf32, #tpu.memory_space<hbm>>) target_semaphore(%arg10 : memref<!tpu.dma_semaphore, #tpu.memory_space<semaphore_mem>>)
    %dma_start3A_787 = arith.constant 14 : i32
    %dma_start3A_788 = arith.constant 0 : i32
    %dma_start3A_789 = arith.constant 1536 : i32
    %dma_start3A_790 = tpu.memref_slice %arg6[%dma_start3A_788, %dma_start3A_789] : memref<16x3072xf32, #tpu.memory_space<vmem>> -> memref<16x768xf32, #tpu.memory_space<vmem>>
    %dma_start3A_791 = arith.constant 0 : i32
    %dma_start3A_792 = tpu.memref_slice %arg4[%dma_start3A_787, %add3A_760, %dma_start3A_791] : memref<20x1024x768xf32, #tpu.memory_space<hbm>> -> memref<1x16x768xf32, #tpu.memory_space<hbm>>
    %dma_start3A_793 = tpu.memref_squeeze %dma_start3A_792 : memref<1x16x768xf32, #tpu.memory_space<hbm>> -> memref<16x768xf32, #tpu.memory_space<hbm>>
    %dma_start3A_794 = arith.constant 0 : i32
    %dma_start3A_795 = tpu.memref_slice %arg4[%dma_start3A_787, %add3A_760, %dma_start3A_794] : memref<20x1024x768xf32, #tpu.memory_space<hbm>> -> memref<1x16x768xf32, #tpu.memory_space<hbm>>
    %dma_start3A_796 = tpu.memref_squeeze %dma_start3A_795 : memref<1x16x768xf32, #tpu.memory_space<hbm>> -> memref<16x768xf32, #tpu.memory_space<hbm>>
    %dma_start3A_797 = arith.constant 0 : i32
    %dma_start3A_798 = arith.constant 1536 : i32
    %dma_start3A_799 = tpu.memref_slice %arg6[%dma_start3A_797, %dma_start3A_798] : memref<16x3072xf32, #tpu.memory_space<vmem>> -> memref<16x768xf32, #tpu.memory_space<vmem>>
    tpu.enqueue_dma source(%dma_start3A_799 : memref<16x768xf32, #tpu.memory_space<vmem>>) target(%dma_start3A_796 : memref<16x768xf32, #tpu.memory_space<hbm>>) target_semaphore(%arg10 : memref<!tpu.dma_semaphore, #tpu.memory_space<semaphore_mem>>)
    %dma_start3A_800 = arith.constant 15 : i32
    %dma_start3A_801 = arith.constant 0 : i32
    %dma_start3A_802 = arith.constant 2304 : i32
    %dma_start3A_803 = tpu.memref_slice %arg6[%dma_start3A_801, %dma_start3A_802] : memref<16x3072xf32, #tpu.memory_space<vmem>> -> memref<16x768xf32, #tpu.memory_space<vmem>>
    %dma_start3A_804 = arith.constant 0 : i32
    %dma_start3A_805 = tpu.memref_slice %arg4[%dma_start3A_800, %add3A_760, %dma_start3A_804] : memref<20x1024x768xf32, #tpu.memory_space<hbm>> -> memref<1x16x768xf32, #tpu.memory_space<hbm>>
    %dma_start3A_806 = tpu.memref_squeeze %dma_start3A_805 : memref<1x16x768xf32, #tpu.memory_space<hbm>> -> memref<16x768xf32, #tpu.memory_space<hbm>>
    %dma_start3A_807 = arith.constant 0 : i32
    %dma_start3A_808 = tpu.memref_slice %arg4[%dma_start3A_800, %add3A_760, %dma_start3A_807] : memref<20x1024x768xf32, #tpu.memory_space<hbm>> -> memref<1x16x768xf32, #tpu.memory_space<hbm>>
    %dma_start3A_809 = tpu.memref_squeeze %dma_start3A_808 : memref<1x16x768xf32, #tpu.memory_space<hbm>> -> memref<16x768xf32, #tpu.memory_space<hbm>>
    %dma_start3A_810 = arith.constant 0 : i32
    %dma_start3A_811 = arith.constant 2304 : i32
    %dma_start3A_812 = tpu.memref_slice %arg6[%dma_start3A_810, %dma_start3A_811] : memref<16x3072xf32, #tpu.memory_space<vmem>> -> memref<16x768xf32, #tpu.memory_space<vmem>>
    tpu.enqueue_dma source(%dma_start3A_812 : memref<16x768xf32, #tpu.memory_space<vmem>>) target(%dma_start3A_809 : memref<16x768xf32, #tpu.memory_space<hbm>>) target_semaphore(%arg10 : memref<!tpu.dma_semaphore, #tpu.memory_space<semaphore_mem>>)
    %dma_wait3A_813 = arith.constant 12 : i32
    %dma_wait3A_814 = arith.constant 0 : i32
    %dma_wait3A_815 = arith.constant 0 : i32
    %dma_wait3A_816 = tpu.memref_slice %arg6[%dma_wait3A_814, %dma_wait3A_815] : memref<16x3072xf32, #tpu.memory_space<vmem>> -> memref<16x768xf32, #tpu.memory_space<vmem>>
    %dma_wait3A_817 = arith.constant 0 : i32
    %dma_wait3A_818 = tpu.memref_slice %arg4[%dma_wait3A_813, %add3A_760, %dma_wait3A_817] : memref<20x1024x768xf32, #tpu.memory_space<hbm>> -> memref<1x16x768xf32, #tpu.memory_space<hbm>>
    %dma_wait3A_819 = tpu.memref_squeeze %dma_wait3A_818 : memref<1x16x768xf32, #tpu.memory_space<hbm>> -> memref<16x768xf32, #tpu.memory_space<hbm>>
    %dma_wait3A_820 = arith.constant 0 : i32
    %dma_wait3A_821 = tpu.memref_slice %arg4[%dma_wait3A_813, %add3A_760, %dma_wait3A_820] : memref<20x1024x768xf32, #tpu.memory_space<hbm>> -> memref<1x16x768xf32, #tpu.memory_space<hbm>>
    %dma_wait3A_822 = tpu.memref_squeeze %dma_wait3A_821 : memref<1x16x768xf32, #tpu.memory_space<hbm>> -> memref<16x768xf32, #tpu.memory_space<hbm>>
    %dma_wait3A_823 = arith.constant 0 : i32
    %dma_wait3A_824 = arith.constant 0 : i32
    %dma_wait3A_825 = tpu.memref_slice %arg6[%dma_wait3A_823, %dma_wait3A_824] : memref<16x3072xf32, #tpu.memory_space<vmem>> -> memref<16x768xf32, #tpu.memory_space<vmem>>
    tpu.wait_dma2 semaphore(%arg10 : memref<!tpu.dma_semaphore, #tpu.memory_space<semaphore_mem>>) src(%dma_wait3A_825 : memref<16x768xf32, #tpu.memory_space<vmem>>) dst(%dma_wait3A_822 : memref<16x768xf32, #tpu.memory_space<hbm>>)
    %dma_wait3A_826 = arith.constant 13 : i32
    %dma_wait3A_827 = arith.constant 0 : i32
    %dma_wait3A_828 = arith.constant 768 : i32
    %dma_wait3A_829 = tpu.memref_slice %arg6[%dma_wait3A_827, %dma_wait3A_828] : memref<16x3072xf32, #tpu.memory_space<vmem>> -> memref<16x768xf32, #tpu.memory_space<vmem>>
    %dma_wait3A_830 = arith.constant 0 : i32
    %dma_wait3A_831 = tpu.memref_slice %arg4[%dma_wait3A_826, %add3A_760, %dma_wait3A_830] : memref<20x1024x768xf32, #tpu.memory_space<hbm>> -> memref<1x16x768xf32, #tpu.memory_space<hbm>>
    %dma_wait3A_832 = tpu.memref_squeeze %dma_wait3A_831 : memref<1x16x768xf32, #tpu.memory_space<hbm>> -> memref<16x768xf32, #tpu.memory_space<hbm>>
    %dma_wait3A_833 = arith.constant 0 : i32
    %dma_wait3A_834 = tpu.memref_slice %arg4[%dma_wait3A_826, %add3A_760, %dma_wait3A_833] : memref<20x1024x768xf32, #tpu.memory_space<hbm>> -> memref<1x16x768xf32, #tpu.memory_space<hbm>>
    %dma_wait3A_835 = tpu.memref_squeeze %dma_wait3A_834 : memref<1x16x768xf32, #tpu.memory_space<hbm>> -> memref<16x768xf32, #tpu.memory_space<hbm>>
    %dma_wait3A_836 = arith.constant 0 : i32
    %dma_wait3A_837 = arith.constant 768 : i32
    %dma_wait3A_838 = tpu.memref_slice %arg6[%dma_wait3A_836, %dma_wait3A_837] : memref<16x3072xf32, #tpu.memory_space<vmem>> -> memref<16x768xf32, #tpu.memory_space<vmem>>
    tpu.wait_dma2 semaphore(%arg10 : memref<!tpu.dma_semaphore, #tpu.memory_space<semaphore_mem>>) src(%dma_wait3A_838 : memref<16x768xf32, #tpu.memory_space<vmem>>) dst(%dma_wait3A_835 : memref<16x768xf32, #tpu.memory_space<hbm>>)
    %dma_wait3A_839 = arith.constant 14 : i32
    %dma_wait3A_840 = arith.constant 0 : i32
    %dma_wait3A_841 = arith.constant 1536 : i32
    %dma_wait3A_842 = tpu.memref_slice %arg6[%dma_wait3A_840, %dma_wait3A_841] : memref<16x3072xf32, #tpu.memory_space<vmem>> -> memref<16x768xf32, #tpu.memory_space<vmem>>
    %dma_wait3A_843 = arith.constant 0 : i32
    %dma_wait3A_844 = tpu.memref_slice %arg4[%dma_wait3A_839, %add3A_760, %dma_wait3A_843] : memref<20x1024x768xf32, #tpu.memory_space<hbm>> -> memref<1x16x768xf32, #tpu.memory_space<hbm>>
    %dma_wait3A_845 = tpu.memref_squeeze %dma_wait3A_844 : memref<1x16x768xf32, #tpu.memory_space<hbm>> -> memref<16x768xf32, #tpu.memory_space<hbm>>
    %dma_wait3A_846 = arith.constant 0 : i32
    %dma_wait3A_847 = tpu.memref_slice %arg4[%dma_wait3A_839, %add3A_760, %dma_wait3A_846] : memref<20x1024x768xf32, #tpu.memory_space<hbm>> -> memref<1x16x768xf32, #tpu.memory_space<hbm>>
    %dma_wait3A_848 = tpu.memref_squeeze %dma_wait3A_847 : memref<1x16x768xf32, #tpu.memory_space<hbm>> -> memref<16x768xf32, #tpu.memory_space<hbm>>
    %dma_wait3A_849 = arith.constant 0 : i32
    %dma_wait3A_850 = arith.constant 1536 : i32
    %dma_wait3A_851 = tpu.memref_slice %arg6[%dma_wait3A_849, %dma_wait3A_850] : memref<16x3072xf32, #tpu.memory_space<vmem>> -> memref<16x768xf32, #tpu.memory_space<vmem>>
    tpu.wait_dma2 semaphore(%arg10 : memref<!tpu.dma_semaphore, #tpu.memory_space<semaphore_mem>>) src(%dma_wait3A_851 : memref<16x768xf32, #tpu.memory_space<vmem>>) dst(%dma_wait3A_848 : memref<16x768xf32, #tpu.memory_space<hbm>>)
    %dma_wait3A_852 = arith.constant 15 : i32
    %dma_wait3A_853 = arith.constant 0 : i32
    %dma_wait3A_854 = arith.constant 2304 : i32
    %dma_wait3A_855 = tpu.memref_slice %arg6[%dma_wait3A_853, %dma_wait3A_854] : memref<16x3072xf32, #tpu.memory_space<vmem>> -> memref<16x768xf32, #tpu.memory_space<vmem>>
    %dma_wait3A_856 = arith.constant 0 : i32
    %dma_wait3A_857 = tpu.memref_slice %arg4[%dma_wait3A_852, %add3A_760, %dma_wait3A_856] : memref<20x1024x768xf32, #tpu.memory_space<hbm>> -> memref<1x16x768xf32, #tpu.memory_space<hbm>>
    %dma_wait3A_858 = tpu.memref_squeeze %dma_wait3A_857 : memref<1x16x768xf32, #tpu.memory_space<hbm>> -> memref<16x768xf32, #tpu.memory_space<hbm>>
    %dma_wait3A_859 = arith.constant 0 : i32
    %dma_wait3A_860 = tpu.memref_slice %arg4[%dma_wait3A_852, %add3A_760, %dma_wait3A_859] : memref<20x1024x768xf32, #tpu.memory_space<hbm>> -> memref<1x16x768xf32, #tpu.memory_space<hbm>>
    %dma_wait3A_861 = tpu.memref_squeeze %dma_wait3A_860 : memref<1x16x768xf32, #tpu.memory_space<hbm>> -> memref<16x768xf32, #tpu.memory_space<hbm>>
    %dma_wait3A_862 = arith.constant 0 : i32
    %dma_wait3A_863 = arith.constant 2304 : i32
    %dma_wait3A_864 = tpu.memref_slice %arg6[%dma_wait3A_862, %dma_wait3A_863] : memref<16x3072xf32, #tpu.memory_space<vmem>> -> memref<16x768xf32, #tpu.memory_space<vmem>>
    tpu.wait_dma2 semaphore(%arg10 : memref<!tpu.dma_semaphore, #tpu.memory_space<semaphore_mem>>) src(%dma_wait3A_864 : memref<16x768xf32, #tpu.memory_space<vmem>>) dst(%dma_wait3A_861 : memref<16x768xf32, #tpu.memory_space<hbm>>)
    %dma_start3A_865 = arith.constant 4 : i32
    %dma_start3A_866 = arith.constant 0 : i32
    %dma_start3A_867 = arith.constant 0 : i32
    %dma_start3A_868 = tpu.memref_slice %arg5[%dma_start3A_865, %dma_start3A_866, %dma_start3A_867] : memref<5x2x16xi32, #tpu.memory_space<vmem>> -> memref<1x1x16xi32, #tpu.memory_space<vmem>>
    %dma_start3A_869 = tpu.memref_squeeze %dma_start3A_868 : memref<1x1x16xi32, #tpu.memory_space<vmem>> -> memref<16xi32, #tpu.memory_space<vmem>>
    %dma_start3A_870 = arith.constant 0 : i32
    %dma_start3A_871 = arith.constant 0 : i32
    %dma_start3A_872 = tpu.memref_slice %arg2[%dma_start3A_870, %dma_start3A_871] : memref<30x3072xf32, #tpu.memory_space<hbm>> -> memref<30x3072xf32, #tpu.memory_space<hbm>>
    tpu.enqueue_indirect_dma source(%dma_start3A_872 : memref<30x3072xf32, #tpu.memory_space<hbm>>) target(%arg6 : memref<16x3072xf32, #tpu.memory_space<vmem>>) offsets(%dma_start3A_869 : memref<16xi32, #tpu.memory_space<vmem>>) semaphore(%arg8 : memref<!tpu.dma_semaphore, #tpu.memory_space<semaphore_mem>>)
    %dma_wait3A_873 = arith.constant 3 : i32
    %dma_wait3A_874 = arith.constant 1 : i32
    %dma_wait3A_875 = arith.constant 0 : i32
    %dma_wait3A_876 = tpu.memref_slice %arg5[%dma_wait3A_873, %dma_wait3A_874, %dma_wait3A_875] : memref<5x2x16xi32, #tpu.memory_space<vmem>> -> memref<1x1x16xi32, #tpu.memory_space<vmem>>
    %dma_wait3A_877 = tpu.memref_squeeze %dma_wait3A_876 : memref<1x1x16xi32, #tpu.memory_space<vmem>> -> memref<16xi32, #tpu.memory_space<vmem>>
    %dma_wait3A_878 = arith.constant 0 : i32
    %dma_wait3A_879 = arith.constant 0 : i32
    %dma_wait3A_880 = tpu.memref_slice %arg2[%dma_wait3A_878, %dma_wait3A_879] : memref<30x3072xf32, #tpu.memory_space<hbm>> -> memref<30x3072xf32, #tpu.memory_space<hbm>>
    tpu.wait_indirect_dma semaphore(%arg9 : memref<!tpu.dma_semaphore, #tpu.memory_space<semaphore_mem>>) src(%dma_wait3A_880 : memref<30x3072xf32, #tpu.memory_space<hbm>>) dst(%arg7 : memref<16x3072xf32, #tpu.memory_space<vmem>>)
    %add3A_881 = arith.constant 16 : i32
    %add3A_882 = arith.addi %mul3A_2, %add3A_881 : i32
    %dma_start3A_883 = arith.constant 12 : i32
    %dma_start3A_884 = arith.constant 0 : i32
    %dma_start3A_885 = arith.constant 0 : i32
    %dma_start3A_886 = tpu.memref_slice %arg7[%dma_start3A_884, %dma_start3A_885] : memref<16x3072xf32, #tpu.memory_space<vmem>> -> memref<16x768xf32, #tpu.memory_space<vmem>>
    %dma_start3A_887 = arith.constant 0 : i32
    %dma_start3A_888 = tpu.memref_slice %arg4[%dma_start3A_883, %add3A_882, %dma_start3A_887] : memref<20x1024x768xf32, #tpu.memory_space<hbm>> -> memref<1x16x768xf32, #tpu.memory_space<hbm>>
    %dma_start3A_889 = tpu.memref_squeeze %dma_start3A_888 : memref<1x16x768xf32, #tpu.memory_space<hbm>> -> memref<16x768xf32, #tpu.memory_space<hbm>>
    %dma_start3A_890 = arith.constant 0 : i32
    %dma_start3A_891 = tpu.memref_slice %arg4[%dma_start3A_883, %add3A_882, %dma_start3A_890] : memref<20x1024x768xf32, #tpu.memory_space<hbm>> -> memref<1x16x768xf32, #tpu.memory_space<hbm>>
    %dma_start3A_892 = tpu.memref_squeeze %dma_start3A_891 : memref<1x16x768xf32, #tpu.memory_space<hbm>> -> memref<16x768xf32, #tpu.memory_space<hbm>>
    %dma_start3A_893 = arith.constant 0 : i32
    %dma_start3A_894 = arith.constant 0 : i32
    %dma_start3A_895 = tpu.memref_slice %arg7[%dma_start3A_893, %dma_start3A_894] : memref<16x3072xf32, #tpu.memory_space<vmem>> -> memref<16x768xf32, #tpu.memory_space<vmem>>
    tpu.enqueue_dma source(%dma_start3A_895 : memref<16x768xf32, #tpu.memory_space<vmem>>) target(%dma_start3A_892 : memref<16x768xf32, #tpu.memory_space<hbm>>) target_semaphore(%arg11 : memref<!tpu.dma_semaphore, #tpu.memory_space<semaphore_mem>>)
    %dma_start3A_896 = arith.constant 13 : i32
    %dma_start3A_897 = arith.constant 0 : i32
    %dma_start3A_898 = arith.constant 768 : i32
    %dma_start3A_899 = tpu.memref_slice %arg7[%dma_start3A_897, %dma_start3A_898] : memref<16x3072xf32, #tpu.memory_space<vmem>> -> memref<16x768xf32, #tpu.memory_space<vmem>>
    %dma_start3A_900 = arith.constant 0 : i32
    %dma_start3A_901 = tpu.memref_slice %arg4[%dma_start3A_896, %add3A_882, %dma_start3A_900] : memref<20x1024x768xf32, #tpu.memory_space<hbm>> -> memref<1x16x768xf32, #tpu.memory_space<hbm>>
    %dma_start3A_902 = tpu.memref_squeeze %dma_start3A_901 : memref<1x16x768xf32, #tpu.memory_space<hbm>> -> memref<16x768xf32, #tpu.memory_space<hbm>>
    %dma_start3A_903 = arith.constant 0 : i32
    %dma_start3A_904 = tpu.memref_slice %arg4[%dma_start3A_896, %add3A_882, %dma_start3A_903] : memref<20x1024x768xf32, #tpu.memory_space<hbm>> -> memref<1x16x768xf32, #tpu.memory_space<hbm>>
    %dma_start3A_905 = tpu.memref_squeeze %dma_start3A_904 : memref<1x16x768xf32, #tpu.memory_space<hbm>> -> memref<16x768xf32, #tpu.memory_space<hbm>>
    %dma_start3A_906 = arith.constant 0 : i32
    %dma_start3A_907 = arith.constant 768 : i32
    %dma_start3A_908 = tpu.memref_slice %arg7[%dma_start3A_906, %dma_start3A_907] : memref<16x3072xf32, #tpu.memory_space<vmem>> -> memref<16x768xf32, #tpu.memory_space<vmem>>
    tpu.enqueue_dma source(%dma_start3A_908 : memref<16x768xf32, #tpu.memory_space<vmem>>) target(%dma_start3A_905 : memref<16x768xf32, #tpu.memory_space<hbm>>) target_semaphore(%arg11 : memref<!tpu.dma_semaphore, #tpu.memory_space<semaphore_mem>>)
    %dma_start3A_909 = arith.constant 14 : i32
    %dma_start3A_910 = arith.constant 0 : i32
    %dma_start3A_911 = arith.constant 1536 : i32
    %dma_start3A_912 = tpu.memref_slice %arg7[%dma_start3A_910, %dma_start3A_911] : memref<16x3072xf32, #tpu.memory_space<vmem>> -> memref<16x768xf32, #tpu.memory_space<vmem>>
    %dma_start3A_913 = arith.constant 0 : i32
    %dma_start3A_914 = tpu.memref_slice %arg4[%dma_start3A_909, %add3A_882, %dma_start3A_913] : memref<20x1024x768xf32, #tpu.memory_space<hbm>> -> memref<1x16x768xf32, #tpu.memory_space<hbm>>
    %dma_start3A_915 = tpu.memref_squeeze %dma_start3A_914 : memref<1x16x768xf32, #tpu.memory_space<hbm>> -> memref<16x768xf32, #tpu.memory_space<hbm>>
    %dma_start3A_916 = arith.constant 0 : i32
    %dma_start3A_917 = tpu.memref_slice %arg4[%dma_start3A_909, %add3A_882, %dma_start3A_916] : memref<20x1024x768xf32, #tpu.memory_space<hbm>> -> memref<1x16x768xf32, #tpu.memory_space<hbm>>
    %dma_start3A_918 = tpu.memref_squeeze %dma_start3A_917 : memref<1x16x768xf32, #tpu.memory_space<hbm>> -> memref<16x768xf32, #tpu.memory_space<hbm>>
    %dma_start3A_919 = arith.constant 0 : i32
    %dma_start3A_920 = arith.constant 1536 : i32
    %dma_start3A_921 = tpu.memref_slice %arg7[%dma_start3A_919, %dma_start3A_920] : memref<16x3072xf32, #tpu.memory_space<vmem>> -> memref<16x768xf32, #tpu.memory_space<vmem>>
    tpu.enqueue_dma source(%dma_start3A_921 : memref<16x768xf32, #tpu.memory_space<vmem>>) target(%dma_start3A_918 : memref<16x768xf32, #tpu.memory_space<hbm>>) target_semaphore(%arg11 : memref<!tpu.dma_semaphore, #tpu.memory_space<semaphore_mem>>)
    %dma_start3A_922 = arith.constant 15 : i32
    %dma_start3A_923 = arith.constant 0 : i32
    %dma_start3A_924 = arith.constant 2304 : i32
    %dma_start3A_925 = tpu.memref_slice %arg7[%dma_start3A_923, %dma_start3A_924] : memref<16x3072xf32, #tpu.memory_space<vmem>> -> memref<16x768xf32, #tpu.memory_space<vmem>>
    %dma_start3A_926 = arith.constant 0 : i32
    %dma_start3A_927 = tpu.memref_slice %arg4[%dma_start3A_922, %add3A_882, %dma_start3A_926] : memref<20x1024x768xf32, #tpu.memory_space<hbm>> -> memref<1x16x768xf32, #tpu.memory_space<hbm>>
    %dma_start3A_928 = tpu.memref_squeeze %dma_start3A_927 : memref<1x16x768xf32, #tpu.memory_space<hbm>> -> memref<16x768xf32, #tpu.memory_space<hbm>>
    %dma_start3A_929 = arith.constant 0 : i32
    %dma_start3A_930 = tpu.memref_slice %arg4[%dma_start3A_922, %add3A_882, %dma_start3A_929] : memref<20x1024x768xf32, #tpu.memory_space<hbm>> -> memref<1x16x768xf32, #tpu.memory_space<hbm>>
    %dma_start3A_931 = tpu.memref_squeeze %dma_start3A_930 : memref<1x16x768xf32, #tpu.memory_space<hbm>> -> memref<16x768xf32, #tpu.memory_space<hbm>>
    %dma_start3A_932 = arith.constant 0 : i32
    %dma_start3A_933 = arith.constant 2304 : i32
    %dma_start3A_934 = tpu.memref_slice %arg7[%dma_start3A_932, %dma_start3A_933] : memref<16x3072xf32, #tpu.memory_space<vmem>> -> memref<16x768xf32, #tpu.memory_space<vmem>>
    tpu.enqueue_dma source(%dma_start3A_934 : memref<16x768xf32, #tpu.memory_space<vmem>>) target(%dma_start3A_931 : memref<16x768xf32, #tpu.memory_space<hbm>>) target_semaphore(%arg11 : memref<!tpu.dma_semaphore, #tpu.memory_space<semaphore_mem>>)
    %dma_wait3A_935 = arith.constant 12 : i32
    %dma_wait3A_936 = arith.constant 0 : i32
    %dma_wait3A_937 = arith.constant 0 : i32
    %dma_wait3A_938 = tpu.memref_slice %arg7[%dma_wait3A_936, %dma_wait3A_937] : memref<16x3072xf32, #tpu.memory_space<vmem>> -> memref<16x768xf32, #tpu.memory_space<vmem>>
    %dma_wait3A_939 = arith.constant 0 : i32
    %dma_wait3A_940 = tpu.memref_slice %arg4[%dma_wait3A_935, %add3A_882, %dma_wait3A_939] : memref<20x1024x768xf32, #tpu.memory_space<hbm>> -> memref<1x16x768xf32, #tpu.memory_space<hbm>>
    %dma_wait3A_941 = tpu.memref_squeeze %dma_wait3A_940 : memref<1x16x768xf32, #tpu.memory_space<hbm>> -> memref<16x768xf32, #tpu.memory_space<hbm>>
    %dma_wait3A_942 = arith.constant 0 : i32
    %dma_wait3A_943 = tpu.memref_slice %arg4[%dma_wait3A_935, %add3A_882, %dma_wait3A_942] : memref<20x1024x768xf32, #tpu.memory_space<hbm>> -> memref<1x16x768xf32, #tpu.memory_space<hbm>>
    %dma_wait3A_944 = tpu.memref_squeeze %dma_wait3A_943 : memref<1x16x768xf32, #tpu.memory_space<hbm>> -> memref<16x768xf32, #tpu.memory_space<hbm>>
    %dma_wait3A_945 = arith.constant 0 : i32
    %dma_wait3A_946 = arith.constant 0 : i32
    %dma_wait3A_947 = tpu.memref_slice %arg7[%dma_wait3A_945, %dma_wait3A_946] : memref<16x3072xf32, #tpu.memory_space<vmem>> -> memref<16x768xf32, #tpu.memory_space<vmem>>
    tpu.wait_dma2 semaphore(%arg11 : memref<!tpu.dma_semaphore, #tpu.memory_space<semaphore_mem>>) src(%dma_wait3A_947 : memref<16x768xf32, #tpu.memory_space<vmem>>) dst(%dma_wait3A_944 : memref<16x768xf32, #tpu.memory_space<hbm>>)
    %dma_wait3A_948 = arith.constant 13 : i32
    %dma_wait3A_949 = arith.constant 0 : i32
    %dma_wait3A_950 = arith.constant 768 : i32
    %dma_wait3A_951 = tpu.memref_slice %arg7[%dma_wait3A_949, %dma_wait3A_950] : memref<16x3072xf32, #tpu.memory_space<vmem>> -> memref<16x768xf32, #tpu.memory_space<vmem>>
    %dma_wait3A_952 = arith.constant 0 : i32
    %dma_wait3A_953 = tpu.memref_slice %arg4[%dma_wait3A_948, %add3A_882, %dma_wait3A_952] : memref<20x1024x768xf32, #tpu.memory_space<hbm>> -> memref<1x16x768xf32, #tpu.memory_space<hbm>>
    %dma_wait3A_954 = tpu.memref_squeeze %dma_wait3A_953 : memref<1x16x768xf32, #tpu.memory_space<hbm>> -> memref<16x768xf32, #tpu.memory_space<hbm>>
    %dma_wait3A_955 = arith.constant 0 : i32
    %dma_wait3A_956 = tpu.memref_slice %arg4[%dma_wait3A_948, %add3A_882, %dma_wait3A_955] : memref<20x1024x768xf32, #tpu.memory_space<hbm>> -> memref<1x16x768xf32, #tpu.memory_space<hbm>>
    %dma_wait3A_957 = tpu.memref_squeeze %dma_wait3A_956 : memref<1x16x768xf32, #tpu.memory_space<hbm>> -> memref<16x768xf32, #tpu.memory_space<hbm>>
    %dma_wait3A_958 = arith.constant 0 : i32
    %dma_wait3A_959 = arith.constant 768 : i32
    %dma_wait3A_960 = tpu.memref_slice %arg7[%dma_wait3A_958, %dma_wait3A_959] : memref<16x3072xf32, #tpu.memory_space<vmem>> -> memref<16x768xf32, #tpu.memory_space<vmem>>
    tpu.wait_dma2 semaphore(%arg11 : memref<!tpu.dma_semaphore, #tpu.memory_space<semaphore_mem>>) src(%dma_wait3A_960 : memref<16x768xf32, #tpu.memory_space<vmem>>) dst(%dma_wait3A_957 : memref<16x768xf32, #tpu.memory_space<hbm>>)
    %dma_wait3A_961 = arith.constant 14 : i32
    %dma_wait3A_962 = arith.constant 0 : i32
    %dma_wait3A_963 = arith.constant 1536 : i32
    %dma_wait3A_964 = tpu.memref_slice %arg7[%dma_wait3A_962, %dma_wait3A_963] : memref<16x3072xf32, #tpu.memory_space<vmem>> -> memref<16x768xf32, #tpu.memory_space<vmem>>
    %dma_wait3A_965 = arith.constant 0 : i32
    %dma_wait3A_966 = tpu.memref_slice %arg4[%dma_wait3A_961, %add3A_882, %dma_wait3A_965] : memref<20x1024x768xf32, #tpu.memory_space<hbm>> -> memref<1x16x768xf32, #tpu.memory_space<hbm>>
    %dma_wait3A_967 = tpu.memref_squeeze %dma_wait3A_966 : memref<1x16x768xf32, #tpu.memory_space<hbm>> -> memref<16x768xf32, #tpu.memory_space<hbm>>
    %dma_wait3A_968 = arith.constant 0 : i32
    %dma_wait3A_969 = tpu.memref_slice %arg4[%dma_wait3A_961, %add3A_882, %dma_wait3A_968] : memref<20x1024x768xf32, #tpu.memory_space<hbm>> -> memref<1x16x768xf32, #tpu.memory_space<hbm>>
    %dma_wait3A_970 = tpu.memref_squeeze %dma_wait3A_969 : memref<1x16x768xf32, #tpu.memory_space<hbm>> -> memref<16x768xf32, #tpu.memory_space<hbm>>
    %dma_wait3A_971 = arith.constant 0 : i32
    %dma_wait3A_972 = arith.constant 1536 : i32
    %dma_wait3A_973 = tpu.memref_slice %arg7[%dma_wait3A_971, %dma_wait3A_972] : memref<16x3072xf32, #tpu.memory_space<vmem>> -> memref<16x768xf32, #tpu.memory_space<vmem>>
    tpu.wait_dma2 semaphore(%arg11 : memref<!tpu.dma_semaphore, #tpu.memory_space<semaphore_mem>>) src(%dma_wait3A_973 : memref<16x768xf32, #tpu.memory_space<vmem>>) dst(%dma_wait3A_970 : memref<16x768xf32, #tpu.memory_space<hbm>>)
    %dma_wait3A_974 = arith.constant 15 : i32
    %dma_wait3A_975 = arith.constant 0 : i32
    %dma_wait3A_976 = arith.constant 2304 : i32
    %dma_wait3A_977 = tpu.memref_slice %arg7[%dma_wait3A_975, %dma_wait3A_976] : memref<16x3072xf32, #tpu.memory_space<vmem>> -> memref<16x768xf32, #tpu.memory_space<vmem>>
    %dma_wait3A_978 = arith.constant 0 : i32
    %dma_wait3A_979 = tpu.memref_slice %arg4[%dma_wait3A_974, %add3A_882, %dma_wait3A_978] : memref<20x1024x768xf32, #tpu.memory_space<hbm>> -> memref<1x16x768xf32, #tpu.memory_space<hbm>>
    %dma_wait3A_980 = tpu.memref_squeeze %dma_wait3A_979 : memref<1x16x768xf32, #tpu.memory_space<hbm>> -> memref<16x768xf32, #tpu.memory_space<hbm>>
    %dma_wait3A_981 = arith.constant 0 : i32
    %dma_wait3A_982 = tpu.memref_slice %arg4[%dma_wait3A_974, %add3A_882, %dma_wait3A_981] : memref<20x1024x768xf32, #tpu.memory_space<hbm>> -> memref<1x16x768xf32, #tpu.memory_space<hbm>>
    %dma_wait3A_983 = tpu.memref_squeeze %dma_wait3A_982 : memref<1x16x768xf32, #tpu.memory_space<hbm>> -> memref<16x768xf32, #tpu.memory_space<hbm>>
    %dma_wait3A_984 = arith.constant 0 : i32
    %dma_wait3A_985 = arith.constant 2304 : i32
    %dma_wait3A_986 = tpu.memref_slice %arg7[%dma_wait3A_984, %dma_wait3A_985] : memref<16x3072xf32, #tpu.memory_space<vmem>> -> memref<16x768xf32, #tpu.memory_space<vmem>>
    tpu.wait_dma2 semaphore(%arg11 : memref<!tpu.dma_semaphore, #tpu.memory_space<semaphore_mem>>) src(%dma_wait3A_986 : memref<16x768xf32, #tpu.memory_space<vmem>>) dst(%dma_wait3A_983 : memref<16x768xf32, #tpu.memory_space<hbm>>)
    %dma_start3A_987 = arith.constant 4 : i32
    %dma_start3A_988 = arith.constant 1 : i32
    %dma_start3A_989 = arith.constant 0 : i32
    %dma_start3A_990 = tpu.memref_slice %arg5[%dma_start3A_987, %dma_start3A_988, %dma_start3A_989] : memref<5x2x16xi32, #tpu.memory_space<vmem>> -> memref<1x1x16xi32, #tpu.memory_space<vmem>>
    %dma_start3A_991 = tpu.memref_squeeze %dma_start3A_990 : memref<1x1x16xi32, #tpu.memory_space<vmem>> -> memref<16xi32, #tpu.memory_space<vmem>>
    %dma_start3A_992 = arith.constant 0 : i32
    %dma_start3A_993 = arith.constant 0 : i32
    %dma_start3A_994 = tpu.memref_slice %arg2[%dma_start3A_992, %dma_start3A_993] : memref<30x3072xf32, #tpu.memory_space<hbm>> -> memref<30x3072xf32, #tpu.memory_space<hbm>>
    tpu.enqueue_indirect_dma source(%dma_start3A_994 : memref<30x3072xf32, #tpu.memory_space<hbm>>) target(%arg7 : memref<16x3072xf32, #tpu.memory_space<vmem>>) offsets(%dma_start3A_991 : memref<16xi32, #tpu.memory_space<vmem>>) semaphore(%arg9 : memref<!tpu.dma_semaphore, #tpu.memory_space<semaphore_mem>>)
    %dma_wait3A_995 = arith.constant 4 : i32
    %dma_wait3A_996 = arith.constant 0 : i32
    %dma_wait3A_997 = arith.constant 0 : i32
    %dma_wait3A_998 = tpu.memref_slice %arg5[%dma_wait3A_995, %dma_wait3A_996, %dma_wait3A_997] : memref<5x2x16xi32, #tpu.memory_space<vmem>> -> memref<1x1x16xi32, #tpu.memory_space<vmem>>
    %dma_wait3A_999 = tpu.memref_squeeze %dma_wait3A_998 : memref<1x1x16xi32, #tpu.memory_space<vmem>> -> memref<16xi32, #tpu.memory_space<vmem>>
    %dma_wait3A_1000 = arith.constant 0 : i32
    %dma_wait3A_1001 = arith.constant 0 : i32
    %dma_wait3A_1002 = tpu.memref_slice %arg2[%dma_wait3A_1000, %dma_wait3A_1001] : memref<30x3072xf32, #tpu.memory_space<hbm>> -> memref<30x3072xf32, #tpu.memory_space<hbm>>
    tpu.wait_indirect_dma semaphore(%arg8 : memref<!tpu.dma_semaphore, #tpu.memory_space<semaphore_mem>>) src(%dma_wait3A_1002 : memref<30x3072xf32, #tpu.memory_space<hbm>>) dst(%arg6 : memref<16x3072xf32, #tpu.memory_space<vmem>>)
    %add3A_1003 = arith.constant 0 : i32
    %add3A_1004 = arith.addi %mul3A_2, %add3A_1003 : i32
    %dma_start3A_1005 = arith.constant 16 : i32
    %dma_start3A_1006 = arith.constant 0 : i32
    %dma_start3A_1007 = arith.constant 0 : i32
    %dma_start3A_1008 = tpu.memref_slice %arg6[%dma_start3A_1006, %dma_start3A_1007] : memref<16x3072xf32, #tpu.memory_space<vmem>> -> memref<16x768xf32, #tpu.memory_space<vmem>>
    %dma_start3A_1009 = arith.constant 0 : i32
    %dma_start3A_1010 = tpu.memref_slice %arg4[%dma_start3A_1005, %add3A_1004, %dma_start3A_1009] : memref<20x1024x768xf32, #tpu.memory_space<hbm>> -> memref<1x16x768xf32, #tpu.memory_space<hbm>>
    %dma_start3A_1011 = tpu.memref_squeeze %dma_start3A_1010 : memref<1x16x768xf32, #tpu.memory_space<hbm>> -> memref<16x768xf32, #tpu.memory_space<hbm>>
    %dma_start3A_1012 = arith.constant 0 : i32
    %dma_start3A_1013 = tpu.memref_slice %arg4[%dma_start3A_1005, %add3A_1004, %dma_start3A_1012] : memref<20x1024x768xf32, #tpu.memory_space<hbm>> -> memref<1x16x768xf32, #tpu.memory_space<hbm>>
    %dma_start3A_1014 = tpu.memref_squeeze %dma_start3A_1013 : memref<1x16x768xf32, #tpu.memory_space<hbm>> -> memref<16x768xf32, #tpu.memory_space<hbm>>
    %dma_start3A_1015 = arith.constant 0 : i32
    %dma_start3A_1016 = arith.constant 0 : i32
    %dma_start3A_1017 = tpu.memref_slice %arg6[%dma_start3A_1015, %dma_start3A_1016] : memref<16x3072xf32, #tpu.memory_space<vmem>> -> memref<16x768xf32, #tpu.memory_space<vmem>>
    tpu.enqueue_dma source(%dma_start3A_1017 : memref<16x768xf32, #tpu.memory_space<vmem>>) target(%dma_start3A_1014 : memref<16x768xf32, #tpu.memory_space<hbm>>) target_semaphore(%arg10 : memref<!tpu.dma_semaphore, #tpu.memory_space<semaphore_mem>>)
    %dma_start3A_1018 = arith.constant 17 : i32
    %dma_start3A_1019 = arith.constant 0 : i32
    %dma_start3A_1020 = arith.constant 768 : i32
    %dma_start3A_1021 = tpu.memref_slice %arg6[%dma_start3A_1019, %dma_start3A_1020] : memref<16x3072xf32, #tpu.memory_space<vmem>> -> memref<16x768xf32, #tpu.memory_space<vmem>>
    %dma_start3A_1022 = arith.constant 0 : i32
    %dma_start3A_1023 = tpu.memref_slice %arg4[%dma_start3A_1018, %add3A_1004, %dma_start3A_1022] : memref<20x1024x768xf32, #tpu.memory_space<hbm>> -> memref<1x16x768xf32, #tpu.memory_space<hbm>>
    %dma_start3A_1024 = tpu.memref_squeeze %dma_start3A_1023 : memref<1x16x768xf32, #tpu.memory_space<hbm>> -> memref<16x768xf32, #tpu.memory_space<hbm>>
    %dma_start3A_1025 = arith.constant 0 : i32
    %dma_start3A_1026 = tpu.memref_slice %arg4[%dma_start3A_1018, %add3A_1004, %dma_start3A_1025] : memref<20x1024x768xf32, #tpu.memory_space<hbm>> -> memref<1x16x768xf32, #tpu.memory_space<hbm>>
    %dma_start3A_1027 = tpu.memref_squeeze %dma_start3A_1026 : memref<1x16x768xf32, #tpu.memory_space<hbm>> -> memref<16x768xf32, #tpu.memory_space<hbm>>
    %dma_start3A_1028 = arith.constant 0 : i32
    %dma_start3A_1029 = arith.constant 768 : i32
    %dma_start3A_1030 = tpu.memref_slice %arg6[%dma_start3A_1028, %dma_start3A_1029] : memref<16x3072xf32, #tpu.memory_space<vmem>> -> memref<16x768xf32, #tpu.memory_space<vmem>>
    tpu.enqueue_dma source(%dma_start3A_1030 : memref<16x768xf32, #tpu.memory_space<vmem>>) target(%dma_start3A_1027 : memref<16x768xf32, #tpu.memory_space<hbm>>) target_semaphore(%arg10 : memref<!tpu.dma_semaphore, #tpu.memory_space<semaphore_mem>>)
    %dma_start3A_1031 = arith.constant 18 : i32
    %dma_start3A_1032 = arith.constant 0 : i32
    %dma_start3A_1033 = arith.constant 1536 : i32
    %dma_start3A_1034 = tpu.memref_slice %arg6[%dma_start3A_1032, %dma_start3A_1033] : memref<16x3072xf32, #tpu.memory_space<vmem>> -> memref<16x768xf32, #tpu.memory_space<vmem>>
    %dma_start3A_1035 = arith.constant 0 : i32
    %dma_start3A_1036 = tpu.memref_slice %arg4[%dma_start3A_1031, %add3A_1004, %dma_start3A_1035] : memref<20x1024x768xf32, #tpu.memory_space<hbm>> -> memref<1x16x768xf32, #tpu.memory_space<hbm>>
    %dma_start3A_1037 = tpu.memref_squeeze %dma_start3A_1036 : memref<1x16x768xf32, #tpu.memory_space<hbm>> -> memref<16x768xf32, #tpu.memory_space<hbm>>
    %dma_start3A_1038 = arith.constant 0 : i32
    %dma_start3A_1039 = tpu.memref_slice %arg4[%dma_start3A_1031, %add3A_1004, %dma_start3A_1038] : memref<20x1024x768xf32, #tpu.memory_space<hbm>> -> memref<1x16x768xf32, #tpu.memory_space<hbm>>
    %dma_start3A_1040 = tpu.memref_squeeze %dma_start3A_1039 : memref<1x16x768xf32, #tpu.memory_space<hbm>> -> memref<16x768xf32, #tpu.memory_space<hbm>>
    %dma_start3A_1041 = arith.constant 0 : i32
    %dma_start3A_1042 = arith.constant 1536 : i32
    %dma_start3A_1043 = tpu.memref_slice %arg6[%dma_start3A_1041, %dma_start3A_1042] : memref<16x3072xf32, #tpu.memory_space<vmem>> -> memref<16x768xf32, #tpu.memory_space<vmem>>
    tpu.enqueue_dma source(%dma_start3A_1043 : memref<16x768xf32, #tpu.memory_space<vmem>>) target(%dma_start3A_1040 : memref<16x768xf32, #tpu.memory_space<hbm>>) target_semaphore(%arg10 : memref<!tpu.dma_semaphore, #tpu.memory_space<semaphore_mem>>)
    %dma_start3A_1044 = arith.constant 19 : i32
    %dma_start3A_1045 = arith.constant 0 : i32
    %dma_start3A_1046 = arith.constant 2304 : i32
    %dma_start3A_1047 = tpu.memref_slice %arg6[%dma_start3A_1045, %dma_start3A_1046] : memref<16x3072xf32, #tpu.memory_space<vmem>> -> memref<16x768xf32, #tpu.memory_space<vmem>>
    %dma_start3A_1048 = arith.constant 0 : i32
    %dma_start3A_1049 = tpu.memref_slice %arg4[%dma_start3A_1044, %add3A_1004, %dma_start3A_1048] : memref<20x1024x768xf32, #tpu.memory_space<hbm>> -> memref<1x16x768xf32, #tpu.memory_space<hbm>>
    %dma_start3A_1050 = tpu.memref_squeeze %dma_start3A_1049 : memref<1x16x768xf32, #tpu.memory_space<hbm>> -> memref<16x768xf32, #tpu.memory_space<hbm>>
    %dma_start3A_1051 = arith.constant 0 : i32
    %dma_start3A_1052 = tpu.memref_slice %arg4[%dma_start3A_1044, %add3A_1004, %dma_start3A_1051] : memref<20x1024x768xf32, #tpu.memory_space<hbm>> -> memref<1x16x768xf32, #tpu.memory_space<hbm>>
    %dma_start3A_1053 = tpu.memref_squeeze %dma_start3A_1052 : memref<1x16x768xf32, #tpu.memory_space<hbm>> -> memref<16x768xf32, #tpu.memory_space<hbm>>
    %dma_start3A_1054 = arith.constant 0 : i32
    %dma_start3A_1055 = arith.constant 2304 : i32
    %dma_start3A_1056 = tpu.memref_slice %arg6[%dma_start3A_1054, %dma_start3A_1055] : memref<16x3072xf32, #tpu.memory_space<vmem>> -> memref<16x768xf32, #tpu.memory_space<vmem>>
    tpu.enqueue_dma source(%dma_start3A_1056 : memref<16x768xf32, #tpu.memory_space<vmem>>) target(%dma_start3A_1053 : memref<16x768xf32, #tpu.memory_space<hbm>>) target_semaphore(%arg10 : memref<!tpu.dma_semaphore, #tpu.memory_space<semaphore_mem>>)
    %dma_wait3A_1057 = arith.constant 4 : i32
    %dma_wait3A_1058 = arith.constant 1 : i32
    %dma_wait3A_1059 = arith.constant 0 : i32
    %dma_wait3A_1060 = tpu.memref_slice %arg5[%dma_wait3A_1057, %dma_wait3A_1058, %dma_wait3A_1059] : memref<5x2x16xi32, #tpu.memory_space<vmem>> -> memref<1x1x16xi32, #tpu.memory_space<vmem>>
    %dma_wait3A_1061 = tpu.memref_squeeze %dma_wait3A_1060 : memref<1x1x16xi32, #tpu.memory_space<vmem>> -> memref<16xi32, #tpu.memory_space<vmem>>
    %dma_wait3A_1062 = arith.constant 0 : i32
    %dma_wait3A_1063 = arith.constant 0 : i32
    %dma_wait3A_1064 = tpu.memref_slice %arg2[%dma_wait3A_1062, %dma_wait3A_1063] : memref<30x3072xf32, #tpu.memory_space<hbm>> -> memref<30x3072xf32, #tpu.memory_space<hbm>>
    tpu.wait_indirect_dma semaphore(%arg9 : memref<!tpu.dma_semaphore, #tpu.memory_space<semaphore_mem>>) src(%dma_wait3A_1064 : memref<30x3072xf32, #tpu.memory_space<hbm>>) dst(%arg7 : memref<16x3072xf32, #tpu.memory_space<vmem>>)
    %add3A_1065 = arith.constant 16 : i32
    %add3A_1066 = arith.addi %mul3A_2, %add3A_1065 : i32
    %dma_start3A_1067 = arith.constant 16 : i32
    %dma_start3A_1068 = arith.constant 0 : i32
    %dma_start3A_1069 = arith.constant 0 : i32
    %dma_start3A_1070 = tpu.memref_slice %arg7[%dma_start3A_1068, %dma_start3A_1069] : memref<16x3072xf32, #tpu.memory_space<vmem>> -> memref<16x768xf32, #tpu.memory_space<vmem>>
    %dma_start3A_1071 = arith.constant 0 : i32
    %dma_start3A_1072 = tpu.memref_slice %arg4[%dma_start3A_1067, %add3A_1066, %dma_start3A_1071] : memref<20x1024x768xf32, #tpu.memory_space<hbm>> -> memref<1x16x768xf32, #tpu.memory_space<hbm>>
    %dma_start3A_1073 = tpu.memref_squeeze %dma_start3A_1072 : memref<1x16x768xf32, #tpu.memory_space<hbm>> -> memref<16x768xf32, #tpu.memory_space<hbm>>
    %dma_start3A_1074 = arith.constant 0 : i32
    %dma_start3A_1075 = tpu.memref_slice %arg4[%dma_start3A_1067, %add3A_1066, %dma_start3A_1074] : memref<20x1024x768xf32, #tpu.memory_space<hbm>> -> memref<1x16x768xf32, #tpu.memory_space<hbm>>
    %dma_start3A_1076 = tpu.memref_squeeze %dma_start3A_1075 : memref<1x16x768xf32, #tpu.memory_space<hbm>> -> memref<16x768xf32, #tpu.memory_space<hbm>>
    %dma_start3A_1077 = arith.constant 0 : i32
    %dma_start3A_1078 = arith.constant 0 : i32
    %dma_start3A_1079 = tpu.memref_slice %arg7[%dma_start3A_1077, %dma_start3A_1078] : memref<16x3072xf32, #tpu.memory_space<vmem>> -> memref<16x768xf32, #tpu.memory_space<vmem>>
    tpu.enqueue_dma source(%dma_start3A_1079 : memref<16x768xf32, #tpu.memory_space<vmem>>) target(%dma_start3A_1076 : memref<16x768xf32, #tpu.memory_space<hbm>>) target_semaphore(%arg11 : memref<!tpu.dma_semaphore, #tpu.memory_space<semaphore_mem>>)
    %dma_start3A_1080 = arith.constant 17 : i32
    %dma_start3A_1081 = arith.constant 0 : i32
    %dma_start3A_1082 = arith.constant 768 : i32
    %dma_start3A_1083 = tpu.memref_slice %arg7[%dma_start3A_1081, %dma_start3A_1082] : memref<16x3072xf32, #tpu.memory_space<vmem>> -> memref<16x768xf32, #tpu.memory_space<vmem>>
    %dma_start3A_1084 = arith.constant 0 : i32
    %dma_start3A_1085 = tpu.memref_slice %arg4[%dma_start3A_1080, %add3A_1066, %dma_start3A_1084] : memref<20x1024x768xf32, #tpu.memory_space<hbm>> -> memref<1x16x768xf32, #tpu.memory_space<hbm>>
    %dma_start3A_1086 = tpu.memref_squeeze %dma_start3A_1085 : memref<1x16x768xf32, #tpu.memory_space<hbm>> -> memref<16x768xf32, #tpu.memory_space<hbm>>
    %dma_start3A_1087 = arith.constant 0 : i32
    %dma_start3A_1088 = tpu.memref_slice %arg4[%dma_start3A_1080, %add3A_1066, %dma_start3A_1087] : memref<20x1024x768xf32, #tpu.memory_space<hbm>> -> memref<1x16x768xf32, #tpu.memory_space<hbm>>
    %dma_start3A_1089 = tpu.memref_squeeze %dma_start3A_1088 : memref<1x16x768xf32, #tpu.memory_space<hbm>> -> memref<16x768xf32, #tpu.memory_space<hbm>>
    %dma_start3A_1090 = arith.constant 0 : i32
    %dma_start3A_1091 = arith.constant 768 : i32
    %dma_start3A_1092 = tpu.memref_slice %arg7[%dma_start3A_1090, %dma_start3A_1091] : memref<16x3072xf32, #tpu.memory_space<vmem>> -> memref<16x768xf32, #tpu.memory_space<vmem>>
    tpu.enqueue_dma source(%dma_start3A_1092 : memref<16x768xf32, #tpu.memory_space<vmem>>) target(%dma_start3A_1089 : memref<16x768xf32, #tpu.memory_space<hbm>>) target_semaphore(%arg11 : memref<!tpu.dma_semaphore, #tpu.memory_space<semaphore_mem>>)
    %dma_start3A_1093 = arith.constant 18 : i32
    %dma_start3A_1094 = arith.constant 0 : i32
    %dma_start3A_1095 = arith.constant 1536 : i32
    %dma_start3A_1096 = tpu.memref_slice %arg7[%dma_start3A_1094, %dma_start3A_1095] : memref<16x3072xf32, #tpu.memory_space<vmem>> -> memref<16x768xf32, #tpu.memory_space<vmem>>
    %dma_start3A_1097 = arith.constant 0 : i32
    %dma_start3A_1098 = tpu.memref_slice %arg4[%dma_start3A_1093, %add3A_1066, %dma_start3A_1097] : memref<20x1024x768xf32, #tpu.memory_space<hbm>> -> memref<1x16x768xf32, #tpu.memory_space<hbm>>
    %dma_start3A_1099 = tpu.memref_squeeze %dma_start3A_1098 : memref<1x16x768xf32, #tpu.memory_space<hbm>> -> memref<16x768xf32, #tpu.memory_space<hbm>>
    %dma_start3A_1100 = arith.constant 0 : i32
    %dma_start3A_1101 = tpu.memref_slice %arg4[%dma_start3A_1093, %add3A_1066, %dma_start3A_1100] : memref<20x1024x768xf32, #tpu.memory_space<hbm>> -> memref<1x16x768xf32, #tpu.memory_space<hbm>>
    %dma_start3A_1102 = tpu.memref_squeeze %dma_start3A_1101 : memref<1x16x768xf32, #tpu.memory_space<hbm>> -> memref<16x768xf32, #tpu.memory_space<hbm>>
    %dma_start3A_1103 = arith.constant 0 : i32
    %dma_start3A_1104 = arith.constant 1536 : i32
    %dma_start3A_1105 = tpu.memref_slice %arg7[%dma_start3A_1103, %dma_start3A_1104] : memref<16x3072xf32, #tpu.memory_space<vmem>> -> memref<16x768xf32, #tpu.memory_space<vmem>>
    tpu.enqueue_dma source(%dma_start3A_1105 : memref<16x768xf32, #tpu.memory_space<vmem>>) target(%dma_start3A_1102 : memref<16x768xf32, #tpu.memory_space<hbm>>) target_semaphore(%arg11 : memref<!tpu.dma_semaphore, #tpu.memory_space<semaphore_mem>>)
    %dma_start3A_1106 = arith.constant 19 : i32
    %dma_start3A_1107 = arith.constant 0 : i32
    %dma_start3A_1108 = arith.constant 2304 : i32
    %dma_start3A_1109 = tpu.memref_slice %arg7[%dma_start3A_1107, %dma_start3A_1108] : memref<16x3072xf32, #tpu.memory_space<vmem>> -> memref<16x768xf32, #tpu.memory_space<vmem>>
    %dma_start3A_1110 = arith.constant 0 : i32
    %dma_start3A_1111 = tpu.memref_slice %arg4[%dma_start3A_1106, %add3A_1066, %dma_start3A_1110] : memref<20x1024x768xf32, #tpu.memory_space<hbm>> -> memref<1x16x768xf32, #tpu.memory_space<hbm>>
    %dma_start3A_1112 = tpu.memref_squeeze %dma_start3A_1111 : memref<1x16x768xf32, #tpu.memory_space<hbm>> -> memref<16x768xf32, #tpu.memory_space<hbm>>
    %dma_start3A_1113 = arith.constant 0 : i32
    %dma_start3A_1114 = tpu.memref_slice %arg4[%dma_start3A_1106, %add3A_1066, %dma_start3A_1113] : memref<20x1024x768xf32, #tpu.memory_space<hbm>> -> memref<1x16x768xf32, #tpu.memory_space<hbm>>
    %dma_start3A_1115 = tpu.memref_squeeze %dma_start3A_1114 : memref<1x16x768xf32, #tpu.memory_space<hbm>> -> memref<16x768xf32, #tpu.memory_space<hbm>>
    %dma_start3A_1116 = arith.constant 0 : i32
    %dma_start3A_1117 = arith.constant 2304 : i32
    %dma_start3A_1118 = tpu.memref_slice %arg7[%dma_start3A_1116, %dma_start3A_1117] : memref<16x3072xf32, #tpu.memory_space<vmem>> -> memref<16x768xf32, #tpu.memory_space<vmem>>
    tpu.enqueue_dma source(%dma_start3A_1118 : memref<16x768xf32, #tpu.memory_space<vmem>>) target(%dma_start3A_1115 : memref<16x768xf32, #tpu.memory_space<hbm>>) target_semaphore(%arg11 : memref<!tpu.dma_semaphore, #tpu.memory_space<semaphore_mem>>)
    %dma_wait3A_1119 = arith.constant 16 : i32
    %dma_wait3A_1120 = arith.constant 0 : i32
    %dma_wait3A_1121 = arith.constant 0 : i32
    %dma_wait3A_1122 = tpu.memref_slice %arg6[%dma_wait3A_1120, %dma_wait3A_1121] : memref<16x3072xf32, #tpu.memory_space<vmem>> -> memref<16x768xf32, #tpu.memory_space<vmem>>
    %dma_wait3A_1123 = arith.constant 0 : i32
    %dma_wait3A_1124 = tpu.memref_slice %arg4[%dma_wait3A_1119, %add3A_1004, %dma_wait3A_1123] : memref<20x1024x768xf32, #tpu.memory_space<hbm>> -> memref<1x16x768xf32, #tpu.memory_space<hbm>>
    %dma_wait3A_1125 = tpu.memref_squeeze %dma_wait3A_1124 : memref<1x16x768xf32, #tpu.memory_space<hbm>> -> memref<16x768xf32, #tpu.memory_space<hbm>>
    %dma_wait3A_1126 = arith.constant 0 : i32
    %dma_wait3A_1127 = tpu.memref_slice %arg4[%dma_wait3A_1119, %add3A_1004, %dma_wait3A_1126] : memref<20x1024x768xf32, #tpu.memory_space<hbm>> -> memref<1x16x768xf32, #tpu.memory_space<hbm>>
    %dma_wait3A_1128 = tpu.memref_squeeze %dma_wait3A_1127 : memref<1x16x768xf32, #tpu.memory_space<hbm>> -> memref<16x768xf32, #tpu.memory_space<hbm>>
    %dma_wait3A_1129 = arith.constant 0 : i32
    %dma_wait3A_1130 = arith.constant 0 : i32
    %dma_wait3A_1131 = tpu.memref_slice %arg6[%dma_wait3A_1129, %dma_wait3A_1130] : memref<16x3072xf32, #tpu.memory_space<vmem>> -> memref<16x768xf32, #tpu.memory_space<vmem>>
    tpu.wait_dma2 semaphore(%arg10 : memref<!tpu.dma_semaphore, #tpu.memory_space<semaphore_mem>>) src(%dma_wait3A_1131 : memref<16x768xf32, #tpu.memory_space<vmem>>) dst(%dma_wait3A_1128 : memref<16x768xf32, #tpu.memory_space<hbm>>)
    %dma_wait3A_1132 = arith.constant 17 : i32
    %dma_wait3A_1133 = arith.constant 0 : i32
    %dma_wait3A_1134 = arith.constant 768 : i32
    %dma_wait3A_1135 = tpu.memref_slice %arg6[%dma_wait3A_1133, %dma_wait3A_1134] : memref<16x3072xf32, #tpu.memory_space<vmem>> -> memref<16x768xf32, #tpu.memory_space<vmem>>
    %dma_wait3A_1136 = arith.constant 0 : i32
    %dma_wait3A_1137 = tpu.memref_slice %arg4[%dma_wait3A_1132, %add3A_1004, %dma_wait3A_1136] : memref<20x1024x768xf32, #tpu.memory_space<hbm>> -> memref<1x16x768xf32, #tpu.memory_space<hbm>>
    %dma_wait3A_1138 = tpu.memref_squeeze %dma_wait3A_1137 : memref<1x16x768xf32, #tpu.memory_space<hbm>> -> memref<16x768xf32, #tpu.memory_space<hbm>>
    %dma_wait3A_1139 = arith.constant 0 : i32
    %dma_wait3A_1140 = tpu.memref_slice %arg4[%dma_wait3A_1132, %add3A_1004, %dma_wait3A_1139] : memref<20x1024x768xf32, #tpu.memory_space<hbm>> -> memref<1x16x768xf32, #tpu.memory_space<hbm>>
    %dma_wait3A_1141 = tpu.memref_squeeze %dma_wait3A_1140 : memref<1x16x768xf32, #tpu.memory_space<hbm>> -> memref<16x768xf32, #tpu.memory_space<hbm>>
    %dma_wait3A_1142 = arith.constant 0 : i32
    %dma_wait3A_1143 = arith.constant 768 : i32
    %dma_wait3A_1144 = tpu.memref_slice %arg6[%dma_wait3A_1142, %dma_wait3A_1143] : memref<16x3072xf32, #tpu.memory_space<vmem>> -> memref<16x768xf32, #tpu.memory_space<vmem>>
    tpu.wait_dma2 semaphore(%arg10 : memref<!tpu.dma_semaphore, #tpu.memory_space<semaphore_mem>>) src(%dma_wait3A_1144 : memref<16x768xf32, #tpu.memory_space<vmem>>) dst(%dma_wait3A_1141 : memref<16x768xf32, #tpu.memory_space<hbm>>)
    %dma_wait3A_1145 = arith.constant 18 : i32
    %dma_wait3A_1146 = arith.constant 0 : i32
    %dma_wait3A_1147 = arith.constant 1536 : i32
    %dma_wait3A_1148 = tpu.memref_slice %arg6[%dma_wait3A_1146, %dma_wait3A_1147] : memref<16x3072xf32, #tpu.memory_space<vmem>> -> memref<16x768xf32, #tpu.memory_space<vmem>>
    %dma_wait3A_1149 = arith.constant 0 : i32
    %dma_wait3A_1150 = tpu.memref_slice %arg4[%dma_wait3A_1145, %add3A_1004, %dma_wait3A_1149] : memref<20x1024x768xf32, #tpu.memory_space<hbm>> -> memref<1x16x768xf32, #tpu.memory_space<hbm>>
    %dma_wait3A_1151 = tpu.memref_squeeze %dma_wait3A_1150 : memref<1x16x768xf32, #tpu.memory_space<hbm>> -> memref<16x768xf32, #tpu.memory_space<hbm>>
    %dma_wait3A_1152 = arith.constant 0 : i32
    %dma_wait3A_1153 = tpu.memref_slice %arg4[%dma_wait3A_1145, %add3A_1004, %dma_wait3A_1152] : memref<20x1024x768xf32, #tpu.memory_space<hbm>> -> memref<1x16x768xf32, #tpu.memory_space<hbm>>
    %dma_wait3A_1154 = tpu.memref_squeeze %dma_wait3A_1153 : memref<1x16x768xf32, #tpu.memory_space<hbm>> -> memref<16x768xf32, #tpu.memory_space<hbm>>
    %dma_wait3A_1155 = arith.constant 0 : i32
    %dma_wait3A_1156 = arith.constant 1536 : i32
    %dma_wait3A_1157 = tpu.memref_slice %arg6[%dma_wait3A_1155, %dma_wait3A_1156] : memref<16x3072xf32, #tpu.memory_space<vmem>> -> memref<16x768xf32, #tpu.memory_space<vmem>>
    tpu.wait_dma2 semaphore(%arg10 : memref<!tpu.dma_semaphore, #tpu.memory_space<semaphore_mem>>) src(%dma_wait3A_1157 : memref<16x768xf32, #tpu.memory_space<vmem>>) dst(%dma_wait3A_1154 : memref<16x768xf32, #tpu.memory_space<hbm>>)
    %dma_wait3A_1158 = arith.constant 19 : i32
    %dma_wait3A_1159 = arith.constant 0 : i32
    %dma_wait3A_1160 = arith.constant 2304 : i32
    %dma_wait3A_1161 = tpu.memref_slice %arg6[%dma_wait3A_1159, %dma_wait3A_1160] : memref<16x3072xf32, #tpu.memory_space<vmem>> -> memref<16x768xf32, #tpu.memory_space<vmem>>
    %dma_wait3A_1162 = arith.constant 0 : i32
    %dma_wait3A_1163 = tpu.memref_slice %arg4[%dma_wait3A_1158, %add3A_1004, %dma_wait3A_1162] : memref<20x1024x768xf32, #tpu.memory_space<hbm>> -> memref<1x16x768xf32, #tpu.memory_space<hbm>>
    %dma_wait3A_1164 = tpu.memref_squeeze %dma_wait3A_1163 : memref<1x16x768xf32, #tpu.memory_space<hbm>> -> memref<16x768xf32, #tpu.memory_space<hbm>>
    %dma_wait3A_1165 = arith.constant 0 : i32
    %dma_wait3A_1166 = tpu.memref_slice %arg4[%dma_wait3A_1158, %add3A_1004, %dma_wait3A_1165] : memref<20x1024x768xf32, #tpu.memory_space<hbm>> -> memref<1x16x768xf32, #tpu.memory_space<hbm>>
    %dma_wait3A_1167 = tpu.memref_squeeze %dma_wait3A_1166 : memref<1x16x768xf32, #tpu.memory_space<hbm>> -> memref<16x768xf32, #tpu.memory_space<hbm>>
    %dma_wait3A_1168 = arith.constant 0 : i32
    %dma_wait3A_1169 = arith.constant 2304 : i32
    %dma_wait3A_1170 = tpu.memref_slice %arg6[%dma_wait3A_1168, %dma_wait3A_1169] : memref<16x3072xf32, #tpu.memory_space<vmem>> -> memref<16x768xf32, #tpu.memory_space<vmem>>
    tpu.wait_dma2 semaphore(%arg10 : memref<!tpu.dma_semaphore, #tpu.memory_space<semaphore_mem>>) src(%dma_wait3A_1170 : memref<16x768xf32, #tpu.memory_space<vmem>>) dst(%dma_wait3A_1167 : memref<16x768xf32, #tpu.memory_space<hbm>>)
    %dma_wait3A_1171 = arith.constant 16 : i32
    %dma_wait3A_1172 = arith.constant 0 : i32
    %dma_wait3A_1173 = arith.constant 0 : i32
    %dma_wait3A_1174 = tpu.memref_slice %arg7[%dma_wait3A_1172, %dma_wait3A_1173] : memref<16x3072xf32, #tpu.memory_space<vmem>> -> memref<16x768xf32, #tpu.memory_space<vmem>>
    %dma_wait3A_1175 = arith.constant 0 : i32
    %dma_wait3A_1176 = tpu.memref_slice %arg4[%dma_wait3A_1171, %add3A_1066, %dma_wait3A_1175] : memref<20x1024x768xf32, #tpu.memory_space<hbm>> -> memref<1x16x768xf32, #tpu.memory_space<hbm>>
    %dma_wait3A_1177 = tpu.memref_squeeze %dma_wait3A_1176 : memref<1x16x768xf32, #tpu.memory_space<hbm>> -> memref<16x768xf32, #tpu.memory_space<hbm>>
    %dma_wait3A_1178 = arith.constant 0 : i32
    %dma_wait3A_1179 = tpu.memref_slice %arg4[%dma_wait3A_1171, %add3A_1066, %dma_wait3A_1178] : memref<20x1024x768xf32, #tpu.memory_space<hbm>> -> memref<1x16x768xf32, #tpu.memory_space<hbm>>
    %dma_wait3A_1180 = tpu.memref_squeeze %dma_wait3A_1179 : memref<1x16x768xf32, #tpu.memory_space<hbm>> -> memref<16x768xf32, #tpu.memory_space<hbm>>
    %dma_wait3A_1181 = arith.constant 0 : i32
    %dma_wait3A_1182 = arith.constant 0 : i32
    %dma_wait3A_1183 = tpu.memref_slice %arg7[%dma_wait3A_1181, %dma_wait3A_1182] : memref<16x3072xf32, #tpu.memory_space<vmem>> -> memref<16x768xf32, #tpu.memory_space<vmem>>
    tpu.wait_dma2 semaphore(%arg11 : memref<!tpu.dma_semaphore, #tpu.memory_space<semaphore_mem>>) src(%dma_wait3A_1183 : memref<16x768xf32, #tpu.memory_space<vmem>>) dst(%dma_wait3A_1180 : memref<16x768xf32, #tpu.memory_space<hbm>>)
    %dma_wait3A_1184 = arith.constant 17 : i32
    %dma_wait3A_1185 = arith.constant 0 : i32
    %dma_wait3A_1186 = arith.constant 768 : i32
    %dma_wait3A_1187 = tpu.memref_slice %arg7[%dma_wait3A_1185, %dma_wait3A_1186] : memref<16x3072xf32, #tpu.memory_space<vmem>> -> memref<16x768xf32, #tpu.memory_space<vmem>>
    %dma_wait3A_1188 = arith.constant 0 : i32
    %dma_wait3A_1189 = tpu.memref_slice %arg4[%dma_wait3A_1184, %add3A_1066, %dma_wait3A_1188] : memref<20x1024x768xf32, #tpu.memory_space<hbm>> -> memref<1x16x768xf32, #tpu.memory_space<hbm>>
    %dma_wait3A_1190 = tpu.memref_squeeze %dma_wait3A_1189 : memref<1x16x768xf32, #tpu.memory_space<hbm>> -> memref<16x768xf32, #tpu.memory_space<hbm>>
    %dma_wait3A_1191 = arith.constant 0 : i32
    %dma_wait3A_1192 = tpu.memref_slice %arg4[%dma_wait3A_1184, %add3A_1066, %dma_wait3A_1191] : memref<20x1024x768xf32, #tpu.memory_space<hbm>> -> memref<1x16x768xf32, #tpu.memory_space<hbm>>
    %dma_wait3A_1193 = tpu.memref_squeeze %dma_wait3A_1192 : memref<1x16x768xf32, #tpu.memory_space<hbm>> -> memref<16x768xf32, #tpu.memory_space<hbm>>
    %dma_wait3A_1194 = arith.constant 0 : i32
    %dma_wait3A_1195 = arith.constant 768 : i32
    %dma_wait3A_1196 = tpu.memref_slice %arg7[%dma_wait3A_1194, %dma_wait3A_1195] : memref<16x3072xf32, #tpu.memory_space<vmem>> -> memref<16x768xf32, #tpu.memory_space<vmem>>
    tpu.wait_dma2 semaphore(%arg11 : memref<!tpu.dma_semaphore, #tpu.memory_space<semaphore_mem>>) src(%dma_wait3A_1196 : memref<16x768xf32, #tpu.memory_space<vmem>>) dst(%dma_wait3A_1193 : memref<16x768xf32, #tpu.memory_space<hbm>>)
    %dma_wait3A_1197 = arith.constant 18 : i32
    %dma_wait3A_1198 = arith.constant 0 : i32
    %dma_wait3A_1199 = arith.constant 1536 : i32
    %dma_wait3A_1200 = tpu.memref_slice %arg7[%dma_wait3A_1198, %dma_wait3A_1199] : memref<16x3072xf32, #tpu.memory_space<vmem>> -> memref<16x768xf32, #tpu.memory_space<vmem>>
    %dma_wait3A_1201 = arith.constant 0 : i32
    %dma_wait3A_1202 = tpu.memref_slice %arg4[%dma_wait3A_1197, %add3A_1066, %dma_wait3A_1201] : memref<20x1024x768xf32, #tpu.memory_space<hbm>> -> memref<1x16x768xf32, #tpu.memory_space<hbm>>
    %dma_wait3A_1203 = tpu.memref_squeeze %dma_wait3A_1202 : memref<1x16x768xf32, #tpu.memory_space<hbm>> -> memref<16x768xf32, #tpu.memory_space<hbm>>
    %dma_wait3A_1204 = arith.constant 0 : i32
    %dma_wait3A_1205 = tpu.memref_slice %arg4[%dma_wait3A_1197, %add3A_1066, %dma_wait3A_1204] : memref<20x1024x768xf32, #tpu.memory_space<hbm>> -> memref<1x16x768xf32, #tpu.memory_space<hbm>>
    %dma_wait3A_1206 = tpu.memref_squeeze %dma_wait3A_1205 : memref<1x16x768xf32, #tpu.memory_space<hbm>> -> memref<16x768xf32, #tpu.memory_space<hbm>>
    %dma_wait3A_1207 = arith.constant 0 : i32
    %dma_wait3A_1208 = arith.constant 1536 : i32
    %dma_wait3A_1209 = tpu.memref_slice %arg7[%dma_wait3A_1207, %dma_wait3A_1208] : memref<16x3072xf32, #tpu.memory_space<vmem>> -> memref<16x768xf32, #tpu.memory_space<vmem>>
    tpu.wait_dma2 semaphore(%arg11 : memref<!tpu.dma_semaphore, #tpu.memory_space<semaphore_mem>>) src(%dma_wait3A_1209 : memref<16x768xf32, #tpu.memory_space<vmem>>) dst(%dma_wait3A_1206 : memref<16x768xf32, #tpu.memory_space<hbm>>)
    %dma_wait3A_1210 = arith.constant 19 : i32
    %dma_wait3A_1211 = arith.constant 0 : i32
    %dma_wait3A_1212 = arith.constant 2304 : i32
    %dma_wait3A_1213 = tpu.memref_slice %arg7[%dma_wait3A_1211, %dma_wait3A_1212] : memref<16x3072xf32, #tpu.memory_space<vmem>> -> memref<16x768xf32, #tpu.memory_space<vmem>>
    %dma_wait3A_1214 = arith.constant 0 : i32
    %dma_wait3A_1215 = tpu.memref_slice %arg4[%dma_wait3A_1210, %add3A_1066, %dma_wait3A_1214] : memref<20x1024x768xf32, #tpu.memory_space<hbm>> -> memref<1x16x768xf32, #tpu.memory_space<hbm>>
    %dma_wait3A_1216 = tpu.memref_squeeze %dma_wait3A_1215 : memref<1x16x768xf32, #tpu.memory_space<hbm>> -> memref<16x768xf32, #tpu.memory_space<hbm>>
    %dma_wait3A_1217 = arith.constant 0 : i32
    %dma_wait3A_1218 = tpu.memref_slice %arg4[%dma_wait3A_1210, %add3A_1066, %dma_wait3A_1217] : memref<20x1024x768xf32, #tpu.memory_space<hbm>> -> memref<1x16x768xf32, #tpu.memory_space<hbm>>
    %dma_wait3A_1219 = tpu.memref_squeeze %dma_wait3A_1218 : memref<1x16x768xf32, #tpu.memory_space<hbm>> -> memref<16x768xf32, #tpu.memory_space<hbm>>
    %dma_wait3A_1220 = arith.constant 0 : i32
    %dma_wait3A_1221 = arith.constant 2304 : i32
    %dma_wait3A_1222 = tpu.memref_slice %arg7[%dma_wait3A_1220, %dma_wait3A_1221] : memref<16x3072xf32, #tpu.memory_space<vmem>> -> memref<16x768xf32, #tpu.memory_space<vmem>>
    tpu.wait_dma2 semaphore(%arg11 : memref<!tpu.dma_semaphore, #tpu.memory_space<semaphore_mem>>) src(%dma_wait3A_1222 : memref<16x768xf32, #tpu.memory_space<vmem>>) dst(%dma_wait3A_1219 : memref<16x768xf32, #tpu.memory_space<hbm>>)
    return
  }
}

module attributes {stable_mosaic.version = 14 : i64} {
  func.func @_topk_body(%arg0: memref<1024x768xf32, #tpu.memory_space<vmem>>, %arg1: memref<30x768xf32, #tpu.memory_space<vmem>>, %arg2: memref<1024x8xi32, #tpu.memory_space<vmem>>) attributes {dimension_semantics = [], scalar_prefetch = 0 : i64, scratch_operands = 0 : i64, tpu.core_type = #tpu.core_type<tc>} {
    %get3A = arith.constant 0 : index
    %get3A_0 = arith.constant 0 : index
    %get3A_1 = vector.load %arg0[%get3A, %get3A_0] : memref<1024x768xf32, #tpu.memory_space<vmem>>, vector<1024x768xf32>
    %get3A_2 = arith.constant 0 : index
    %get3A_3 = arith.constant 0 : index
    %get3A_4 = vector.load %arg1[%get3A_2, %get3A_3] : memref<30x768xf32, #tpu.memory_space<vmem>>, vector<30x768xf32>
    %dot_general3A = arith.constant dense<0.000000e+00> : vector<1024x30xf32>
    %dot_general3A_5 = tpu.matmul %get3A_1, %get3A_4, %dot_general3A {dimension_numbers = #tpu.dot_dimension_numbers<[1], [1], [0], [0], [0, 0, 1, 0], [], []>, transpose_lhs_hint = false} : vector<1024x768xf32>, vector<30x768xf32>, vector<1024x30xf32> -> vector<1024x30xf32>
    %iota3A = tpu.iota {dimensions = array<i32: 1>} : vector<1024x30xi32>
    %reduce_max3A = arith.constant dense<0xFF800000> : vector<1024xf32>
    %reduce_max3A_6 = vector.multi_reduction <maximumf>, %dot_general3A_5, %reduce_max3A [1] : vector<1024x30xf32> to vector<1024xf32>
    %broadcast_in_dim3A = vector.shape_cast %reduce_max3A_6 : vector<1024xf32> to vector<1024x1xf32>
    %eq3A = vector.broadcast %broadcast_in_dim3A : vector<1024x1xf32> to vector<1024x30xf32>
    %eq3A_7 = arith.cmpf oeq, %dot_general3A_5, %eq3A : vector<1024x30xf32>
    %jit3A = arith.constant 30 : i32
    %broadcast_in_dim3A_8 = vector.broadcast %jit3A : i32 to vector<1024x30xi32>
    %select_n3A = arith.select %eq3A_7, %iota3A, %broadcast_in_dim3A_8 : vector<1024x30xi1>, vector<1024x30xi32>
    %reduce_min3A = arith.constant dense<2147483647> : vector<1024xi32>
    %reduce_min3A_9 = vector.multi_reduction <minsi>, %select_n3A, %reduce_min3A [1] : vector<1024x30xi32> to vector<1024xi32>
    %broadcast_in_dim3A_10 = vector.shape_cast %reduce_min3A_9 : vector<1024xi32> to vector<1024x1xi32>
    %eq3A_11 = vector.broadcast %broadcast_in_dim3A_10 : vector<1024x1xi32> to vector<1024x30xi32>
    %eq3A_12 = arith.cmpi eq, %iota3A, %eq3A_11 : vector<1024x30xi32>
    %jit3A_13 = arith.constant 0xFF800000 : f32
    %broadcast_in_dim3A_14 = vector.broadcast %jit3A_13 : f32 to vector<1024x30xf32>
    %select_n3A_15 = arith.select %eq3A_12, %broadcast_in_dim3A_14, %dot_general3A_5 : vector<1024x30xi1>, vector<1024x30xf32>
    %reduce_max3A_16 = arith.constant dense<0xFF800000> : vector<1024xf32>
    %reduce_max3A_17 = vector.multi_reduction <maximumf>, %select_n3A_15, %reduce_max3A_16 [1] : vector<1024x30xf32> to vector<1024xf32>
    %broadcast_in_dim3A_18 = vector.shape_cast %reduce_max3A_17 : vector<1024xf32> to vector<1024x1xf32>
    %eq3A_19 = vector.broadcast %broadcast_in_dim3A_18 : vector<1024x1xf32> to vector<1024x30xf32>
    %eq3A_20 = arith.cmpf oeq, %select_n3A_15, %eq3A_19 : vector<1024x30xf32>
    %jit3A_21 = arith.constant 30 : i32
    %broadcast_in_dim3A_22 = vector.broadcast %jit3A_21 : i32 to vector<1024x30xi32>
    %select_n3A_23 = arith.select %eq3A_20, %iota3A, %broadcast_in_dim3A_22 : vector<1024x30xi1>, vector<1024x30xi32>
    %reduce_min3A_24 = arith.constant dense<2147483647> : vector<1024xi32>
    %reduce_min3A_25 = vector.multi_reduction <minsi>, %select_n3A_23, %reduce_min3A_24 [1] : vector<1024x30xi32> to vector<1024xi32>
    %broadcast_in_dim3A_26 = vector.shape_cast %reduce_min3A_25 : vector<1024xi32> to vector<1024x1xi32>
    %eq3A_27 = vector.broadcast %broadcast_in_dim3A_26 : vector<1024x1xi32> to vector<1024x30xi32>
    %eq3A_28 = arith.cmpi eq, %iota3A, %eq3A_27 : vector<1024x30xi32>
    %jit3A_29 = arith.constant 0xFF800000 : f32
    %broadcast_in_dim3A_30 = vector.broadcast %jit3A_29 : f32 to vector<1024x30xf32>
    %select_n3A_31 = arith.select %eq3A_28, %broadcast_in_dim3A_30, %select_n3A_15 : vector<1024x30xi1>, vector<1024x30xf32>
    %reduce_max3A_32 = arith.constant dense<0xFF800000> : vector<1024xf32>
    %reduce_max3A_33 = vector.multi_reduction <maximumf>, %select_n3A_31, %reduce_max3A_32 [1] : vector<1024x30xf32> to vector<1024xf32>
    %broadcast_in_dim3A_34 = vector.shape_cast %reduce_max3A_33 : vector<1024xf32> to vector<1024x1xf32>
    %eq3A_35 = vector.broadcast %broadcast_in_dim3A_34 : vector<1024x1xf32> to vector<1024x30xf32>
    %eq3A_36 = arith.cmpf oeq, %select_n3A_31, %eq3A_35 : vector<1024x30xf32>
    %jit3A_37 = arith.constant 30 : i32
    %broadcast_in_dim3A_38 = vector.broadcast %jit3A_37 : i32 to vector<1024x30xi32>
    %select_n3A_39 = arith.select %eq3A_36, %iota3A, %broadcast_in_dim3A_38 : vector<1024x30xi1>, vector<1024x30xi32>
    %reduce_min3A_40 = arith.constant dense<2147483647> : vector<1024xi32>
    %reduce_min3A_41 = vector.multi_reduction <minsi>, %select_n3A_39, %reduce_min3A_40 [1] : vector<1024x30xi32> to vector<1024xi32>
    %broadcast_in_dim3A_42 = vector.shape_cast %reduce_min3A_41 : vector<1024xi32> to vector<1024x1xi32>
    %eq3A_43 = vector.broadcast %broadcast_in_dim3A_42 : vector<1024x1xi32> to vector<1024x30xi32>
    %eq3A_44 = arith.cmpi eq, %iota3A, %eq3A_43 : vector<1024x30xi32>
    %jit3A_45 = arith.constant 0xFF800000 : f32
    %broadcast_in_dim3A_46 = vector.broadcast %jit3A_45 : f32 to vector<1024x30xf32>
    %select_n3A_47 = arith.select %eq3A_44, %broadcast_in_dim3A_46, %select_n3A_31 : vector<1024x30xi1>, vector<1024x30xf32>
    %reduce_max3A_48 = arith.constant dense<0xFF800000> : vector<1024xf32>
    %reduce_max3A_49 = vector.multi_reduction <maximumf>, %select_n3A_47, %reduce_max3A_48 [1] : vector<1024x30xf32> to vector<1024xf32>
    %broadcast_in_dim3A_50 = vector.shape_cast %reduce_max3A_49 : vector<1024xf32> to vector<1024x1xf32>
    %eq3A_51 = vector.broadcast %broadcast_in_dim3A_50 : vector<1024x1xf32> to vector<1024x30xf32>
    %eq3A_52 = arith.cmpf oeq, %select_n3A_47, %eq3A_51 : vector<1024x30xf32>
    %jit3A_53 = arith.constant 30 : i32
    %broadcast_in_dim3A_54 = vector.broadcast %jit3A_53 : i32 to vector<1024x30xi32>
    %select_n3A_55 = arith.select %eq3A_52, %iota3A, %broadcast_in_dim3A_54 : vector<1024x30xi1>, vector<1024x30xi32>
    %reduce_min3A_56 = arith.constant dense<2147483647> : vector<1024xi32>
    %reduce_min3A_57 = vector.multi_reduction <minsi>, %select_n3A_55, %reduce_min3A_56 [1] : vector<1024x30xi32> to vector<1024xi32>
    %broadcast_in_dim3A_58 = vector.shape_cast %reduce_min3A_57 : vector<1024xi32> to vector<1024x1xi32>
    %eq3A_59 = vector.broadcast %broadcast_in_dim3A_58 : vector<1024x1xi32> to vector<1024x30xi32>
    %eq3A_60 = arith.cmpi eq, %iota3A, %eq3A_59 : vector<1024x30xi32>
    %jit3A_61 = arith.constant 0xFF800000 : f32
    %broadcast_in_dim3A_62 = vector.broadcast %jit3A_61 : f32 to vector<1024x30xf32>
    %select_n3A_63 = arith.select %eq3A_60, %broadcast_in_dim3A_62, %select_n3A_47 : vector<1024x30xi1>, vector<1024x30xf32>
    %reduce_max3A_64 = arith.constant dense<0xFF800000> : vector<1024xf32>
    %reduce_max3A_65 = vector.multi_reduction <maximumf>, %select_n3A_63, %reduce_max3A_64 [1] : vector<1024x30xf32> to vector<1024xf32>
    %broadcast_in_dim3A_66 = vector.shape_cast %reduce_max3A_65 : vector<1024xf32> to vector<1024x1xf32>
    %eq3A_67 = vector.broadcast %broadcast_in_dim3A_66 : vector<1024x1xf32> to vector<1024x30xf32>
    %eq3A_68 = arith.cmpf oeq, %select_n3A_63, %eq3A_67 : vector<1024x30xf32>
    %jit3A_69 = arith.constant 30 : i32
    %broadcast_in_dim3A_70 = vector.broadcast %jit3A_69 : i32 to vector<1024x30xi32>
    %select_n3A_71 = arith.select %eq3A_68, %iota3A, %broadcast_in_dim3A_70 : vector<1024x30xi1>, vector<1024x30xi32>
    %reduce_min3A_72 = arith.constant dense<2147483647> : vector<1024xi32>
    %reduce_min3A_73 = vector.multi_reduction <minsi>, %select_n3A_71, %reduce_min3A_72 [1] : vector<1024x30xi32> to vector<1024xi32>
    %broadcast_in_dim3A_74 = vector.shape_cast %reduce_min3A_73 : vector<1024xi32> to vector<1024x1xi32>
    %broadcast_in_dim3A_75 = arith.constant 0 : i32
    %broadcast_in_dim3A_76 = vector.broadcast %broadcast_in_dim3A_75 : i32 to vector<1024x1xi32>
    %concatenate3A = tpu.concatenate %broadcast_in_dim3A_10, %broadcast_in_dim3A_26, %broadcast_in_dim3A_42, %broadcast_in_dim3A_58, %broadcast_in_dim3A_74, %broadcast_in_dim3A_76, %broadcast_in_dim3A_76, %broadcast_in_dim3A_76 in 1 : vector<1024x1xi32>, vector<1024x1xi32>, vector<1024x1xi32>, vector<1024x1xi32>, vector<1024x1xi32>, vector<1024x1xi32>, vector<1024x1xi32>, vector<1024x1xi32> -> vector<1024x8xi32>
    %swap3A = arith.constant 0 : index
    %swap3A_77 = arith.constant 0 : index
    %swap3A_78 = vector.load %arg2[%swap3A, %swap3A_77] : memref<1024x8xi32, #tpu.memory_space<vmem>>, vector<1024x8xi32>
    tpu.vector_store %arg2[%swap3A, %swap3A_77], %concatenate3A {strides = array<i32>} : memref<1024x8xi32, #tpu.memory_space<vmem>>, vector<1024x8xi32>,
    return
  }
}

module attributes {stable_mosaic.version = 14 : i64} {
  func.func @_evwr_body(%arg0: i32, %arg1: memref<256x8xi32, #tpu.memory_space<vmem>>, %arg2: memref<30x4x768xf32, #tpu.memory_space<vmem>>, %arg3: memref<20x256x768xf32, #tpu.memory_space<vmem>>) attributes {dimension_semantics = [#tpu.dimension_semantics<arbitrary>], iteration_bounds = array<i64: 4>, scalar_prefetch = 0 : i64, scratch_operands = 0 : i64, tpu.core_type = #tpu.core_type<tc>, window_params = [{transform_indices = @transform_0, window_bounds = array<i64: 256, 8>}, {pipeline_mode = #tpu.pipeline_mode<synchronous>, transform_indices = @transform_1, window_bounds = array<i64: 30, 4, 768>}, {transform_indices = @transform_2, window_bounds = array<i64: 20, 256, 768>}]} {
    %iota3A = tpu.iota {dimensions = array<i32: 1>} : vector<256x30xi32>
    %get3A = arith.constant 0 : index
    %get3A_0 = arith.constant 0 : index
    %get3A_1 = vector.load %arg1[%get3A, %get3A_0] : memref<256x8xi32, #tpu.memory_space<vmem>>, vector<256x1xi32>
    %eq3A = vector.broadcast %get3A_1 : vector<256x1xi32> to vector<256x30xi32>
    %eq3A_2 = arith.cmpi eq, %eq3A, %iota3A : vector<256x30xi32>
    %convert_element_type3A = arith.extui %eq3A_2 : vector<256x30xi1> to vector<256x30xi32>
    %convert_element_type3A_3 = arith.sitofp %convert_element_type3A : vector<256x30xi32> to vector<256x30xf32>
    %get3A_4 = arith.constant 0 : index
    %get3A_5 = arith.constant 0 : index
    %get3A_6 = arith.constant 0 : index
    %get3A_7 = vector.load %arg2[%get3A_4, %get3A_5, %get3A_6] : memref<30x4x768xf32, #tpu.memory_space<vmem>>, vector<30x1x768xf32>
    %get3A_8 = vector.shape_cast %get3A_7 : vector<30x1x768xf32> to vector<30x768xf32>
    %dot_general3A = arith.constant dense<0.000000e+00> : vector<256x768xf32>
    %dot_general3A_9 = tpu.matmul %convert_element_type3A_3, %get3A_8, %dot_general3A {dimension_numbers = #tpu.dot_dimension_numbers<[1], [0], [0], [1], [0, 0, 1, 1], [], []>, precision = #tpu.contract_precision<fp32>, transpose_lhs_hint = false} : vector<256x30xf32>, vector<30x768xf32>, vector<256x768xf32> -> vector<256x768xf32>
    %swap3A = arith.constant 0 : index
    %swap3A_10 = arith.constant 0 : index
    %swap3A_11 = arith.constant 0 : index
    %swap3A_12 = vector.load %arg3[%swap3A, %swap3A_10, %swap3A_11] : memref<20x256x768xf32, #tpu.memory_space<vmem>>, vector<1x256x768xf32>
    %swap3A_13 = vector.shape_cast %swap3A_12 : vector<1x256x768xf32> to vector<256x768xf32>
    %swap3A_14 = vector.shape_cast %dot_general3A_9 : vector<256x768xf32> to vector<1x256x768xf32>
    tpu.vector_store %arg3[%swap3A, %swap3A_10, %swap3A_11], %swap3A_14 {strides = array<i32>} : memref<20x256x768xf32, #tpu.memory_space<vmem>>, vector<1x256x768xf32>,
    %get3A_15 = arith.constant 0 : index
    %get3A_16 = arith.constant 1 : index
    %get3A_17 = arith.constant 0 : index
    %get3A_18 = vector.load %arg2[%get3A_15, %get3A_16, %get3A_17] : memref<30x4x768xf32, #tpu.memory_space<vmem>>, vector<30x1x768xf32>
    %get3A_19 = vector.shape_cast %get3A_18 : vector<30x1x768xf32> to vector<30x768xf32>
    %dot_general3A_20 = arith.constant dense<0.000000e+00> : vector<256x768xf32>
    %dot_general3A_21 = tpu.matmul %convert_element_type3A_3, %get3A_19, %dot_general3A_20 {dimension_numbers = #tpu.dot_dimension_numbers<[1], [0], [0], [1], [0, 0, 1, 1], [], []>, precision = #tpu.contract_precision<fp32>, transpose_lhs_hint = false} : vector<256x30xf32>, vector<30x768xf32>, vector<256x768xf32> -> vector<256x768xf32>
    %swap3A_22 = arith.constant 1 : index
    %swap3A_23 = arith.constant 0 : index
    %swap3A_24 = arith.constant 0 : index
    %swap3A_25 = vector.load %arg3[%swap3A_22, %swap3A_23, %swap3A_24] : memref<20x256x768xf32, #tpu.memory_space<vmem>>, vector<1x256x768xf32>
    %swap3A_26 = vector.shape_cast %swap3A_25 : vector<1x256x768xf32> to vector<256x768xf32>
    %swap3A_27 = vector.shape_cast %dot_general3A_21 : vector<256x768xf32> to vector<1x256x768xf32>
    tpu.vector_store %arg3[%swap3A_22, %swap3A_23, %swap3A_24], %swap3A_27 {strides = array<i32>} : memref<20x256x768xf32, #tpu.memory_space<vmem>>, vector<1x256x768xf32>,
    %get3A_28 = arith.constant 0 : index
    %get3A_29 = arith.constant 2 : index
    %get3A_30 = arith.constant 0 : index
    %get3A_31 = vector.load %arg2[%get3A_28, %get3A_29, %get3A_30] : memref<30x4x768xf32, #tpu.memory_space<vmem>>, vector<30x1x768xf32>
    %get3A_32 = vector.shape_cast %get3A_31 : vector<30x1x768xf32> to vector<30x768xf32>
    %dot_general3A_33 = arith.constant dense<0.000000e+00> : vector<256x768xf32>
    %dot_general3A_34 = tpu.matmul %convert_element_type3A_3, %get3A_32, %dot_general3A_33 {dimension_numbers = #tpu.dot_dimension_numbers<[1], [0], [0], [1], [0, 0, 1, 1], [], []>, precision = #tpu.contract_precision<fp32>, transpose_lhs_hint = false} : vector<256x30xf32>, vector<30x768xf32>, vector<256x768xf32> -> vector<256x768xf32>
    %swap3A_35 = arith.constant 2 : index
    %swap3A_36 = arith.constant 0 : index
    %swap3A_37 = arith.constant 0 : index
    %swap3A_38 = vector.load %arg3[%swap3A_35, %swap3A_36, %swap3A_37] : memref<20x256x768xf32, #tpu.memory_space<vmem>>, vector<1x256x768xf32>
    %swap3A_39 = vector.shape_cast %swap3A_38 : vector<1x256x768xf32> to vector<256x768xf32>
    %swap3A_40 = vector.shape_cast %dot_general3A_34 : vector<256x768xf32> to vector<1x256x768xf32>
    tpu.vector_store %arg3[%swap3A_35, %swap3A_36, %swap3A_37], %swap3A_40 {strides = array<i32>} : memref<20x256x768xf32, #tpu.memory_space<vmem>>, vector<1x256x768xf32>,
    %get3A_41 = arith.constant 0 : index
    %get3A_42 = arith.constant 3 : index
    %get3A_43 = arith.constant 0 : index
    %get3A_44 = vector.load %arg2[%get3A_41, %get3A_42, %get3A_43] : memref<30x4x768xf32, #tpu.memory_space<vmem>>, vector<30x1x768xf32>
    %get3A_45 = vector.shape_cast %get3A_44 : vector<30x1x768xf32> to vector<30x768xf32>
    %dot_general3A_46 = arith.constant dense<0.000000e+00> : vector<256x768xf32>
    %dot_general3A_47 = tpu.matmul %convert_element_type3A_3, %get3A_45, %dot_general3A_46 {dimension_numbers = #tpu.dot_dimension_numbers<[1], [0], [0], [1], [0, 0, 1, 1], [], []>, precision = #tpu.contract_precision<fp32>, transpose_lhs_hint = false} : vector<256x30xf32>, vector<30x768xf32>, vector<256x768xf32> -> vector<256x768xf32>
    %swap3A_48 = arith.constant 3 : index
    %swap3A_49 = arith.constant 0 : index
    %swap3A_50 = arith.constant 0 : index
    %swap3A_51 = vector.load %arg3[%swap3A_48, %swap3A_49, %swap3A_50] : memref<20x256x768xf32, #tpu.memory_space<vmem>>, vector<1x256x768xf32>
    %swap3A_52 = vector.shape_cast %swap3A_51 : vector<1x256x768xf32> to vector<256x768xf32>
    %swap3A_53 = vector.shape_cast %dot_general3A_47 : vector<256x768xf32> to vector<1x256x768xf32>
    tpu.vector_store %arg3[%swap3A_48, %swap3A_49, %swap3A_50], %swap3A_53 {strides = array<i32>} : memref<20x256x768xf32, #tpu.memory_space<vmem>>, vector<1x256x768xf32>,
    %get3A_54 = arith.constant 0 : index
    %get3A_55 = arith.constant 1 : index
    %get3A_56 = vector.load %arg1[%get3A_54, %get3A_55] : memref<256x8xi32, #tpu.memory_space<vmem>>, vector<256x1xi32>
    %eq3A_57 = vector.broadcast %get3A_56 : vector<256x1xi32> to vector<256x30xi32>
    %eq3A_58 = arith.cmpi eq, %eq3A_57, %iota3A : vector<256x30xi32>
    %convert_element_type3A_59 = arith.extui %eq3A_58 : vector<256x30xi1> to vector<256x30xi32>
    %convert_element_type3A_60 = arith.sitofp %convert_element_type3A_59 : vector<256x30xi32> to vector<256x30xf32>
    %get3A_61 = arith.constant 0 : index
    %get3A_62 = arith.constant 0 : index
    %get3A_63 = arith.constant 0 : index
    %get3A_64 = vector.load %arg2[%get3A_61, %get3A_62, %get3A_63] : memref<30x4x768xf32, #tpu.memory_space<vmem>>, vector<30x1x768xf32>
    %get3A_65 = vector.shape_cast %get3A_64 : vector<30x1x768xf32> to vector<30x768xf32>
    %dot_general3A_66 = arith.constant dense<0.000000e+00> : vector<256x768xf32>
    %dot_general3A_67 = tpu.matmul %convert_element_type3A_60, %get3A_65, %dot_general3A_66 {dimension_numbers = #tpu.dot_dimension_numbers<[1], [0], [0], [1], [0, 0, 1, 1], [], []>, precision = #tpu.contract_precision<fp32>, transpose_lhs_hint = false} : vector<256x30xf32>, vector<30x768xf32>, vector<256x768xf32> -> vector<256x768xf32>
    %swap3A_68 = arith.constant 4 : index
    %swap3A_69 = arith.constant 0 : index
    %swap3A_70 = arith.constant 0 : index
    %swap3A_71 = vector.load %arg3[%swap3A_68, %swap3A_69, %swap3A_70] : memref<20x256x768xf32, #tpu.memory_space<vmem>>, vector<1x256x768xf32>
    %swap3A_72 = vector.shape_cast %swap3A_71 : vector<1x256x768xf32> to vector<256x768xf32>
    %swap3A_73 = vector.shape_cast %dot_general3A_67 : vector<256x768xf32> to vector<1x256x768xf32>
    tpu.vector_store %arg3[%swap3A_68, %swap3A_69, %swap3A_70], %swap3A_73 {strides = array<i32>} : memref<20x256x768xf32, #tpu.memory_space<vmem>>, vector<1x256x768xf32>,
    %get3A_74 = arith.constant 0 : index
    %get3A_75 = arith.constant 1 : index
    %get3A_76 = arith.constant 0 : index
    %get3A_77 = vector.load %arg2[%get3A_74, %get3A_75, %get3A_76] : memref<30x4x768xf32, #tpu.memory_space<vmem>>, vector<30x1x768xf32>
    %get3A_78 = vector.shape_cast %get3A_77 : vector<30x1x768xf32> to vector<30x768xf32>
    %dot_general3A_79 = arith.constant dense<0.000000e+00> : vector<256x768xf32>
    %dot_general3A_80 = tpu.matmul %convert_element_type3A_60, %get3A_78, %dot_general3A_79 {dimension_numbers = #tpu.dot_dimension_numbers<[1], [0], [0], [1], [0, 0, 1, 1], [], []>, precision = #tpu.contract_precision<fp32>, transpose_lhs_hint = false} : vector<256x30xf32>, vector<30x768xf32>, vector<256x768xf32> -> vector<256x768xf32>
    %swap3A_81 = arith.constant 5 : index
    %swap3A_82 = arith.constant 0 : index
    %swap3A_83 = arith.constant 0 : index
    %swap3A_84 = vector.load %arg3[%swap3A_81, %swap3A_82, %swap3A_83] : memref<20x256x768xf32, #tpu.memory_space<vmem>>, vector<1x256x768xf32>
    %swap3A_85 = vector.shape_cast %swap3A_84 : vector<1x256x768xf32> to vector<256x768xf32>
    %swap3A_86 = vector.shape_cast %dot_general3A_80 : vector<256x768xf32> to vector<1x256x768xf32>
    tpu.vector_store %arg3[%swap3A_81, %swap3A_82, %swap3A_83], %swap3A_86 {strides = array<i32>} : memref<20x256x768xf32, #tpu.memory_space<vmem>>, vector<1x256x768xf32>,
    %get3A_87 = arith.constant 0 : index
    %get3A_88 = arith.constant 2 : index
    %get3A_89 = arith.constant 0 : index
    %get3A_90 = vector.load %arg2[%get3A_87, %get3A_88, %get3A_89] : memref<30x4x768xf32, #tpu.memory_space<vmem>>, vector<30x1x768xf32>
    %get3A_91 = vector.shape_cast %get3A_90 : vector<30x1x768xf32> to vector<30x768xf32>
    %dot_general3A_92 = arith.constant dense<0.000000e+00> : vector<256x768xf32>
    %dot_general3A_93 = tpu.matmul %convert_element_type3A_60, %get3A_91, %dot_general3A_92 {dimension_numbers = #tpu.dot_dimension_numbers<[1], [0], [0], [1], [0, 0, 1, 1], [], []>, precision = #tpu.contract_precision<fp32>, transpose_lhs_hint = false} : vector<256x30xf32>, vector<30x768xf32>, vector<256x768xf32> -> vector<256x768xf32>
    %swap3A_94 = arith.constant 6 : index
    %swap3A_95 = arith.constant 0 : index
    %swap3A_96 = arith.constant 0 : index
    %swap3A_97 = vector.load %arg3[%swap3A_94, %swap3A_95, %swap3A_96] : memref<20x256x768xf32, #tpu.memory_space<vmem>>, vector<1x256x768xf32>
    %swap3A_98 = vector.shape_cast %swap3A_97 : vector<1x256x768xf32> to vector<256x768xf32>
    %swap3A_99 = vector.shape_cast %dot_general3A_93 : vector<256x768xf32> to vector<1x256x768xf32>
    tpu.vector_store %arg3[%swap3A_94, %swap3A_95, %swap3A_96], %swap3A_99 {strides = array<i32>} : memref<20x256x768xf32, #tpu.memory_space<vmem>>, vector<1x256x768xf32>,
    %get3A_100 = arith.constant 0 : index
    %get3A_101 = arith.constant 3 : index
    %get3A_102 = arith.constant 0 : index
    %get3A_103 = vector.load %arg2[%get3A_100, %get3A_101, %get3A_102] : memref<30x4x768xf32, #tpu.memory_space<vmem>>, vector<30x1x768xf32>
    %get3A_104 = vector.shape_cast %get3A_103 : vector<30x1x768xf32> to vector<30x768xf32>
    %dot_general3A_105 = arith.constant dense<0.000000e+00> : vector<256x768xf32>
    %dot_general3A_106 = tpu.matmul %convert_element_type3A_60, %get3A_104, %dot_general3A_105 {dimension_numbers = #tpu.dot_dimension_numbers<[1], [0], [0], [1], [0, 0, 1, 1], [], []>, precision = #tpu.contract_precision<fp32>, transpose_lhs_hint = false} : vector<256x30xf32>, vector<30x768xf32>, vector<256x768xf32> -> vector<256x768xf32>
    %swap3A_107 = arith.constant 7 : index
    %swap3A_108 = arith.constant 0 : index
    %swap3A_109 = arith.constant 0 : index
    %swap3A_110 = vector.load %arg3[%swap3A_107, %swap3A_108, %swap3A_109] : memref<20x256x768xf32, #tpu.memory_space<vmem>>, vector<1x256x768xf32>
    %swap3A_111 = vector.shape_cast %swap3A_110 : vector<1x256x768xf32> to vector<256x768xf32>
    %swap3A_112 = vector.shape_cast %dot_general3A_106 : vector<256x768xf32> to vector<1x256x768xf32>
    tpu.vector_store %arg3[%swap3A_107, %swap3A_108, %swap3A_109], %swap3A_112 {strides = array<i32>} : memref<20x256x768xf32, #tpu.memory_space<vmem>>, vector<1x256x768xf32>,
    %get3A_113 = arith.constant 0 : index
    %get3A_114 = arith.constant 2 : index
    %get3A_115 = vector.load %arg1[%get3A_113, %get3A_114] : memref<256x8xi32, #tpu.memory_space<vmem>>, vector<256x1xi32>
    %eq3A_116 = vector.broadcast %get3A_115 : vector<256x1xi32> to vector<256x30xi32>
    %eq3A_117 = arith.cmpi eq, %eq3A_116, %iota3A : vector<256x30xi32>
    %convert_element_type3A_118 = arith.extui %eq3A_117 : vector<256x30xi1> to vector<256x30xi32>
    %convert_element_type3A_119 = arith.sitofp %convert_element_type3A_118 : vector<256x30xi32> to vector<256x30xf32>
    %get3A_120 = arith.constant 0 : index
    %get3A_121 = arith.constant 0 : index
    %get3A_122 = arith.constant 0 : index
    %get3A_123 = vector.load %arg2[%get3A_120, %get3A_121, %get3A_122] : memref<30x4x768xf32, #tpu.memory_space<vmem>>, vector<30x1x768xf32>
    %get3A_124 = vector.shape_cast %get3A_123 : vector<30x1x768xf32> to vector<30x768xf32>
    %dot_general3A_125 = arith.constant dense<0.000000e+00> : vector<256x768xf32>
    %dot_general3A_126 = tpu.matmul %convert_element_type3A_119, %get3A_124, %dot_general3A_125 {dimension_numbers = #tpu.dot_dimension_numbers<[1], [0], [0], [1], [0, 0, 1, 1], [], []>, precision = #tpu.contract_precision<fp32>, transpose_lhs_hint = false} : vector<256x30xf32>, vector<30x768xf32>, vector<256x768xf32> -> vector<256x768xf32>
    %swap3A_127 = arith.constant 8 : index
    %swap3A_128 = arith.constant 0 : index
    %swap3A_129 = arith.constant 0 : index
    %swap3A_130 = vector.load %arg3[%swap3A_127, %swap3A_128, %swap3A_129] : memref<20x256x768xf32, #tpu.memory_space<vmem>>, vector<1x256x768xf32>
    %swap3A_131 = vector.shape_cast %swap3A_130 : vector<1x256x768xf32> to vector<256x768xf32>
    %swap3A_132 = vector.shape_cast %dot_general3A_126 : vector<256x768xf32> to vector<1x256x768xf32>
    tpu.vector_store %arg3[%swap3A_127, %swap3A_128, %swap3A_129], %swap3A_132 {strides = array<i32>} : memref<20x256x768xf32, #tpu.memory_space<vmem>>, vector<1x256x768xf32>,
    %get3A_133 = arith.constant 0 : index
    %get3A_134 = arith.constant 1 : index
    %get3A_135 = arith.constant 0 : index
    %get3A_136 = vector.load %arg2[%get3A_133, %get3A_134, %get3A_135] : memref<30x4x768xf32, #tpu.memory_space<vmem>>, vector<30x1x768xf32>
    %get3A_137 = vector.shape_cast %get3A_136 : vector<30x1x768xf32> to vector<30x768xf32>
    %dot_general3A_138 = arith.constant dense<0.000000e+00> : vector<256x768xf32>
    %dot_general3A_139 = tpu.matmul %convert_element_type3A_119, %get3A_137, %dot_general3A_138 {dimension_numbers = #tpu.dot_dimension_numbers<[1], [0], [0], [1], [0, 0, 1, 1], [], []>, precision = #tpu.contract_precision<fp32>, transpose_lhs_hint = false} : vector<256x30xf32>, vector<30x768xf32>, vector<256x768xf32> -> vector<256x768xf32>
    %swap3A_140 = arith.constant 9 : index
    %swap3A_141 = arith.constant 0 : index
    %swap3A_142 = arith.constant 0 : index
    %swap3A_143 = vector.load %arg3[%swap3A_140, %swap3A_141, %swap3A_142] : memref<20x256x768xf32, #tpu.memory_space<vmem>>, vector<1x256x768xf32>
    %swap3A_144 = vector.shape_cast %swap3A_143 : vector<1x256x768xf32> to vector<256x768xf32>
    %swap3A_145 = vector.shape_cast %dot_general3A_139 : vector<256x768xf32> to vector<1x256x768xf32>
    tpu.vector_store %arg3[%swap3A_140, %swap3A_141, %swap3A_142], %swap3A_145 {strides = array<i32>} : memref<20x256x768xf32, #tpu.memory_space<vmem>>, vector<1x256x768xf32>,
    %get3A_146 = arith.constant 0 : index
    %get3A_147 = arith.constant 2 : index
    %get3A_148 = arith.constant 0 : index
    %get3A_149 = vector.load %arg2[%get3A_146, %get3A_147, %get3A_148] : memref<30x4x768xf32, #tpu.memory_space<vmem>>, vector<30x1x768xf32>
    %get3A_150 = vector.shape_cast %get3A_149 : vector<30x1x768xf32> to vector<30x768xf32>
    %dot_general3A_151 = arith.constant dense<0.000000e+00> : vector<256x768xf32>
    %dot_general3A_152 = tpu.matmul %convert_element_type3A_119, %get3A_150, %dot_general3A_151 {dimension_numbers = #tpu.dot_dimension_numbers<[1], [0], [0], [1], [0, 0, 1, 1], [], []>, precision = #tpu.contract_precision<fp32>, transpose_lhs_hint = false} : vector<256x30xf32>, vector<30x768xf32>, vector<256x768xf32> -> vector<256x768xf32>
    %swap3A_153 = arith.constant 10 : index
    %swap3A_154 = arith.constant 0 : index
    %swap3A_155 = arith.constant 0 : index
    %swap3A_156 = vector.load %arg3[%swap3A_153, %swap3A_154, %swap3A_155] : memref<20x256x768xf32, #tpu.memory_space<vmem>>, vector<1x256x768xf32>
    %swap3A_157 = vector.shape_cast %swap3A_156 : vector<1x256x768xf32> to vector<256x768xf32>
    %swap3A_158 = vector.shape_cast %dot_general3A_152 : vector<256x768xf32> to vector<1x256x768xf32>
    tpu.vector_store %arg3[%swap3A_153, %swap3A_154, %swap3A_155], %swap3A_158 {strides = array<i32>} : memref<20x256x768xf32, #tpu.memory_space<vmem>>, vector<1x256x768xf32>,
    %get3A_159 = arith.constant 0 : index
    %get3A_160 = arith.constant 3 : index
    %get3A_161 = arith.constant 0 : index
    %get3A_162 = vector.load %arg2[%get3A_159, %get3A_160, %get3A_161] : memref<30x4x768xf32, #tpu.memory_space<vmem>>, vector<30x1x768xf32>
    %get3A_163 = vector.shape_cast %get3A_162 : vector<30x1x768xf32> to vector<30x768xf32>
    %dot_general3A_164 = arith.constant dense<0.000000e+00> : vector<256x768xf32>
    %dot_general3A_165 = tpu.matmul %convert_element_type3A_119, %get3A_163, %dot_general3A_164 {dimension_numbers = #tpu.dot_dimension_numbers<[1], [0], [0], [1], [0, 0, 1, 1], [], []>, precision = #tpu.contract_precision<fp32>, transpose_lhs_hint = false} : vector<256x30xf32>, vector<30x768xf32>, vector<256x768xf32> -> vector<256x768xf32>
    %swap3A_166 = arith.constant 11 : index
    %swap3A_167 = arith.constant 0 : index
    %swap3A_168 = arith.constant 0 : index
    %swap3A_169 = vector.load %arg3[%swap3A_166, %swap3A_167, %swap3A_168] : memref<20x256x768xf32, #tpu.memory_space<vmem>>, vector<1x256x768xf32>
    %swap3A_170 = vector.shape_cast %swap3A_169 : vector<1x256x768xf32> to vector<256x768xf32>
    %swap3A_171 = vector.shape_cast %dot_general3A_165 : vector<256x768xf32> to vector<1x256x768xf32>
    tpu.vector_store %arg3[%swap3A_166, %swap3A_167, %swap3A_168], %swap3A_171 {strides = array<i32>} : memref<20x256x768xf32, #tpu.memory_space<vmem>>, vector<1x256x768xf32>,
    %get3A_172 = arith.constant 0 : index
    %get3A_173 = arith.constant 3 : index
    %get3A_174 = vector.load %arg1[%get3A_172, %get3A_173] : memref<256x8xi32, #tpu.memory_space<vmem>>, vector<256x1xi32>
    %eq3A_175 = vector.broadcast %get3A_174 : vector<256x1xi32> to vector<256x30xi32>
    %eq3A_176 = arith.cmpi eq, %eq3A_175, %iota3A : vector<256x30xi32>
    %convert_element_type3A_177 = arith.extui %eq3A_176 : vector<256x30xi1> to vector<256x30xi32>
    %convert_element_type3A_178 = arith.sitofp %convert_element_type3A_177 : vector<256x30xi32> to vector<256x30xf32>
    %get3A_179 = arith.constant 0 : index
    %get3A_180 = arith.constant 0 : index
    %get3A_181 = arith.constant 0 : index
    %get3A_182 = vector.load %arg2[%get3A_179, %get3A_180, %get3A_181] : memref<30x4x768xf32, #tpu.memory_space<vmem>>, vector<30x1x768xf32>
    %get3A_183 = vector.shape_cast %get3A_182 : vector<30x1x768xf32> to vector<30x768xf32>
    %dot_general3A_184 = arith.constant dense<0.000000e+00> : vector<256x768xf32>
    %dot_general3A_185 = tpu.matmul %convert_element_type3A_178, %get3A_183, %dot_general3A_184 {dimension_numbers = #tpu.dot_dimension_numbers<[1], [0], [0], [1], [0, 0, 1, 1], [], []>, precision = #tpu.contract_precision<fp32>, transpose_lhs_hint = false} : vector<256x30xf32>, vector<30x768xf32>, vector<256x768xf32> -> vector<256x768xf32>
    %swap3A_186 = arith.constant 12 : index
    %swap3A_187 = arith.constant 0 : index
    %swap3A_188 = arith.constant 0 : index
    %swap3A_189 = vector.load %arg3[%swap3A_186, %swap3A_187, %swap3A_188] : memref<20x256x768xf32, #tpu.memory_space<vmem>>, vector<1x256x768xf32>
    %swap3A_190 = vector.shape_cast %swap3A_189 : vector<1x256x768xf32> to vector<256x768xf32>
    %swap3A_191 = vector.shape_cast %dot_general3A_185 : vector<256x768xf32> to vector<1x256x768xf32>
    tpu.vector_store %arg3[%swap3A_186, %swap3A_187, %swap3A_188], %swap3A_191 {strides = array<i32>} : memref<20x256x768xf32, #tpu.memory_space<vmem>>, vector<1x256x768xf32>,
    %get3A_192 = arith.constant 0 : index
    %get3A_193 = arith.constant 1 : index
    %get3A_194 = arith.constant 0 : index
    %get3A_195 = vector.load %arg2[%get3A_192, %get3A_193, %get3A_194] : memref<30x4x768xf32, #tpu.memory_space<vmem>>, vector<30x1x768xf32>
    %get3A_196 = vector.shape_cast %get3A_195 : vector<30x1x768xf32> to vector<30x768xf32>
    %dot_general3A_197 = arith.constant dense<0.000000e+00> : vector<256x768xf32>
    %dot_general3A_198 = tpu.matmul %convert_element_type3A_178, %get3A_196, %dot_general3A_197 {dimension_numbers = #tpu.dot_dimension_numbers<[1], [0], [0], [1], [0, 0, 1, 1], [], []>, precision = #tpu.contract_precision<fp32>, transpose_lhs_hint = false} : vector<256x30xf32>, vector<30x768xf32>, vector<256x768xf32> -> vector<256x768xf32>
    %swap3A_199 = arith.constant 13 : index
    %swap3A_200 = arith.constant 0 : index
    %swap3A_201 = arith.constant 0 : index
    %swap3A_202 = vector.load %arg3[%swap3A_199, %swap3A_200, %swap3A_201] : memref<20x256x768xf32, #tpu.memory_space<vmem>>, vector<1x256x768xf32>
    %swap3A_203 = vector.shape_cast %swap3A_202 : vector<1x256x768xf32> to vector<256x768xf32>
    %swap3A_204 = vector.shape_cast %dot_general3A_198 : vector<256x768xf32> to vector<1x256x768xf32>
    tpu.vector_store %arg3[%swap3A_199, %swap3A_200, %swap3A_201], %swap3A_204 {strides = array<i32>} : memref<20x256x768xf32, #tpu.memory_space<vmem>>, vector<1x256x768xf32>,
    %get3A_205 = arith.constant 0 : index
    %get3A_206 = arith.constant 2 : index
    %get3A_207 = arith.constant 0 : index
    %get3A_208 = vector.load %arg2[%get3A_205, %get3A_206, %get3A_207] : memref<30x4x768xf32, #tpu.memory_space<vmem>>, vector<30x1x768xf32>
    %get3A_209 = vector.shape_cast %get3A_208 : vector<30x1x768xf32> to vector<30x768xf32>
    %dot_general3A_210 = arith.constant dense<0.000000e+00> : vector<256x768xf32>
    %dot_general3A_211 = tpu.matmul %convert_element_type3A_178, %get3A_209, %dot_general3A_210 {dimension_numbers = #tpu.dot_dimension_numbers<[1], [0], [0], [1], [0, 0, 1, 1], [], []>, precision = #tpu.contract_precision<fp32>, transpose_lhs_hint = false} : vector<256x30xf32>, vector<30x768xf32>, vector<256x768xf32> -> vector<256x768xf32>
    %swap3A_212 = arith.constant 14 : index
    %swap3A_213 = arith.constant 0 : index
    %swap3A_214 = arith.constant 0 : index
    %swap3A_215 = vector.load %arg3[%swap3A_212, %swap3A_213, %swap3A_214] : memref<20x256x768xf32, #tpu.memory_space<vmem>>, vector<1x256x768xf32>
    %swap3A_216 = vector.shape_cast %swap3A_215 : vector<1x256x768xf32> to vector<256x768xf32>
    %swap3A_217 = vector.shape_cast %dot_general3A_211 : vector<256x768xf32> to vector<1x256x768xf32>
    tpu.vector_store %arg3[%swap3A_212, %swap3A_213, %swap3A_214], %swap3A_217 {strides = array<i32>} : memref<20x256x768xf32, #tpu.memory_space<vmem>>, vector<1x256x768xf32>,
    %get3A_218 = arith.constant 0 : index
    %get3A_219 = arith.constant 3 : index
    %get3A_220 = arith.constant 0 : index
    %get3A_221 = vector.load %arg2[%get3A_218, %get3A_219, %get3A_220] : memref<30x4x768xf32, #tpu.memory_space<vmem>>, vector<30x1x768xf32>
    %get3A_222 = vector.shape_cast %get3A_221 : vector<30x1x768xf32> to vector<30x768xf32>
    %dot_general3A_223 = arith.constant dense<0.000000e+00> : vector<256x768xf32>
    %dot_general3A_224 = tpu.matmul %convert_element_type3A_178, %get3A_222, %dot_general3A_223 {dimension_numbers = #tpu.dot_dimension_numbers<[1], [0], [0], [1], [0, 0, 1, 1], [], []>, precision = #tpu.contract_precision<fp32>, transpose_lhs_hint = false} : vector<256x30xf32>, vector<30x768xf32>, vector<256x768xf32> -> vector<256x768xf32>
    %swap3A_225 = arith.constant 15 : index
    %swap3A_226 = arith.constant 0 : index
    %swap3A_227 = arith.constant 0 : index
    %swap3A_228 = vector.load %arg3[%swap3A_225, %swap3A_226, %swap3A_227] : memref<20x256x768xf32, #tpu.memory_space<vmem>>, vector<1x256x768xf32>
    %swap3A_229 = vector.shape_cast %swap3A_228 : vector<1x256x768xf32> to vector<256x768xf32>
    %swap3A_230 = vector.shape_cast %dot_general3A_224 : vector<256x768xf32> to vector<1x256x768xf32>
    tpu.vector_store %arg3[%swap3A_225, %swap3A_226, %swap3A_227], %swap3A_230 {strides = array<i32>} : memref<20x256x768xf32, #tpu.memory_space<vmem>>, vector<1x256x768xf32>,
    %get3A_231 = arith.constant 0 : index
    %get3A_232 = arith.constant 4 : index
    %get3A_233 = vector.load %arg1[%get3A_231, %get3A_232] : memref<256x8xi32, #tpu.memory_space<vmem>>, vector<256x1xi32>
    %eq3A_234 = vector.broadcast %get3A_233 : vector<256x1xi32> to vector<256x30xi32>
    %eq3A_235 = arith.cmpi eq, %eq3A_234, %iota3A : vector<256x30xi32>
    %convert_element_type3A_236 = arith.extui %eq3A_235 : vector<256x30xi1> to vector<256x30xi32>
    %convert_element_type3A_237 = arith.sitofp %convert_element_type3A_236 : vector<256x30xi32> to vector<256x30xf32>
    %get3A_238 = arith.constant 0 : index
    %get3A_239 = arith.constant 0 : index
    %get3A_240 = arith.constant 0 : index
    %get3A_241 = vector.load %arg2[%get3A_238, %get3A_239, %get3A_240] : memref<30x4x768xf32, #tpu.memory_space<vmem>>, vector<30x1x768xf32>
    %get3A_242 = vector.shape_cast %get3A_241 : vector<30x1x768xf32> to vector<30x768xf32>
    %dot_general3A_243 = arith.constant dense<0.000000e+00> : vector<256x768xf32>
    %dot_general3A_244 = tpu.matmul %convert_element_type3A_237, %get3A_242, %dot_general3A_243 {dimension_numbers = #tpu.dot_dimension_numbers<[1], [0], [0], [1], [0, 0, 1, 1], [], []>, precision = #tpu.contract_precision<fp32>, transpose_lhs_hint = false} : vector<256x30xf32>, vector<30x768xf32>, vector<256x768xf32> -> vector<256x768xf32>
    %swap3A_245 = arith.constant 16 : index
    %swap3A_246 = arith.constant 0 : index
    %swap3A_247 = arith.constant 0 : index
    %swap3A_248 = vector.load %arg3[%swap3A_245, %swap3A_246, %swap3A_247] : memref<20x256x768xf32, #tpu.memory_space<vmem>>, vector<1x256x768xf32>
    %swap3A_249 = vector.shape_cast %swap3A_248 : vector<1x256x768xf32> to vector<256x768xf32>
    %swap3A_250 = vector.shape_cast %dot_general3A_244 : vector<256x768xf32> to vector<1x256x768xf32>
    tpu.vector_store %arg3[%swap3A_245, %swap3A_246, %swap3A_247], %swap3A_250 {strides = array<i32>} : memref<20x256x768xf32, #tpu.memory_space<vmem>>, vector<1x256x768xf32>,
    %get3A_251 = arith.constant 0 : index
    %get3A_252 = arith.constant 1 : index
    %get3A_253 = arith.constant 0 : index
    %get3A_254 = vector.load %arg2[%get3A_251, %get3A_252, %get3A_253] : memref<30x4x768xf32, #tpu.memory_space<vmem>>, vector<30x1x768xf32>
    %get3A_255 = vector.shape_cast %get3A_254 : vector<30x1x768xf32> to vector<30x768xf32>
    %dot_general3A_256 = arith.constant dense<0.000000e+00> : vector<256x768xf32>
    %dot_general3A_257 = tpu.matmul %convert_element_type3A_237, %get3A_255, %dot_general3A_256 {dimension_numbers = #tpu.dot_dimension_numbers<[1], [0], [0], [1], [0, 0, 1, 1], [], []>, precision = #tpu.contract_precision<fp32>, transpose_lhs_hint = false} : vector<256x30xf32>, vector<30x768xf32>, vector<256x768xf32> -> vector<256x768xf32>
    %swap3A_258 = arith.constant 17 : index
    %swap3A_259 = arith.constant 0 : index
    %swap3A_260 = arith.constant 0 : index
    %swap3A_261 = vector.load %arg3[%swap3A_258, %swap3A_259, %swap3A_260] : memref<20x256x768xf32, #tpu.memory_space<vmem>>, vector<1x256x768xf32>
    %swap3A_262 = vector.shape_cast %swap3A_261 : vector<1x256x768xf32> to vector<256x768xf32>
    %swap3A_263 = vector.shape_cast %dot_general3A_257 : vector<256x768xf32> to vector<1x256x768xf32>
    tpu.vector_store %arg3[%swap3A_258, %swap3A_259, %swap3A_260], %swap3A_263 {strides = array<i32>} : memref<20x256x768xf32, #tpu.memory_space<vmem>>, vector<1x256x768xf32>,
    %get3A_264 = arith.constant 0 : index
    %get3A_265 = arith.constant 2 : index
    %get3A_266 = arith.constant 0 : index
    %get3A_267 = vector.load %arg2[%get3A_264, %get3A_265, %get3A_266] : memref<30x4x768xf32, #tpu.memory_space<vmem>>, vector<30x1x768xf32>
    %get3A_268 = vector.shape_cast %get3A_267 : vector<30x1x768xf32> to vector<30x768xf32>
    %dot_general3A_269 = arith.constant dense<0.000000e+00> : vector<256x768xf32>
    %dot_general3A_270 = tpu.matmul %convert_element_type3A_237, %get3A_268, %dot_general3A_269 {dimension_numbers = #tpu.dot_dimension_numbers<[1], [0], [0], [1], [0, 0, 1, 1], [], []>, precision = #tpu.contract_precision<fp32>, transpose_lhs_hint = false} : vector<256x30xf32>, vector<30x768xf32>, vector<256x768xf32> -> vector<256x768xf32>
    %swap3A_271 = arith.constant 18 : index
    %swap3A_272 = arith.constant 0 : index
    %swap3A_273 = arith.constant 0 : index
    %swap3A_274 = vector.load %arg3[%swap3A_271, %swap3A_272, %swap3A_273] : memref<20x256x768xf32, #tpu.memory_space<vmem>>, vector<1x256x768xf32>
    %swap3A_275 = vector.shape_cast %swap3A_274 : vector<1x256x768xf32> to vector<256x768xf32>
    %swap3A_276 = vector.shape_cast %dot_general3A_270 : vector<256x768xf32> to vector<1x256x768xf32>
    tpu.vector_store %arg3[%swap3A_271, %swap3A_272, %swap3A_273], %swap3A_276 {strides = array<i32>} : memref<20x256x768xf32, #tpu.memory_space<vmem>>, vector<1x256x768xf32>,
    %get3A_277 = arith.constant 0 : index
    %get3A_278 = arith.constant 3 : index
    %get3A_279 = arith.constant 0 : index
    %get3A_280 = vector.load %arg2[%get3A_277, %get3A_278, %get3A_279] : memref<30x4x768xf32, #tpu.memory_space<vmem>>, vector<30x1x768xf32>
    %get3A_281 = vector.shape_cast %get3A_280 : vector<30x1x768xf32> to vector<30x768xf32>
    %dot_general3A_282 = arith.constant dense<0.000000e+00> : vector<256x768xf32>
    %dot_general3A_283 = tpu.matmul %convert_element_type3A_237, %get3A_281, %dot_general3A_282 {dimension_numbers = #tpu.dot_dimension_numbers<[1], [0], [0], [1], [0, 0, 1, 1], [], []>, precision = #tpu.contract_precision<fp32>, transpose_lhs_hint = false} : vector<256x30xf32>, vector<30x768xf32>, vector<256x768xf32> -> vector<256x768xf32>
    %swap3A_284 = arith.constant 19 : index
    %swap3A_285 = arith.constant 0 : index
    %swap3A_286 = arith.constant 0 : index
    %swap3A_287 = vector.load %arg3[%swap3A_284, %swap3A_285, %swap3A_286] : memref<20x256x768xf32, #tpu.memory_space<vmem>>, vector<1x256x768xf32>
    %swap3A_288 = vector.shape_cast %swap3A_287 : vector<1x256x768xf32> to vector<256x768xf32>
    %swap3A_289 = vector.shape_cast %dot_general3A_283 : vector<256x768xf32> to vector<1x256x768xf32>
    tpu.vector_store %arg3[%swap3A_284, %swap3A_285, %swap3A_286], %swap3A_289 {strides = array<i32>} : memref<20x256x768xf32, #tpu.memory_space<vmem>>, vector<1x256x768xf32>,
    return
  }
  func.func @transform_0(%arg0: i32) -> (i32, i32) {
    %c0_i32 = arith.constant 0 : i32
    %c0_i32_0 = arith.constant 0 : i32
    return %arg0, %c0_i32 : i32, i32
  }
  func.func @transform_1(%arg0: i32) -> (i32, i32, i32) {
    %c0_i32 = arith.constant 0 : i32
    %c0_i32_0 = arith.constant 0 : i32
    %c0_i32_1 = arith.constant 0 : i32
    %c0_i32_2 = arith.constant 0 : i32
    return %c0_i32, %c0_i32_0, %c0_i32_1 : i32, i32, i32
  }
  func.func @transform_2(%arg0: i32) -> (i32, i32, i32) {
    %c0_i32 = arith.constant 0 : i32
    %c0_i32_0 = arith.constant 0 : i32
    %c0_i32_1 = arith.constant 0 : i32
    return %c0_i32, %arg0, %c0_i32_0 : i32, i32, i32
  }
}

</mosaic_0001>

<sc_bundles>
// kernel: kernel.5.cloned.1.call-start
scs
__scs_entry_jumppad:
0x0: {  	(pc) =	sbr.rel $0x88, $3  }
0x1: {  	(tag) =	ssettag $0x0;
	lr =	simm.s32 $0x1  }
0x2: {  	[smem:$0x3F9D] =	sst lr;
	_ =	strace $0xD0000000  }
0x3: {  	_ = 	snop  }
0x4: {  	_ = 	snop  }
0x5: {  	_ = 	snop  }
0x6: {  	_ = 	snop  }
0x7: {  	_ = 	snop  }
__scs_overlays_trampoline_lowered:
0x8: {  	[smem:$0x3FAC] =	sst s0  }
0x9: {  	[smem:$0x3FAD] =	sst s1  }
0xa: {  	[smem:$0x3FAE] =	sst s2  }
0xb: {  	[smem:$0x3FAF] =	sst s3  }
0xc: {  	[smem:$0x3FB0] =	sst s4  }
0xd: {  	[smem:$0x3FB1] =	sst s5  }
0xe: {  	[smem:$0x3FB2] =	sst s6  }
0xf: {  	[smem:$0x3FB3] =	sst s7  }
0x10: {  	[smem:$0x3FB4] =	sst s8  }
0x11: {  	[smem:$0x3FB5] =	sst s9;
	s0 =	simm.s32 @!p0 $0x0  }
0x12: {  	s1 =	sld [smem:$0x3F9B];
	s0 =	simm.s32 @p0 $0x1  }
0x13: {  	[smem:$0x3FB6] =	sst s0;
	s0 =	simm.s32 @!p1 $0x0  }
0x14: {  	s2 =	sld [smem:$0x3F9A];
	s0 =	simm.s32 @p1 $0x1  }
0x15: {  	[smem:$0x3FB7] =	sst s0;
	s0 =	simm.s32 @!p2 $0x0  }
0x16: {  	s3 =	sld [smem:$0x3FDB];
	s0 =	simm.s32 @p2 $0x1  }
0x17: {  	s4 =	simm.s32 $0x1BF5;
	[smem:$0x3FB9] =	sst s0  }
0x18: {  	s0 =	sld [smem:$0x3F9C];
	_ =	swait.ge [sflag:s4], $0x0  }
0x19: {  	s7 =	sld [smem:$0x3F9D]  }
0x1a: {  	s8 =	sadd.s32 $0xFFFFE003, lr  }
0x1b: {  	s9 =	sadd.s32 $0xFFFFFEF7, lr;
	s5 =	simm.s32 $0xFFFFFFFF;
	p2 =	slt.u32 s8, $0xFFFFF086  }
0x1c: {  	p1 =	slt.u32 s9, $0xF7A;
	s5 =	simm.s32 @!p2 $0x0  }
0x1d: {  	s5 =	simm.s32 @p1 $0x1;
	p0 =	seq.s32 s7, s2  }
0x1e: {  	s7 =	smul.u32 @!p0 $0xF7A, s2;
	p2 =	seq.s32 @!p0 s5, $0x0  }
0x1f: {  	s9 =	smul.u32 $0xF7A, s1;
	s8 =	simm.s32 @!p0 $0x1BF5;
	p2 =	por !p2, p0  }
0x20: {  	[sflag:s8] =	ssyncset.s32 @!p0 $0xFFFFF086;
	s6 =	sadd.s32 @!p0 s3, s7;
	s7 =	simm.s32 @!p0 $0x108  }
0x21: {  	s3 =	sadd.s32 s3, s9;
	s6 =	sadd.s32 @!p0 $0x88, s6;
	s7 =	simm.s32 @p2 $0x1082  }
0x22: {  	[simem:s7], [sflag:s8] =	dma.local @!p0 [hbm:s6], $0xF7A  }
0x23: {  	s9 =	sor.u32 $0xD0000000, s2;
	s6 =	simm.s32 $0x108;
	_ =	swait.ge @!p0 [sflag:s8], $0x0  }
0x24: {  	s3 =	sadd.s32 $0x88, s3;
	s6 =	simm.s32 @!p1 $0x1082;
	[sflag:s4] =	ssyncset.s32 $0xFFFFF086  }
0x25: {  	[simem:s6], [sflag:s4] =	dma.local [hbm:s3], $0xF7A  }
0x26: {  	[smem:$0x3F9D] =	sst s1;
	(tag) =	ssettag s2;
	_ =	strace s9  }
0x27: {  	s1 =	sld [smem:$0x3FAD]  }
0x28: {  	s2 =	sld [smem:$0x3FAE]  }
0x29: {  	s4 =	sld [smem:$0x3FB0]  }
0x2a: {  	p0 =	seq.s32 s5, $0x0;
	s5 =	sld [smem:$0x3FB1]  }
0x2b: {  	s6 =	sld [smem:$0x3FB2]  }
0x2c: {  	s7 =	sld [smem:$0x3FB3]  }
0x2d: {  	s3 =	simm.s32 $0x108;
	s8 =	sld [smem:$0x3FB4]  }
0x2e: {  	s3 =	simm.s32 @!p0 $0x1082;
	s9 =	sld [smem:$0x3FB5]  }
0x2f: {  	lr =	sadd.s32 s0, s3;
	s0 =	sld [smem:$0x3FAC]  }
0x30: {  	s3 =	sld [smem:$0x3FAF]  }
0x31: {  	[smem:$0x3FB8] =	sst s10  }
0x32: {  	s10 =	sld [smem:$0x3FB6];
	_ =	sdelay $0x3  }
0x33: {  	p0 =	seq.s32 s10, $0x1;
	s10 =	sld [smem:$0x3FB8];
	_ =	sdelay $0x3  }
0x34: {  	[smem:$0x3FB8] =	sst s10  }
0x35: {  	s10 =	sld [smem:$0x3FB7];
	_ =	sdelay $0x3  }
0x36: {  	p1 =	seq.s32 s10, $0x1;
	s10 =	sld [smem:$0x3FB8];
	_ =	sdelay $0x3  }
0x37: {  	[smem:$0x3FB8] =	sst s10  }
0x38: {  	s10 =	sld [smem:$0x3FB9]  }
0x39: {  	_ = 	snop;
	(pc) =	sbr.ind lr, $3  }
0x3a: {  	_ = 	snop  }
0x3b: {  	_ = 	snop  }
0x3c: {  	p2 =	seq.s32 s10, $0x1;
	s10 =	sld [smem:$0x3FB8]  }
0x3d: {  	_ =	shalt  }
0x3e: {  	_ =	shalt  }
0x3f: {  	_ =	shalt  }
0x40: {  	_ =	shalt  }
0x41: {  	_ =	shalt  }
0x42: {  	_ =	shalt  }
0x43: {  	_ =	shalt  }
0x44: {  	_ =	shalt  }
0x45: {  	_ =	shalt  }
0x46: {  	_ =	shalt  }
0x47: {  	_ =	shalt  }
0x48: {  	_ =	shalt  }
0x49: {  	_ =	shalt  }
0x4a: {  	_ =	shalt  }
0x4b: {  	_ =	shalt  }
0x4c: {  	_ =	shalt  }
0x4d: {  	_ =	shalt  }
0x4e: {  	_ =	shalt  }
0x4f: {  	_ =	shalt  }
0x50: {  	_ =	shalt  }
0x51: {  	_ =	shalt  }
0x52: {  	_ =	shalt  }
0x53: {  	_ =	shalt  }
0x54: {  	_ =	shalt  }
0x55: {  	_ =	shalt  }
0x56: {  	_ =	shalt  }
0x57: {  	_ =	shalt  }
0x58: {  	_ =	shalt  }
0x59: {  	_ =	shalt  }
0x5a: {  	_ =	shalt  }
0x5b: {  	_ =	shalt  }
0x5c: {  	_ =	shalt  }
0x5d: {  	_ =	shalt  }
0x5e: {  	_ =	shalt  }
0x5f: {  	_ =	shalt  }
0x60: {  	_ =	shalt  }
0x61: {  	_ =	shalt  }
0x62: {  	_ =	shalt  }
0x63: {  	_ =	shalt  }
0x64: {  	_ =	shalt  }
0x65: {  	_ =	shalt  }
0x66: {  	_ =	shalt  }
0x67: {  	_ =	shalt  }
0x68: {  	_ =	shalt  }
0x69: {  	_ =	shalt  }
0x6a: {  	_ =	shalt  }
0x6b: {  	_ =	shalt  }
0x6c: {  	_ =	shalt  }
0x6d: {  	_ =	shalt  }
0x6e: {  	_ =	shalt  }
0x6f: {  	_ =	shalt  }
0x70: {  	_ =	shalt  }
0x71: {  	_ =	shalt  }
0x72: {  	_ =	shalt  }
0x73: {  	_ =	shalt  }
0x74: {  	_ =	shalt  }
0x75: {  	_ =	shalt  }
0x76: {  	_ =	shalt  }
0x77: {  	_ =	shalt  }
0x78: {  	_ =	shalt  }
0x79: {  	_ =	shalt  }
0x7a: {  	_ =	shalt  }
0x7b: {  	_ =	shalt  }
0x7c: {  	_ =	shalt  }
0x7d: {  	_ =	shalt  }
0x7e: {  	_ =	shalt  }
0x7f: {  	_ =	shalt  }
0x80: {  	_ =	shalt  }
0x81: {  	_ =	shalt  }
0x82: {  	_ =	shalt  }
0x83: {  	_ =	shalt  }
0x84: {  	_ =	shalt  }
0x85: {  	_ =	shalt  }
0x86: {  	_ =	shalt  }
0x87: {  	_ =	shalt  }
.Lfunc_end0:
.L_simem_size_0:
called_computation_lowered:
.L_overlay_start_0:
0x88: {  	s2 =	sld [smem:$0x3FD9]  }
0x89: {  	s3 =	sld [smem:$0x3FFE];
	_ =	sdelay $0x1  }
0x8a: {  	s1 =	srdreg.scid  }
0x8b: {  	s0 =	sand.u32 $0x1, s1  }
0x8c: {  	s14 =	sshll.u32 s0, $0xA;
	s2 =	sadd.s32 s3, s2  }
0x8d: {  	s2 =	sadd.s32 s2, s14  }
0x8e: {  	[smem:$0x3FC4] =	sst s2  }
0x8f: {  	_ = 	snop  }
0x90: {  	s2 =	sld [smem:$0x3FD0];
	_ =	sdelay $0x2  }
0x91: {  	s15 =	simm.s32 $0xA;
	s4 =	simm.s32 $0x10  }
0x92: {  	[smem:s4], [sflag:s15] =	dma.local [hbm:s2], $0x1  }
0x93: {  	_ =	swait.eq [sflag:s15], $0x1  }
0x94: {  	[sflag:s15] =	ssyncset.done $0x0  }
0x95: {  	s16 =	sld [smem:$0x10];
	[sflag:s15] =	ssyncadd.s32 $0xFFFFFFFF  }
0x96: {  	s17 =	sld [smem:$0x13];
	(tm) =	ssettm $0x1  }
0x97: {  	s18 =	sld [smem:$0x3FFB];
	_ =	sdelay $0x3  }
0x98: {  	_ =	strace s18  }
0x99: {  	s4 =	sld [smem:$0x3FFC];
	_ =	sdelay $0x3  }
0x9a: {  	_ =	strace s4  }
0x9b: {  	s4 =	sld [smem:$0x3FFD];
	_ =	sdelay $0x3  }
0x9c: {  	_ =	strace s4  }
0x9d: {  	_ =	strace $0x8FFFFFFF  }
0x9e: {  	s19 =	sld [smem:$0x3FDB];
	_ =	sdelay $0x1  }
0x9f: {  	s5 =	simm.s32 $_scs_section_size  }
0xa0: {  	s6 =	simm.s32 $_size__tile_overlayer_lowered;
	s7 =	simm.s32 $_tile_overlayer_lowered  }
0xa1: {  	s22 =	simm.s32 $0x1BFF;
	s21 =	sshll.u32 s7, $0x1;
	s4 =	sadd.s32 s5, s19  }
0xa2: {  	s8 =	simm.s32 $0x0;
	s20 =	sshll.u32 s6, $0x1;
	s6 =	sadd.s32 s21, s4  }
0xa3: {  	[timem:s8], [sflag:s22] =	dma.local [hbm:s6], s20  }
0xa4: {  	_ =	swait.ge [sflag:s22], s20  }
0xa5: {  	s5 =	ssub.s32 $0x0, s20;
	[sflag:s22] =	ssyncset.done $0x0  }
0xa6: {  	[sflag:s22] =	ssyncadd.s32 s5;
	_ =	sdelay $0x1  }
0xa7: {  	s23 =	simm.s32 $0x1B8B  }
0xa8: {  	_ =	swait.ge [sflag:s23], $0x1  }
0xa9: {  	[sflag:s23] =	ssyncset.done $0x0  }
0xaa: {  	s25 =	simm.s32 $0x1B8E;
	s24 =	sld [smem:$0x3FFE];
	[sflag:s23] =	ssyncadd.s32 $0xFFFFFFFF  }
0xab: {  	s26 =	simm.s32 $execute0_lowered;
	[smem:$0x3FD2] =	sst s25  }
0xac: {  	s6 =	sshll.u32 s26, $0x1;
	_ =	strace $0x80000046;
	[dreg:$0x1] =	wrdreg $0xFFFFFFFF  }
0xad: {  	s28 =	simm.s32 $_size_execute0_lowered;
	s4 =	sadd.s32 s4, s6;
	[dreg:$0x0] =	wrdreg $0x0  }
0xae: {  	s6 =	sshll.u32 s28, $0x1;
	[dreg:$0x2] =	wrdreg s4  }
0xaf: {  	[dreg:$0x3] =	wrdreg s6  }
0xb0: {  	[dreg:$0x4] =	wrdreg $0xC0  }
0xb1: {  	_ =	task [dreg:s8], $0x5FFFF  }
0xb2: {  	[dreg:$0x1] =	wrdreg $0xFFFFFFFF  }
0xb3: {  	[dreg:$0x0] =	wrdreg $0x60  }
0xb4: {  	[dreg:$0x2] =	wrdreg s17  }
0xb5: {  	[dreg:$0x3] =	wrdreg s24  }
0xb6: {  	[dreg:$0x4] =	wrdreg s16  }
0xb7: {  	[dreg:$0x5] =	wrdreg $0x9  }
0xb8: {  	_ =	task.clear_ibuf [dreg:s8], $0x6FFFF;
	_ =	strace $0x90000046  }
0xb9: {  	s29 =	simm.s32 $0x9;
	_ =	strace $0x80000048  }
0xba: {  	_ =	swait.ge [sflag:s29], $0x1  }
0xbb: {  	[sflag:s29] =	ssyncadd.s32 $0xFFFFFFFF  }
0xbc: {  	_ =	strace $0x90000048  }
0xbd: {  	_ =	sfence  }
0xbe: {  	s30 =	sld [smem:$0x0];
	_ =	sdelay $0x2  }
0xbf: {  	s31 =	sshll.u32 s1, $0xD;
	s1 =	sshrl.u32 s1, $0x2  }
0xc0: {  	s3 =	sand.u32 $0x4000, s31;
	s1 =	sadd.s32 s1, s30  }
0xc1: {  	s0 =	sor.u32 s3, s0;
	s1 =	sshll.u32 s1, $0x11  }
0xc2: {  	s0 =	sor.u32 s1, s0  }
0xc3: {  	s0 =	sadd.s32 $0x8F2B, s0  }
0xc4: {  	[sflag:s0] =	ssyncadd.remote.s32 $0x1  }
0xc5: {  	_ =	sfence.sel $0xFFFF  }
0xc6: {  	[dreg:$0x0] =	wrdreg $0xFFFFFFFF;
	(pc) =	sbr.abs _section_cstart, $3  }
0xc7: {  	[dreg:$0x1] =	wrdreg $0xFFFFFFFF  }
0xc8: {  	_ =	task.clear_ibuf [dreg:s8], $0x2FFFF;
	_ =	strace $0x9FFFFFFF  }
0xc9: {  	(tm) =	ssettm $0x7FFFFFFF  }
tec
execute0_lowered:
.L_overlay_start_1:
0x0: {  	(tag) =	ssettag $0x1  }
0x1: {  	s1 =	rddreg [dreg:$0x0]  }
0x2: {  	s0 =	srdreg.scid;
	s3 =	stileid.u32  }
0x3: {  	s2 =	rddreg [dreg:$0x1];
	s0 =	sand.u32 $0x1, s0;
	s3 =	sshll.u32 s3, $0x1  }
0x4: {  	s13 =	rddreg [dreg:$0x2];
	s6 =	sor.u32 s0, s3  }
0x5: {  	s23 =	simm.s32 $0x100;
	s3 =	simm.s32 $0x0;
	s4 =	sshll.u32 s6, $0x5  }
0x6: {  	[smem:$0x7FF] =	sst s3;
	s16 =	smul.u32 $0x6000, s6;
	s2 =	sadd.s32 s4, s2  }
0x7: {  	_ =	strace $0x80000047;
	[dreg:$0x5] =	wrdreg s23;
	s2 =	sadd.s32 $0x400, s2  }
0x8: {  	s24 =	simm.s32 $0x2000;
	[dreg:$0x4] =	wrdreg s2;
	s2 =	sshrl.u32 s16, $0x3  }
0x9: {  	[dreg:$0x6] =	wrdreg s24;
	s13 =	sadd.s32 s13, s2  }
0xa: {  	s2 =	sadd.s32 $0x18000, s13;
	[dreg:$0x7] =	wrdreg s13  }
0xb: {  	s17 =	sadd.s32 $0x30000, s13;
	[dreg:$0x8] =	wrdreg s2  }
0xc: {  	s18 =	sadd.s32 $0x48000, s13;
	[dreg:$0x9] =	wrdreg s17  }
0xd: {  	s19 =	sadd.s32 $0x18600, s13;
	[dreg:$0xa] =	wrdreg s18  }
0xe: {  	s20 =	sadd.s32 $0x30600, s13;
	[dreg:$0xb] =	wrdreg s19  }
0xf: {  	s0 =	ssub.s32 $0x2, s0;
	s21 =	sadd.s32 $0x48600, s13;
	[dreg:$0xc] =	wrdreg s20  }
0x10: {  	s15 =	sshrl.u32 s0, $0x1;
	s22 =	sadd.s32 $0x60000, s13;
	[dreg:$0xd] =	wrdreg s21  }
0x11: {  	s0 =	ssub.s32 s0, s15;
	s15 =	sadd.s32 $0x78000, s13;
	[dreg:$0xe] =	wrdreg s22  }
0x12: {  	s25 =	sadd.s32 $0x90000, s13;
	[dreg:$0xf] =	wrdreg s15  }
0x13: {  	s26 =	sadd.s32 $0xA8000, s13;
	[dreg:$0x10] =	wrdreg s25  }
0x14: {  	s29 =	sadd.s32 $0x60600, s13;
	[dreg:$0x11] =	wrdreg s26  }
0x15: {  	s31 =	sadd.s32 $0x78600, s13;
	[dreg:$0x12] =	wrdreg s29  }
0x16: {  	s16 =	sadd.s32 $0xA8600, s13;
	[dreg:$0x13] =	wrdreg s31  }
0x17: {  	s23 =	sadd.s32 $0xF0600, s13;
	[dreg:$0x15] =	wrdreg s16  }
0x18: {  	s24 =	sadd.s32 $0x108600, s13;
	[dreg:$0x1c] =	wrdreg s23  }
0x19: {  	s15 =	sadd.s32 $0x90600, s13;
	[dreg:$0x1d] =	wrdreg s24  }
0x1a: {  	s17 =	sadd.s32 $0xC0000, s13;
	[dreg:$0x14] =	wrdreg s15  }
0x1b: {  	s18 =	sadd.s32 $0xD8000, s13;
	[dreg:$0x16] =	wrdreg s17  }
0x1c: {  	s19 =	sadd.s32 $0xF0000, s13;
	[dreg:$0x17] =	wrdreg s18  }
0x1d: {  	s20 =	sadd.s32 $0x108000, s13;
	[dreg:$0x18] =	wrdreg s19  }
0x1e: {  	s21 =	sadd.s32 $0xC0600, s13;
	[dreg:$0x19] =	wrdreg s20  }
0x1f: {  	s22 =	sadd.s32 $0xD8600, s13;
	[dreg:$0x1a] =	wrdreg s21  }
0x20: {  	s25 =	sadd.s32 $0x120000, s13;
	[dreg:$0x1b] =	wrdreg s22  }
0x21: {  	s26 =	sadd.s32 $0x138000, s13;
	[dreg:$0x1e] =	wrdreg s25  }
0x22: {  	s29 =	sadd.s32 $0x150000, s13;
	[dreg:$0x1f] =	wrdreg s26  }
0x23: {  	s31 =	sadd.s32 $0x168000, s13;
	[smem:$0x7EF] =	sst s29  }
0x24: {  	s30 =	simm.s32 $0x4;
	s16 =	sadd.s32 $0x138600, s13;
	[smem:$0x7F0] =	sst s31  }
0x25: {  	s28 =	simm.s32 $0x1;
	s23 =	sadd.s32 $0x180600, s13;
	[smem:$0x7F2] =	sst s16  }
0x26: {  	s5 =	sadd.s32 $0x200, s1;
	s24 =	sadd.s32 $0x600, s13;
	[smem:$0x7F9] =	sst s23  }
0x27: {  	s7 =	sadd.s32 $0x400, s1;
	s15 =	sadd.s32 $0x120600, s13;
	[smem:$0x7FA] =	sst s24  }
0x28: {  	s8 =	sadd.s32 $0x500, s1;
	s17 =	sadd.s32 $0x150600, s13;
	[smem:$0x7F1] =	sst s15  }
0x29: {  	s9 =	sadd.s32 $0x700, s1;
	s18 =	sadd.s32 $0x168600, s13;
	[smem:$0x7F3] =	sst s17  }
0x2a: {  	s10 =	sadd.s32 $0x800, s1;
	s19 =	sadd.s32 $0x180000, s13;
	[smem:$0x7F4] =	sst s18  }
0x2b: {  	s11 =	sadd.s32 $0x900, s1;
	s20 =	sadd.s32 $0x198000, s13;
	[smem:$0x7F5] =	sst s19  }
0x2c: {  	s12 =	sadd.s32 $0xA00, s1;
	s21 =	sadd.s32 $0x1B0000, s13;
	[smem:$0x7F6] =	sst s20  }
0x2d: {  	s14 =	sadd.s32 $0xB00, s1;
	s22 =	sadd.s32 $0x1C8000, s13;
	[smem:$0x7F7] =	sst s21  }
0x2e: {  	s6 =	sadd.s32 $0x300, s1;
	s25 =	sadd.s32 $0x198600, s13;
	[smem:$0x7F8] =	sst s22  }
0x2f: {  	v2 =	vlaneseq.u32;
	s4 =	sadd.s32 $0x100, s1;
	s29 =	sadd.s32 $0x1B0600, s13;
	[smem:$0x7FB] =	sst s25  }
0x30: {  	vm0 =	vmmov $0xffff;
	v1 =	vshrl.u32 v2, $0x3;
	s2 =	smax.u32 s0, $0x1;
	s31 =	sadd.s32 $0x1C8600, s13;
	[smem:$0x7FC] =	sst s29  }
0x31: {  	v0 =	vand.u32 $0x7, v2;
	v2 =	vor.u32 $0x8, v2;
	v1 =	vmul.u32 $0x8, v1;
	s26 =	sadd.s32 $0x600, s1;
	[smem:$0x7FD] =	sst s31;
	s21 =	simm.s32 $0x3  }
.LBB2_1:
0x32: {  	[smem:$0x7EE] =	sst s2  }
0x33: {  	s0 =	rddreg [dreg:$0x4]  }
0x34: {  	s17 =	rddreg [dreg:$0x5]  }
0x35: {  	s20 =	rddreg [dreg:$0x6];
	s23 =	simm.s32 $0x5  }
0x36: {  	[tilespmem:s3], [sflag:$0x5] =	stream.strided.gather [hbm4b:s0+s17], $0x500, s20, s17, $0x38;
	[tilespmem:$0x18500] =	vst v63  }
0x37: {  	_ =	swait.ge [sflag:s23], $0x500  }
0x38: {  	[sflag:s23] =	ssyncset.done $0x0  }
0x39: {  	[sflag:s23] =	ssyncadd.s32 $0xFFFFFB00  }
0x3a: {  	v3 =	vld [tilespmem:$0x0];
	_ =	sdelay $0x4  }
0x3b: {  	v4 =	vshrl.u32 v3, $0x3  }
0x3c: {  	v4 =	vmul.u32 $0xC0, v4  }
0x3d: {  	v3 =	vand.u32 $0x7, v3  }
0x3e: {  	v3 =	vor.u32 v3, v4  }
0x3f: {  	v4 =	vperm.xlane v3, v0;
	_ =	sdelay $0x1  }
0x40: {  	v4 =	vadd.s32 v1, v4;
	_ =	sdelay $0x3  }
0x41: {  	s24 =	simm.s32 $0x500;
	s23 =	rddreg [dreg:$0x0]  }
0x42: {  	[tilespmem:s24], [sflag:$0x1] =	stream.indirect_vreg.gather [hbm4b:s23+s3], $0x80, v4, vm0, $0xb8;
	[tilespmem:$0x18500] =	vst v63  }
0x43: {  	s25 =	simm.s32 $0xD00  }
0x44: {  	[tilespmem:s25], [sflag:$0x1] =	stream.indirect_vreg.gather [hbm4b:s4+s3], $0x80, v4, vm0, $0xb8;
	[tilespmem:$0x18500] =	vst v63  }
0x45: {  	s29 =	simm.s32 $0x1500  }
0x46: {  	[tilespmem:s29], [sflag:$0x1] =	stream.indirect_vreg.gather [hbm4b:s5+s3], $0x80, v4, vm0, $0xb8;
	[tilespmem:$0x18500] =	vst v63  }
0x47: {  	s31 =	simm.s32 $0x1D00  }
0x48: {  	[tilespmem:s31], [sflag:$0x1] =	stream.indirect_vreg.gather [hbm4b:s6+s3], $0x80, v4, vm0, $0xb8;
	[tilespmem:$0x18500] =	vst v63  }
0x49: {  	s2 =	simm.s32 $0x2500  }
0x4a: {  	[tilespmem:s2], [sflag:$0x1] =	stream.indirect_vreg.gather [hbm4b:s7+s3], $0x80, v4, vm0, $0xb8;
	[tilespmem:$0x18500] =	vst v63  }
0x4b: {  	s13 =	simm.s32 $0x2D00  }
0x4c: {  	[tilespmem:s13], [sflag:$0x1] =	stream.indirect_vreg.gather [hbm4b:s8+s3], $0x80, v4, vm0, $0xb8;
	[tilespmem:$0x18500] =	vst v63  }
0x4d: {  	s16 =	simm.s32 $0x3500  }
0x4e: {  	[tilespmem:s16], [sflag:$0x1] =	stream.indirect_vreg.gather [hbm4b:s26+s3], $0x80, v4, vm0, $0xb8;
	[tilespmem:$0x18500] =	vst v63  }
0x4f: {  	s17 =	simm.s32 $0x3D00  }
0x50: {  	[tilespmem:s17], [sflag:$0x1] =	stream.indirect_vreg.gather [hbm4b:s9+s3], $0x80, v4, vm0, $0xb8;
	[tilespmem:$0x18500] =	vst v63  }
0x51: {  	s18 =	simm.s32 $0x4500  }
0x52: {  	[tilespmem:s18], [sflag:$0x1] =	stream.indirect_vreg.gather [hbm4b:s10+s3], $0x80, v4, vm0, $0xb8;
	[tilespmem:$0x18500] =	vst v63  }
0x53: {  	s19 =	simm.s32 $0x4D00;
	v3 =	vperm.xlane v3, v2  }
0x54: {  	[tilespmem:s19], [sflag:$0x1] =	stream.indirect_vreg.gather [hbm4b:s11+s3], $0x80, v4, vm0, $0xb8;
	[tilespmem:$0x18500] =	vst v63  }
0x55: {  	s20 =	simm.s32 $0x5500;
	v3 =	vadd.s32 v1, v3  }
0x56: {  	[tilespmem:s20], [sflag:$0x1] =	stream.indirect_vreg.gather [hbm4b:s12+s3], $0x80, v4, vm0, $0xb8;
	[tilespmem:$0x18500] =	vst v63  }
0x57: {  	s22 =	simm.s32 $0x5D00  }
0x58: {  	[tilespmem:s22], [sflag:$0x1] =	stream.indirect_vreg.gather [hbm4b:s14+s3], $0x80, v4, vm0, $0xb8;
	[tilespmem:$0x18500] =	vst v63  }
0x59: {  	s25 =	simm.s32 $0x6500  }
0x5a: {  	[tilespmem:s25], [sflag:$0x1] =	stream.indirect_vreg.gather [hbm4b:s23+s3], $0x80, v3, vm0, $0xb8;
	[tilespmem:$0x18500] =	vst v63  }
0x5b: {  	s29 =	simm.s32 $0x6D00  }
0x5c: {  	[tilespmem:s29], [sflag:$0x1] =	stream.indirect_vreg.gather [hbm4b:s4+s3], $0x80, v3, vm0, $0xb8;
	[tilespmem:$0x18500] =	vst v63  }
0x5d: {  	s31 =	simm.s32 $0x7500  }
0x5e: {  	[tilespmem:s31], [sflag:$0x1] =	stream.indirect_vreg.gather [hbm4b:s5+s3], $0x80, v3, vm0, $0xb8;
	[tilespmem:$0x18500] =	vst v63  }
0x5f: {  	s17 =	simm.s32 $0x7D00  }
0x60: {  	[tilespmem:s17], [sflag:$0x1] =	stream.indirect_vreg.gather [hbm4b:s6+s3], $0x80, v3, vm0, $0xb8;
	[tilespmem:$0x18500] =	vst v63  }
0x61: {  	s18 =	simm.s32 $0x8500  }
0x62: {  	[tilespmem:s18], [sflag:$0x1] =	stream.indirect_vreg.gather [hbm4b:s7+s3], $0x80, v3, vm0, $0xb8;
	[tilespmem:$0x18500] =	vst v63  }
0x63: {  	s19 =	simm.s32 $0x8D00  }
0x64: {  	[tilespmem:s19], [sflag:$0x1] =	stream.indirect_vreg.gather [hbm4b:s8+s3], $0x80, v3, vm0, $0xb8;
	[tilespmem:$0x18500] =	vst v63  }
0x65: {  	s20 =	simm.s32 $0x9500  }
0x66: {  	[tilespmem:s20], [sflag:$0x1] =	stream.indirect_vreg.gather [hbm4b:s26+s3], $0x80, v3, vm0, $0xb8;
	[tilespmem:$0x18500] =	vst v63  }
0x67: {  	s22 =	simm.s32 $0x9D00  }
0x68: {  	[tilespmem:s22], [sflag:$0x1] =	stream.indirect_vreg.gather [hbm4b:s9+s3], $0x80, v3, vm0, $0xb8;
	[tilespmem:$0x18500] =	vst v63  }
0x69: {  	s25 =	simm.s32 $0xA500  }
0x6a: {  	[tilespmem:s25], [sflag:$0x1] =	stream.indirect_vreg.gather [hbm4b:s10+s3], $0x80, v3, vm0, $0xb8;
	[tilespmem:$0x18500] =	vst v63  }
0x6b: {  	s31 =	simm.s32 $0xAD00  }
0x6c: {  	[tilespmem:s31], [sflag:$0x1] =	stream.indirect_vreg.gather [hbm4b:s11+s3], $0x80, v3, vm0, $0xb8;
	[tilespmem:$0x18500] =	vst v63  }
0x6d: {  	s18 =	simm.s32 $0xB500  }
0x6e: {  	[tilespmem:s18], [sflag:$0x1] =	stream.indirect_vreg.gather [hbm4b:s12+s3], $0x80, v3, vm0, $0xb8;
	[tilespmem:$0x18500] =	vst v63  }
0x6f: {  	s20 =	simm.s32 $0xBD00  }
0x70: {  	[tilespmem:s20], [sflag:$0x1] =	stream.indirect_vreg.gather [hbm4b:s14+s3], $0x80, v3, vm0, $0xb8;
	[tilespmem:$0x18500] =	vst v63  }
0x71: {  	v3 =	vld [tilespmem:$0x80];
	_ =	sdelay $0x4  }
0x72: {  	v55 =	vshrl.u32 v3, $0x3  }
0x73: {  	v4 =	vmul.u32 $0xC0, v55  }
0x74: {  	v3 =	vand.u32 $0x7, v3  }
0x75: {  	v3 =	vor.u32 v3, v4  }
0x76: {  	v4 =	vperm.xlane v3, v0;
	_ =	sdelay $0x1  }
0x77: {  	v4 =	vadd.s32 v1, v4;
	_ =	sdelay $0x3  }
0x78: {  	s25 =	simm.s32 $0xC500  }
0x79: {  	[tilespmem:s25], [sflag:$0x2] =	stream.indirect_vreg.gather [hbm4b:s23+s3], $0x80, v4, vm0, $0xb8;
	[tilespmem:$0x18500] =	vst v63  }
0x7a: {  	s31 =	simm.s32 $0xCD00  }
0x7b: {  	[tilespmem:s31], [sflag:$0x2] =	stream.indirect_vreg.gather [hbm4b:s4+s3], $0x80, v4, vm0, $0xb8;
	[tilespmem:$0x18500] =	vst v63  }
0x7c: {  	s25 =	simm.s32 $0xD500  }
0x7d: {  	[tilespmem:s25], [sflag:$0x2] =	stream.indirect_vreg.gather [hbm4b:s5+s3], $0x80, v4, vm0, $0xb8;
	[tilespmem:$0x18500] =	vst v63  }
0x7e: {  	s31 =	simm.s32 $0xDD00  }
0x7f: {  	[tilespmem:s31], [sflag:$0x2] =	stream.indirect_vreg.gather [hbm4b:s6+s3], $0x80, v4, vm0, $0xb8;
	[tilespmem:$0x18500] =	vst v63  }
0x80: {  	s25 =	simm.s32 $0xE500  }
0x81: {  	[tilespmem:s25], [sflag:$0x2] =	stream.indirect_vreg.gather [hbm4b:s7+s3], $0x80, v4, vm0, $0xb8;
	[tilespmem:$0x18500] =	vst v63  }
0x82: {  	s31 =	simm.s32 $0xED00  }
0x83: {  	[tilespmem:s31], [sflag:$0x2] =	stream.indirect_vreg.gather [hbm4b:s8+s3], $0x80, v4, vm0, $0xb8;
	[tilespmem:$0x18500] =	vst v63  }
0x84: {  	s25 =	simm.s32 $0xF500  }
0x85: {  	[tilespmem:s25], [sflag:$0x2] =	stream.indirect_vreg.gather [hbm4b:s26+s3], $0x80, v4, vm0, $0xb8;
	[tilespmem:$0x18500] =	vst v63  }
0x86: {  	s31 =	simm.s32 $0xFD00  }
0x87: {  	[tilespmem:s31], [sflag:$0x2] =	stream.indirect_vreg.gather [hbm4b:s9+s3], $0x80, v4, vm0, $0xb8;
	[tilespmem:$0x18500] =	vst v63  }
0x88: {  	s25 =	simm.s32 $0x10500  }
0x89: {  	[tilespmem:s25], [sflag:$0x2] =	stream.indirect_vreg.gather [hbm4b:s10+s3], $0x80, v4, vm0, $0xb8;
	[tilespmem:$0x18500] =	vst v63  }
0x8a: {  	v3 =	vperm.xlane v3, v2;
	s31 =	simm.s32 $0x10D00  }
0x8b: {  	[tilespmem:s31], [sflag:$0x2] =	stream.indirect_vreg.gather [hbm4b:s11+s3], $0x80, v4, vm0, $0xb8;
	[tilespmem:$0x18500] =	vst v63  }
0x8c: {  	v3 =	vadd.s32 v1, v3;
	s25 =	simm.s32 $0x11500  }
0x8d: {  	[tilespmem:s25], [sflag:$0x2] =	stream.indirect_vreg.gather [hbm4b:s12+s3], $0x80, v4, vm0, $0xb8;
	[tilespmem:$0x18500] =	vst v63  }
0x8e: {  	s31 =	simm.s32 $0x11D00  }
0x8f: {  	[tilespmem:s31], [sflag:$0x2] =	stream.indirect_vreg.gather [hbm4b:s14+s3], $0x80, v4, vm0, $0xb8;
	[tilespmem:$0x18500] =	vst v63  }
0x90: {  	s25 =	simm.s32 $0x12500  }
0x91: {  	[tilespmem:s25], [sflag:$0x2] =	stream.indirect_vreg.gather [hbm4b:s23+s3], $0x80, v3, vm0, $0xb8;
	[tilespmem:$0x18500] =	vst v63  }
0x92: {  	s31 =	simm.s32 $0x12D00  }
0x93: {  	[tilespmem:s31], [sflag:$0x2] =	stream.indirect_vreg.gather [hbm4b:s4+s3], $0x80, v3, vm0, $0xb8;
	[tilespmem:$0x18500] =	vst v63  }
0x94: {  	s25 =	simm.s32 $0x13500  }
0x95: {  	[tilespmem:s25], [sflag:$0x2] =	stream.indirect_vreg.gather [hbm4b:s5+s3], $0x80, v3, vm0, $0xb8;
	[tilespmem:$0x18500] =	vst v63  }
0x96: {  	s31 =	simm.s32 $0x13D00  }
0x97: {  	[tilespmem:s31], [sflag:$0x2] =	stream.indirect_vreg.gather [hbm4b:s6+s3], $0x80, v3, vm0, $0xb8;
	[tilespmem:$0x18500] =	vst v63  }
0x98: {  	s25 =	simm.s32 $0x14500  }
0x99: {  	[tilespmem:s25], [sflag:$0x2] =	stream.indirect_vreg.gather [hbm4b:s7+s3], $0x80, v3, vm0, $0xb8;
	[tilespmem:$0x18500] =	vst v63  }
0x9a: {  	s31 =	simm.s32 $0x14D00  }
0x9b: {  	[tilespmem:s31], [sflag:$0x2] =	stream.indirect_vreg.gather [hbm4b:s8+s3], $0x80, v3, vm0, $0xb8;
	[tilespmem:$0x18500] =	vst v63  }
0x9c: {  	s25 =	simm.s32 $0x15500  }
0x9d: {  	[tilespmem:s25], [sflag:$0x2] =	stream.indirect_vreg.gather [hbm4b:s26+s3], $0x80, v3, vm0, $0xb8;
	[tilespmem:$0x18500] =	vst v63  }
0x9e: {  	s31 =	simm.s32 $0x15D00  }
0x9f: {  	[tilespmem:s31], [sflag:$0x2] =	stream.indirect_vreg.gather [hbm4b:s9+s3], $0x80, v3, vm0, $0xb8;
	[tilespmem:$0x18500] =	vst v63  }
0xa0: {  	s25 =	simm.s32 $0x16500  }
0xa1: {  	[tilespmem:s25], [sflag:$0x2] =	stream.indirect_vreg.gather [hbm4b:s10+s3], $0x80, v3, vm0, $0xb8;
	[tilespmem:$0x18500] =	vst v63  }
0xa2: {  	s31 =	simm.s32 $0x16D00  }
0xa3: {  	[tilespmem:s31], [sflag:$0x2] =	stream.indirect_vreg.gather [hbm4b:s11+s3], $0x80, v3, vm0, $0xb8;
	[tilespmem:$0x18500] =	vst v63  }
0xa4: {  	s25 =	simm.s32 $0x17500  }
0xa5: {  	[tilespmem:s25], [sflag:$0x2] =	stream.indirect_vreg.gather [hbm4b:s12+s3], $0x80, v3, vm0, $0xb8;
	[tilespmem:$0x18500] =	vst v63  }
0xa6: {  	s31 =	simm.s32 $0x17D00  }
0xa7: {  	[tilespmem:s31], [sflag:$0x2] =	stream.indirect_vreg.gather [hbm4b:s14+s3], $0x80, v3, vm0, $0xb8;
	[tilespmem:$0x18500] =	vst v63  }
0xa8: {  	_ =	swait.ge [sflag:s28], $0xC000  }
0xa9: {  	[sflag:s28] =	ssyncset.done $0x0  }
0xaa: {  	s1 =	simm.s32 $0x500;
	s25 =	rddreg [dreg:$0x7];
	[sflag:s28] =	ssyncadd.s32 $0xFFFF4000  }
0xab: {  	[hbm4b:s25+s3] =	stream.linear.scatter [tilespmem:s1], [sflag:$0x3], $0x1800, $0x38;
	[tilespmem:$0x18500] =	vst v63  }
0xac: {  	s13 =	simm.s32 $0x6500;
	s0 =	sadd.s32 $0x300, s25  }
0xad: {  	[hbm4b:s0+s3] =	stream.linear.scatter [tilespmem:s13], [sflag:$0x3], $0x1800, $0x38;
	[tilespmem:$0x18500] =	vst v63  }
0xae: {  	s15 =	simm.s32 $0x1D00;
	s25 =	rddreg [dreg:$0x8]  }
0xaf: {  	[hbm4b:s25+s3] =	stream.linear.scatter [tilespmem:s15], [sflag:$0x3], $0x1800, $0x38;
	[tilespmem:$0x18500] =	vst v63  }
0xb0: {  	s29 =	simm.s32 $0x7D00;
	s0 =	sadd.s32 $0x300, s25  }
0xb1: {  	[hbm4b:s0+s3] =	stream.linear.scatter [tilespmem:s29], [sflag:$0x3], $0x1800, $0x38;
	[tilespmem:$0x18500] =	vst v63  }
0xb2: {  	s16 =	simm.s32 $0x3500;
	s29 =	rddreg [dreg:$0x9]  }
0xb3: {  	[hbm4b:s29+s3] =	stream.linear.scatter [tilespmem:s16], [sflag:$0x3], $0x1800, $0x38;
	[tilespmem:$0x18500] =	vst v63  }
0xb4: {  	s17 =	simm.s32 $0x9500;
	s0 =	sadd.s32 $0x300, s29  }
0xb5: {  	[hbm4b:s0+s3] =	stream.linear.scatter [tilespmem:s17], [sflag:$0x3], $0x1800, $0x38;
	[tilespmem:$0x18500] =	vst v63  }
0xb6: {  	s2 =	simm.s32 $0x4D00;
	s17 =	rddreg [dreg:$0xa]  }
0xb7: {  	[hbm4b:s17+s3] =	stream.linear.scatter [tilespmem:s2], [sflag:$0x3], $0x1800, $0x38;
	[tilespmem:$0x18500] =	vst v63  }
0xb8: {  	s19 =	simm.s32 $0xAD00;
	s0 =	sadd.s32 $0x300, s17  }
0xb9: {  	[hbm4b:s0+s3] =	stream.linear.scatter [tilespmem:s19], [sflag:$0x3], $0x1800, $0x38;
	[tilespmem:$0x18500] =	vst v63  }
0xba: {  	_ =	swait.ge [sflag:s21], $0x3000  }
0xbb: {  	[sflag:s21] =	ssyncset.done $0x0  }
0xbc: {  	[sflag:s21] =	ssyncadd.s32 $0xFFFFD000  }
0xbd: {  	_ =	swait.ge [sflag:s21], $0x3000  }
0xbe: {  	[sflag:s21] =	ssyncset.done $0x0  }
0xbf: {  	[sflag:s21] =	ssyncadd.s32 $0xFFFFD000  }
0xc0: {  	_ =	swait.ge [sflag:s21], $0x3000  }
0xc1: {  	[sflag:s21] =	ssyncset.done $0x0  }
0xc2: {  	[sflag:s21] =	ssyncadd.s32 $0xFFFFD000  }
0xc3: {  	_ =	swait.ge [sflag:s21], $0x3000  }
0xc4: {  	[sflag:s21] =	ssyncset.done $0x0  }
0xc5: {  	[sflag:s21] =	ssyncadd.s32 $0xFFFFD000  }
0xc6: {  	v3 =	vld [tilespmem:$0x100];
	_ =	sdelay $0x4  }
0xc7: {  	v56 =	vshrl.u32 v3, $0x3  }
0xc8: {  	v4 =	vmul.u32 $0xC0, v56  }
0xc9: {  	v3 =	vand.u32 $0x7, v3  }
0xca: {  	v3 =	vor.u32 v3, v4  }
0xcb: {  	v4 =	vperm.xlane v3, v0;
	_ =	sdelay $0x1  }
0xcc: {  	v4 =	vadd.s32 v1, v4;
	_ =	sdelay $0x3  }
0xcd: {  	s31 =	simm.s32 $0x500  }
0xce: {  	[tilespmem:s31], [sflag:$0x1] =	stream.indirect_vreg.gather [hbm4b:s23+s3], $0x80, v4, vm0, $0xb8;
	[tilespmem:$0x18500] =	vst v63  }
0xcf: {  	s24 =	simm.s32 $0xD00  }
0xd0: {  	[tilespmem:s24], [sflag:$0x1] =	stream.indirect_vreg.gather [hbm4b:s4+s3], $0x80, v4, vm0, $0xb8;
	[tilespmem:$0x18500] =	vst v63  }
0xd1: {  	s31 =	simm.s32 $0x1500  }
0xd2: {  	[tilespmem:s31], [sflag:$0x1] =	stream.indirect_vreg.gather [hbm4b:s5+s3], $0x80, v4, vm0, $0xb8;
	[tilespmem:$0x18500] =	vst v63  }
0xd3: {  	s13 =	simm.s32 $0x1D00  }
0xd4: {  	[tilespmem:s13], [sflag:$0x1] =	stream.indirect_vreg.gather [hbm4b:s6+s3], $0x80, v4, vm0, $0xb8;
	[tilespmem:$0x18500] =	vst v63  }
0xd5: {  	s19 =	simm.s32 $0x2500  }
0xd6: {  	[tilespmem:s19], [sflag:$0x1] =	stream.indirect_vreg.gather [hbm4b:s7+s3], $0x80, v4, vm0, $0xb8;
	[tilespmem:$0x18500] =	vst v63  }
0xd7: {  	s24 =	simm.s32 $0x2D00  }
0xd8: {  	[tilespmem:s24], [sflag:$0x1] =	stream.indirect_vreg.gather [hbm4b:s8+s3], $0x80, v4, vm0, $0xb8;
	[tilespmem:$0x18500] =	vst v63  }
0xd9: {  	s15 =	simm.s32 $0x3500  }
0xda: {  	[tilespmem:s15], [sflag:$0x1] =	stream.indirect_vreg.gather [hbm4b:s26+s3], $0x80, v4, vm0, $0xb8;
	[tilespmem:$0x18500] =	vst v63  }
0xdb: {  	s31 =	simm.s32 $0x3D00  }
0xdc: {  	[tilespmem:s31], [sflag:$0x1] =	stream.indirect_vreg.gather [hbm4b:s9+s3], $0x80, v4, vm0, $0xb8;
	[tilespmem:$0x18500] =	vst v63  }
0xdd: {  	s15 =	simm.s32 $0x4500  }
0xde: {  	[tilespmem:s15], [sflag:$0x1] =	stream.indirect_vreg.gather [hbm4b:s10+s3], $0x80, v4, vm0, $0xb8;
	[tilespmem:$0x18500] =	vst v63  }
0xdf: {  	s2 =	simm.s32 $0x4D00;
	v3 =	vperm.xlane v3, v2  }
0xe0: {  	[tilespmem:s2], [sflag:$0x1] =	stream.indirect_vreg.gather [hbm4b:s11+s3], $0x80, v4, vm0, $0xb8;
	[tilespmem:$0x18500] =	vst v63  }
0xe1: {  	s16 =	simm.s32 $0x5500;
	v3 =	vadd.s32 v1, v3  }
0xe2: {  	[tilespmem:s16], [sflag:$0x1] =	stream.indirect_vreg.gather [hbm4b:s12+s3], $0x80, v4, vm0, $0xb8;
	[tilespmem:$0x18500] =	vst v63  }
0xe3: {  	s19 =	simm.s32 $0x5D00  }
0xe4: {  	[tilespmem:s19], [sflag:$0x1] =	stream.indirect_vreg.gather [hbm4b:s14+s3], $0x80, v4, vm0, $0xb8;
	[tilespmem:$0x18500] =	vst v63  }
0xe5: {  	s1 =	simm.s32 $0x6500  }
0xe6: {  	[tilespmem:s1], [sflag:$0x1] =	stream.indirect_vreg.gather [hbm4b:s23+s3], $0x80, v3, vm0, $0xb8;
	[tilespmem:$0x18500] =	vst v63  }
0xe7: {  	s24 =	simm.s32 $0x6D00  }
0xe8: {  	[tilespmem:s24], [sflag:$0x1] =	stream.indirect_vreg.gather [hbm4b:s4+s3], $0x80, v3, vm0, $0xb8;
	[tilespmem:$0x18500] =	vst v63  }
0xe9: {  	s31 =	simm.s32 $0x7500  }
0xea: {  	[tilespmem:s31], [sflag:$0x1] =	stream.indirect_vreg.gather [hbm4b:s5+s3], $0x80, v3, vm0, $0xb8;
	[tilespmem:$0x18500] =	vst v63  }
0xeb: {  	s25 =	simm.s32 $0x7D00  }
0xec: {  	[tilespmem:s25], [sflag:$0x1] =	stream.indirect_vreg.gather [hbm4b:s6+s3], $0x80, v3, vm0, $0xb8;
	[tilespmem:$0x18500] =	vst v63  }
0xed: {  	s2 =	simm.s32 $0x8500  }
0xee: {  	[tilespmem:s2], [sflag:$0x1] =	stream.indirect_vreg.gather [hbm4b:s7+s3], $0x80, v3, vm0, $0xb8;
	[tilespmem:$0x18500] =	vst v63  }
0xef: {  	s13 =	simm.s32 $0x8D00  }
0xf0: {  	[tilespmem:s13], [sflag:$0x1] =	stream.indirect_vreg.gather [hbm4b:s8+s3], $0x80, v3, vm0, $0xb8;
	[tilespmem:$0x18500] =	vst v63  }
0xf1: {  	s29 =	simm.s32 $0x9500  }
0xf2: {  	[tilespmem:s29], [sflag:$0x1] =	stream.indirect_vreg.gather [hbm4b:s26+s3], $0x80, v3, vm0, $0xb8;
	[tilespmem:$0x18500] =	vst v63  }
0xf3: {  	s22 =	simm.s32 $0x9D00  }
0xf4: {  	[tilespmem:s22], [sflag:$0x1] =	stream.indirect_vreg.gather [hbm4b:s9+s3], $0x80, v3, vm0, $0xb8;
	[tilespmem:$0x18500] =	vst v63  }
0xf5: {  	s15 =	simm.s32 $0xA500  }
0xf6: {  	[tilespmem:s15], [sflag:$0x1] =	stream.indirect_vreg.gather [hbm4b:s10+s3], $0x80, v3, vm0, $0xb8;
	[tilespmem:$0x18500] =	vst v63  }
0xf7: {  	s0 =	simm.s32 $0xAD00  }
0xf8: {  	[tilespmem:s0], [sflag:$0x1] =	stream.indirect_vreg.gather [hbm4b:s11+s3], $0x80, v3, vm0, $0xb8;
	[tilespmem:$0x18500] =	vst v63  }
0xf9: {  	s18 =	simm.s32 $0xB500  }
0xfa: {  	[tilespmem:s18], [sflag:$0x1] =	stream.indirect_vreg.gather [hbm4b:s12+s3], $0x80, v3, vm0, $0xb8;
	[tilespmem:$0x18500] =	vst v63  }
0xfb: {  	s20 =	simm.s32 $0xBD00;
	s24 =	simm.s32 $0x2  }
0xfc: {  	[tilespmem:s20], [sflag:$0x1] =	stream.indirect_vreg.gather [hbm4b:s14+s3], $0x80, v3, vm0, $0xb8;
	[tilespmem:$0x18500] =	vst v63  }
0xfd: {  	_ =	swait.ge [sflag:s24], $0xC000  }
0xfe: {  	s16 =	sld [smem:$0x7FA]  }
0xff: {  	[sflag:s24] =	ssyncset.done $0x0  }
0x100: {  	s2 =	simm.s32 $0xC500;
	[sflag:s24] =	ssyncadd.s32 $0xFFFF4000  }
0x101: {  	[hbm4b:s16+s3] =	stream.linear.scatter [tilespmem:s2], [sflag:$0x4], $0x1800, $0x38;
	[tilespmem:$0x18500] =	vst v63  }
0x102: {  	s15 =	simm.s32 $0x12500;
	s0 =	sadd.s32 $0x300, s16  }
0x103: {  	[hbm4b:s0+s3] =	stream.linear.scatter [tilespmem:s15], [sflag:$0x4], $0x1800, $0x38;
	[tilespmem:$0x18500] =	vst v63  }
0x104: {  	s20 =	simm.s32 $0xDD00;
	s18 =	rddreg [dreg:$0xb]  }
0x105: {  	[hbm4b:s18+s3] =	stream.linear.scatter [tilespmem:s20], [sflag:$0x4], $0x1800, $0x38;
	[tilespmem:$0x18500] =	vst v63  }
0x106: {  	s16 =	simm.s32 $0x13D00;
	s0 =	sadd.s32 $0x300, s18  }
0x107: {  	[hbm4b:s0+s3] =	stream.linear.scatter [tilespmem:s16], [sflag:$0x4], $0x1800, $0x38;
	[tilespmem:$0x18500] =	vst v63  }
0x108: {  	s13 =	simm.s32 $0xF500;
	s31 =	rddreg [dreg:$0xc]  }
0x109: {  	[hbm4b:s31+s3] =	stream.linear.scatter [tilespmem:s13], [sflag:$0x4], $0x1800, $0x38;
	[tilespmem:$0x18500] =	vst v63  }
0x10a: {  	s22 =	simm.s32 $0x15500;
	s0 =	sadd.s32 $0x300, s31  }
0x10b: {  	[hbm4b:s0+s3] =	stream.linear.scatter [tilespmem:s22], [sflag:$0x4], $0x1800, $0x38;
	[tilespmem:$0x18500] =	vst v63  }
0x10c: {  	s1 =	rddreg [dreg:$0xd];
	s31 =	simm.s32 $0x10D00  }
0x10d: {  	[hbm4b:s1+s3] =	stream.linear.scatter [tilespmem:s31], [sflag:$0x4], $0x1800, $0x38;
	[tilespmem:$0x18500] =	vst v63  }
0x10e: {  	s25 =	simm.s32 $0x16D00;
	s0 =	sadd.s32 $0x300, s1  }
0x10f: {  	[hbm4b:s0+s3] =	stream.linear.scatter [tilespmem:s25], [sflag:$0x4], $0x1800, $0x38;
	[tilespmem:$0x18500] =	vst v63  }
0x110: {  	_ =	swait.ge [sflag:s30], $0x3000  }
0x111: {  	[sflag:s30] =	ssyncset.done $0x0  }
0x112: {  	[sflag:s30] =	ssyncadd.s32 $0xFFFFD000  }
0x113: {  	_ =	swait.ge [sflag:s30], $0x3000  }
0x114: {  	[sflag:s30] =	ssyncset.done $0x0  }
0x115: {  	[sflag:s30] =	ssyncadd.s32 $0xFFFFD000  }
0x116: {  	_ =	swait.ge [sflag:s30], $0x3000  }
0x117: {  	[sflag:s30] =	ssyncset.done $0x0  }
0x118: {  	[sflag:s30] =	ssyncadd.s32 $0xFFFFD000  }
0x119: {  	_ =	swait.ge [sflag:s30], $0x3000  }
0x11a: {  	[sflag:s30] =	ssyncset.done $0x0  }
0x11b: {  	[sflag:s30] =	ssyncadd.s32 $0xFFFFD000  }
0x11c: {  	v3 =	vld [tilespmem:$0x180];
	_ =	sdelay $0x4  }
0x11d: {  	v57 =	vshrl.u32 v3, $0x3  }
0x11e: {  	v4 =	vmul.u32 $0xC0, v57  }
0x11f: {  	v3 =	vand.u32 $0x7, v3  }
0x120: {  	v3 =	vor.u32 v3, v4  }
0x121: {  	v4 =	vperm.xlane v3, v0;
	_ =	sdelay $0x1  }
0x122: {  	v4 =	vadd.s32 v1, v4;
	_ =	sdelay $0x4  }
0x123: {  	[tilespmem:s2], [sflag:$0x2] =	stream.indirect_vreg.gather [hbm4b:s23+s3], $0x80, v4, vm0, $0xb8;
	[tilespmem:$0x18500] =	vst v63  }
0x124: {  	s2 =	simm.s32 $0xCD00  }
0x125: {  	[tilespmem:s2], [sflag:$0x2] =	stream.indirect_vreg.gather [hbm4b:s4+s3], $0x80, v4, vm0, $0xb8;
	[tilespmem:$0x18500] =	vst v63  }
0x126: {  	s18 =	simm.s32 $0xD500  }
0x127: {  	[tilespmem:s18], [sflag:$0x2] =	stream.indirect_vreg.gather [hbm4b:s5+s3], $0x80, v4, vm0, $0xb8;
	[tilespmem:$0x18500] =	vst v63  }
0x128: {  	_ = 	snop  }
0x129: {  	[tilespmem:s20], [sflag:$0x2] =	stream.indirect_vreg.gather [hbm4b:s6+s3], $0x80, v4, vm0, $0xb8;
	[tilespmem:$0x18500] =	vst v63  }
0x12a: {  	s20 =	simm.s32 $0xE500  }
0x12b: {  	[tilespmem:s20], [sflag:$0x2] =	stream.indirect_vreg.gather [hbm4b:s7+s3], $0x80, v4, vm0, $0xb8;
	[tilespmem:$0x18500] =	vst v63  }
0x12c: {  	s29 =	simm.s32 $0xED00  }
0x12d: {  	[tilespmem:s29], [sflag:$0x2] =	stream.indirect_vreg.gather [hbm4b:s8+s3], $0x80, v4, vm0, $0xb8;
	[tilespmem:$0x18500] =	vst v63  }
0x12e: {  	_ = 	snop  }
0x12f: {  	[tilespmem:s13], [sflag:$0x2] =	stream.indirect_vreg.gather [hbm4b:s26+s3], $0x80, v4, vm0, $0xb8;
	[tilespmem:$0x18500] =	vst v63  }
0x130: {  	s1 =	simm.s32 $0xFD00  }
0x131: {  	[tilespmem:s1], [sflag:$0x2] =	stream.indirect_vreg.gather [hbm4b:s9+s3], $0x80, v4, vm0, $0xb8;
	[tilespmem:$0x18500] =	vst v63  }
0x132: {  	s2 =	simm.s32 $0x10500  }
0x133: {  	[tilespmem:s2], [sflag:$0x2] =	stream.indirect_vreg.gather [hbm4b:s10+s3], $0x80, v4, vm0, $0xb8;
	[tilespmem:$0x18500] =	vst v63  }
0x134: {  	v3 =	vperm.xlane v3, v2  }
0x135: {  	[tilespmem:s31], [sflag:$0x2] =	stream.indirect_vreg.gather [hbm4b:s11+s3], $0x80, v4, vm0, $0xb8;
	[tilespmem:$0x18500] =	vst v63  }
0x136: {  	v3 =	vadd.s32 v1, v3;
	s13 =	simm.s32 $0x11500  }
0x137: {  	[tilespmem:s13], [sflag:$0x2] =	stream.indirect_vreg.gather [hbm4b:s12+s3], $0x80, v4, vm0, $0xb8;
	[tilespmem:$0x18500] =	vst v63  }
0x138: {  	s18 =	simm.s32 $0x11D00  }
0x139: {  	[tilespmem:s18], [sflag:$0x2] =	stream.indirect_vreg.gather [hbm4b:s14+s3], $0x80, v4, vm0, $0xb8;
	[tilespmem:$0x18500] =	vst v63  }
0x13a: {  	_ = 	snop  }
0x13b: {  	[tilespmem:s15], [sflag:$0x2] =	stream.indirect_vreg.gather [hbm4b:s23+s3], $0x80, v3, vm0, $0xb8;
	[tilespmem:$0x18500] =	vst v63  }
0x13c: {  	s31 =	simm.s32 $0x12D00  }
0x13d: {  	[tilespmem:s31], [sflag:$0x2] =	stream.indirect_vreg.gather [hbm4b:s4+s3], $0x80, v3, vm0, $0xb8;
	[tilespmem:$0x18500] =	vst v63  }
0x13e: {  	s20 =	simm.s32 $0x13500  }
0x13f: {  	[tilespmem:s20], [sflag:$0x2] =	stream.indirect_vreg.gather [hbm4b:s5+s3], $0x80, v3, vm0, $0xb8;
	[tilespmem:$0x18500] =	vst v63  }
0x140: {  	_ = 	snop  }
0x141: {  	[tilespmem:s16], [sflag:$0x2] =	stream.indirect_vreg.gather [hbm4b:s6+s3], $0x80, v3, vm0, $0xb8;
	[tilespmem:$0x18500] =	vst v63  }
0x142: {  	s29 =	simm.s32 $0x14500  }
0x143: {  	[tilespmem:s29], [sflag:$0x2] =	stream.indirect_vreg.gather [hbm4b:s7+s3], $0x80, v3, vm0, $0xb8;
	[tilespmem:$0x18500] =	vst v63  }
0x144: {  	s1 =	simm.s32 $0x14D00  }
0x145: {  	[tilespmem:s1], [sflag:$0x2] =	stream.indirect_vreg.gather [hbm4b:s8+s3], $0x80, v3, vm0, $0xb8;
	[tilespmem:$0x18500] =	vst v63  }
0x146: {  	_ = 	snop  }
0x147: {  	[tilespmem:s22], [sflag:$0x2] =	stream.indirect_vreg.gather [hbm4b:s26+s3], $0x80, v3, vm0, $0xb8;
	[tilespmem:$0x18500] =	vst v63  }
0x148: {  	s2 =	simm.s32 $0x15D00  }
0x149: {  	[tilespmem:s2], [sflag:$0x2] =	stream.indirect_vreg.gather [hbm4b:s9+s3], $0x80, v3, vm0, $0xb8;
	[tilespmem:$0x18500] =	vst v63  }
0x14a: {  	s13 =	simm.s32 $0x16500  }
0x14b: {  	[tilespmem:s13], [sflag:$0x2] =	stream.indirect_vreg.gather [hbm4b:s10+s3], $0x80, v3, vm0, $0xb8;
	[tilespmem:$0x18500] =	vst v63  }
0x14c: {  	_ = 	snop  }
0x14d: {  	[tilespmem:s25], [sflag:$0x2] =	stream.indirect_vreg.gather [hbm4b:s11+s3], $0x80, v3, vm0, $0xb8;
	[tilespmem:$0x18500] =	vst v63  }
0x14e: {  	s15 =	simm.s32 $0x17500  }
0x14f: {  	[tilespmem:s15], [sflag:$0x2] =	stream.indirect_vreg.gather [hbm4b:s12+s3], $0x80, v3, vm0, $0xb8;
	[tilespmem:$0x18500] =	vst v63  }
0x150: {  	s16 =	simm.s32 $0x17D00  }
0x151: {  	[tilespmem:s16], [sflag:$0x2] =	stream.indirect_vreg.gather [hbm4b:s14+s3], $0x80, v3, vm0, $0xb8;
	[tilespmem:$0x18500] =	vst v63  }
0x152: {  	_ =	swait.ge [sflag:s28], $0xC000  }
0x153: {  	[sflag:s28] =	ssyncset.done $0x0  }
0x154: {  	s20 =	simm.s32 $0x500;
	s18 =	rddreg [dreg:$0xe];
	[sflag:s28] =	ssyncadd.s32 $0xFFFF4000  }
0x155: {  	[hbm4b:s18+s3] =	stream.linear.scatter [tilespmem:s20], [sflag:$0x3], $0x1800, $0x38;
	[tilespmem:$0x18500] =	vst v63  }
0x156: {  	s29 =	simm.s32 $0x6500;
	s0 =	sadd.s32 $0x300, s18  }
0x157: {  	[hbm4b:s0+s3] =	stream.linear.scatter [tilespmem:s29], [sflag:$0x3], $0x1800, $0x38;
	[tilespmem:$0x18500] =	vst v63  }
0x158: {  	s25 =	simm.s32 $0x1D00;
	s22 =	rddreg [dreg:$0xf]  }
0x159: {  	[hbm4b:s22+s3] =	stream.linear.scatter [tilespmem:s25], [sflag:$0x3], $0x1800, $0x38;
	[tilespmem:$0x18500] =	vst v63  }
0x15a: {  	s19 =	simm.s32 $0x7D00;
	s0 =	sadd.s32 $0x300, s22  }
0x15b: {  	[hbm4b:s0+s3] =	stream.linear.scatter [tilespmem:s19], [sflag:$0x3], $0x1800, $0x38;
	[tilespmem:$0x18500] =	vst v63  }
0x15c: {  	s16 =	rddreg [dreg:$0x10];
	s18 =	simm.s32 $0x3500  }
0x15d: {  	[hbm4b:s16+s3] =	stream.linear.scatter [tilespmem:s18], [sflag:$0x3], $0x1800, $0x38;
	[tilespmem:$0x18500] =	vst v63  }
0x15e: {  	s0 =	sadd.s32 $0x300, s16;
	s19 =	simm.s32 $0x9500  }
0x15f: {  	[hbm4b:s0+s3] =	stream.linear.scatter [tilespmem:s19], [sflag:$0x3], $0x1800, $0x38;
	[tilespmem:$0x18500] =	vst v63  }
0x160: {  	s15 =	simm.s32 $0x4D00;
	s13 =	rddreg [dreg:$0x11]  }
0x161: {  	[hbm4b:s13+s3] =	stream.linear.scatter [tilespmem:s15], [sflag:$0x3], $0x1800, $0x38;
	[tilespmem:$0x18500] =	vst v63  }
0x162: {  	s1 =	simm.s32 $0xAD00;
	s0 =	sadd.s32 $0x300, s13  }
0x163: {  	[hbm4b:s0+s3] =	stream.linear.scatter [tilespmem:s1], [sflag:$0x3], $0x1800, $0x38;
	[tilespmem:$0x18500] =	vst v63  }
0x164: {  	_ =	swait.ge [sflag:s21], $0x3000  }
0x165: {  	[sflag:s21] =	ssyncset.done $0x0  }
0x166: {  	[sflag:s21] =	ssyncadd.s32 $0xFFFFD000  }
0x167: {  	_ =	swait.ge [sflag:s21], $0x3000  }
0x168: {  	[sflag:s21] =	ssyncset.done $0x0  }
0x169: {  	[sflag:s21] =	ssyncadd.s32 $0xFFFFD000  }
0x16a: {  	_ =	swait.ge [sflag:s21], $0x3000  }
0x16b: {  	[sflag:s21] =	ssyncset.done $0x0  }
0x16c: {  	[sflag:s21] =	ssyncadd.s32 $0xFFFFD000  }
0x16d: {  	_ =	swait.ge [sflag:s21], $0x3000  }
0x16e: {  	[sflag:s21] =	ssyncset.done $0x0  }
0x16f: {  	[sflag:s21] =	ssyncadd.s32 $0xFFFFD000  }
0x170: {  	v3 =	vld [tilespmem:$0x200];
	_ =	sdelay $0x4  }
0x171: {  	v58 =	vshrl.u32 v3, $0x3  }
0x172: {  	v4 =	vmul.u32 $0xC0, v58  }
0x173: {  	v3 =	vand.u32 $0x7, v3  }
0x174: {  	v3 =	vor.u32 v3, v4  }
0x175: {  	v4 =	vperm.xlane v3, v0;
	_ =	sdelay $0x1  }
0x176: {  	v4 =	vadd.s32 v1, v4;
	_ =	sdelay $0x4  }
0x177: {  	[tilespmem:s20], [sflag:$0x1] =	stream.indirect_vreg.gather [hbm4b:s23+s3], $0x80, v4, vm0, $0xb8;
	[tilespmem:$0x18500] =	vst v63  }
0x178: {  	s17 =	simm.s32 $0xD00  }
0x179: {  	[tilespmem:s17], [sflag:$0x1] =	stream.indirect_vreg.gather [hbm4b:s4+s3], $0x80, v4, vm0, $0xb8;
	[tilespmem:$0x18500] =	vst v63  }
0x17a: {  	s20 =	simm.s32 $0x1500  }
0x17b: {  	[tilespmem:s20], [sflag:$0x1] =	stream.indirect_vreg.gather [hbm4b:s5+s3], $0x80, v4, vm0, $0xb8;
	[tilespmem:$0x18500] =	vst v63  }
0x17c: {  	_ = 	snop  }
0x17d: {  	[tilespmem:s25], [sflag:$0x1] =	stream.indirect_vreg.gather [hbm4b:s6+s3], $0x80, v4, vm0, $0xb8;
	[tilespmem:$0x18500] =	vst v63  }
0x17e: {  	s22 =	simm.s32 $0x2500  }
0x17f: {  	[tilespmem:s22], [sflag:$0x1] =	stream.indirect_vreg.gather [hbm4b:s7+s3], $0x80, v4, vm0, $0xb8;
	[tilespmem:$0x18500] =	vst v63  }
0x180: {  	s16 =	simm.s32 $0x2D00  }
0x181: {  	[tilespmem:s16], [sflag:$0x1] =	stream.indirect_vreg.gather [hbm4b:s8+s3], $0x80, v4, vm0, $0xb8;
	[tilespmem:$0x18500] =	vst v63  }
0x182: {  	_ = 	snop  }
0x183: {  	[tilespmem:s18], [sflag:$0x1] =	stream.indirect_vreg.gather [hbm4b:s26+s3], $0x80, v4, vm0, $0xb8;
	[tilespmem:$0x18500] =	vst v63  }
0x184: {  	s17 =	simm.s32 $0x3D00  }
0x185: {  	[tilespmem:s17], [sflag:$0x1] =	stream.indirect_vreg.gather [hbm4b:s9+s3], $0x80, v4, vm0, $0xb8;
	[tilespmem:$0x18500] =	vst v63  }
0x186: {  	s25 =	simm.s32 $0x4500  }
0x187: {  	[tilespmem:s25], [sflag:$0x1] =	stream.indirect_vreg.gather [hbm4b:s10+s3], $0x80, v4, vm0, $0xb8;
	[tilespmem:$0x18500] =	vst v63  }
0x188: {  	v3 =	vperm.xlane v3, v2  }
0x189: {  	[tilespmem:s15], [sflag:$0x1] =	stream.indirect_vreg.gather [hbm4b:s11+s3], $0x80, v4, vm0, $0xb8;
	[tilespmem:$0x18500] =	vst v63  }
0x18a: {  	s13 =	simm.s32 $0x5500;
	v3 =	vadd.s32 v1, v3  }
0x18b: {  	[tilespmem:s13], [sflag:$0x1] =	stream.indirect_vreg.gather [hbm4b:s12+s3], $0x80, v4, vm0, $0xb8;
	[tilespmem:$0x18500] =	vst v63  }
0x18c: {  	s15 =	simm.s32 $0x5D00  }
0x18d: {  	[tilespmem:s15], [sflag:$0x1] =	stream.indirect_vreg.gather [hbm4b:s14+s3], $0x80, v4, vm0, $0xb8;
	[tilespmem:$0x18500] =	vst v63  }
0x18e: {  	_ = 	snop  }
0x18f: {  	[tilespmem:s29], [sflag:$0x1] =	stream.indirect_vreg.gather [hbm4b:s23+s3], $0x80, v3, vm0, $0xb8;
	[tilespmem:$0x18500] =	vst v63  }
0x190: {  	s16 =	simm.s32 $0x6D00  }
0x191: {  	[tilespmem:s16], [sflag:$0x1] =	stream.indirect_vreg.gather [hbm4b:s4+s3], $0x80, v3, vm0, $0xb8;
	[tilespmem:$0x18500] =	vst v63  }
0x192: {  	s17 =	simm.s32 $0x7500  }
0x193: {  	[tilespmem:s17], [sflag:$0x1] =	stream.indirect_vreg.gather [hbm4b:s5+s3], $0x80, v3, vm0, $0xb8;
	[tilespmem:$0x18500] =	vst v63  }
0x194: {  	s2 =	simm.s32 $0x7D00  }
0x195: {  	[tilespmem:s2], [sflag:$0x1] =	stream.indirect_vreg.gather [hbm4b:s6+s3], $0x80, v3, vm0, $0xb8;
	[tilespmem:$0x18500] =	vst v63  }
0x196: {  	s18 =	simm.s32 $0x8500  }
0x197: {  	[tilespmem:s18], [sflag:$0x1] =	stream.indirect_vreg.gather [hbm4b:s7+s3], $0x80, v3, vm0, $0xb8;
	[tilespmem:$0x18500] =	vst v63  }
0x198: {  	s25 =	simm.s32 $0x8D00  }
0x199: {  	[tilespmem:s25], [sflag:$0x1] =	stream.indirect_vreg.gather [hbm4b:s8+s3], $0x80, v3, vm0, $0xb8;
	[tilespmem:$0x18500] =	vst v63  }
0x19a: {  	_ = 	snop  }
0x19b: {  	[tilespmem:s19], [sflag:$0x1] =	stream.indirect_vreg.gather [hbm4b:s26+s3], $0x80, v3, vm0, $0xb8;
	[tilespmem:$0x18500] =	vst v63  }
0x19c: {  	s2 =	simm.s32 $0x9D00  }
0x19d: {  	[tilespmem:s2], [sflag:$0x1] =	stream.indirect_vreg.gather [hbm4b:s9+s3], $0x80, v3, vm0, $0xb8;
	[tilespmem:$0x18500] =	vst v63  }
0x19e: {  	s13 =	simm.s32 $0xA500  }
0x19f: {  	[tilespmem:s13], [sflag:$0x1] =	stream.indirect_vreg.gather [hbm4b:s10+s3], $0x80, v3, vm0, $0xb8;
	[tilespmem:$0x18500] =	vst v63  }
0x1a0: {  	_ = 	snop  }
0x1a1: {  	[tilespmem:s1], [sflag:$0x1] =	stream.indirect_vreg.gather [hbm4b:s11+s3], $0x80, v3, vm0, $0xb8;
	[tilespmem:$0x18500] =	vst v63  }
0x1a2: {  	s15 =	simm.s32 $0xB500  }
0x1a3: {  	[tilespmem:s15], [sflag:$0x1] =	stream.indirect_vreg.gather [hbm4b:s12+s3], $0x80, v3, vm0, $0xb8;
	[tilespmem:$0x18500] =	vst v63  }
0x1a4: {  	s16 =	simm.s32 $0xBD00  }
0x1a5: {  	[tilespmem:s16], [sflag:$0x1] =	stream.indirect_vreg.gather [hbm4b:s14+s3], $0x80, v3, vm0, $0xb8;
	[tilespmem:$0x18500] =	vst v63  }
0x1a6: {  	_ =	swait.ge [sflag:s24], $0xC000  }
0x1a7: {  	[sflag:s24] =	ssyncset.done $0x0  }
0x1a8: {  	s18 =	simm.s32 $0xC500;
	s17 =	rddreg [dreg:$0x12];
	[sflag:s24] =	ssyncadd.s32 $0xFFFF4000  }
0x1a9: {  	[hbm4b:s17+s3] =	stream.linear.scatter [tilespmem:s18], [sflag:$0x4], $0x1800, $0x38;
	[tilespmem:$0x18500] =	vst v63  }
0x1aa: {  	s15 =	simm.s32 $0x12500;
	s0 =	sadd.s32 $0x300, s17  }
0x1ab: {  	[hbm4b:s0+s3] =	stream.linear.scatter [tilespmem:s15], [sflag:$0x4], $0x1800, $0x38;
	[tilespmem:$0x18500] =	vst v63  }
0x1ac: {  	s19 =	simm.s32 $0xDD00;
	s25 =	rddreg [dreg:$0x13]  }
0x1ad: {  	[hbm4b:s25+s3] =	stream.linear.scatter [tilespmem:s19], [sflag:$0x4], $0x1800, $0x38;
	[tilespmem:$0x18500] =	vst v63  }
0x1ae: {  	s16 =	simm.s32 $0x13D00;
	s0 =	sadd.s32 $0x300, s25  }
0x1af: {  	[hbm4b:s0+s3] =	stream.linear.scatter [tilespmem:s16], [sflag:$0x4], $0x1800, $0x38;
	[tilespmem:$0x18500] =	vst v63  }
0x1b0: {  	s2 =	rddreg [dreg:$0x14];
	s25 =	simm.s32 $0xF500  }
0x1b1: {  	[hbm4b:s2+s3] =	stream.linear.scatter [tilespmem:s25], [sflag:$0x4], $0x1800, $0x38;
	[tilespmem:$0x18500] =	vst v63  }
0x1b2: {  	s17 =	simm.s32 $0x15500;
	s0 =	sadd.s32 $0x300, s2  }
0x1b3: {  	[hbm4b:s0+s3] =	stream.linear.scatter [tilespmem:s17], [sflag:$0x4], $0x1800, $0x38;
	[tilespmem:$0x18500] =	vst v63  }
0x1b4: {  	s13 =	rddreg [dreg:$0x15];
	s2 =	simm.s32 $0x10D00  }
0x1b5: {  	[hbm4b:s13+s3] =	stream.linear.scatter [tilespmem:s2], [sflag:$0x4], $0x1800, $0x38;
	[tilespmem:$0x18500] =	vst v63  }
0x1b6: {  	s0 =	sadd.s32 $0x300, s13;
	s13 =	simm.s32 $0x16D00  }
0x1b7: {  	[hbm4b:s0+s3] =	stream.linear.scatter [tilespmem:s13], [sflag:$0x4], $0x1800, $0x38;
	[tilespmem:$0x18500] =	vst v63  }
0x1b8: {  	_ =	swait.ge [sflag:s30], $0x3000  }
0x1b9: {  	[sflag:s30] =	ssyncset.done $0x0  }
0x1ba: {  	[sflag:s30] =	ssyncadd.s32 $0xFFFFD000  }
0x1bb: {  	_ =	swait.ge [sflag:s30], $0x3000  }
0x1bc: {  	[sflag:s30] =	ssyncset.done $0x0  }
0x1bd: {  	[sflag:s30] =	ssyncadd.s32 $0xFFFFD000  }
0x1be: {  	_ =	swait.ge [sflag:s30], $0x3000  }
0x1bf: {  	[sflag:s30] =	ssyncset.done $0x0  }
0x1c0: {  	[sflag:s30] =	ssyncadd.s32 $0xFFFFD000  }
0x1c1: {  	_ =	swait.ge [sflag:s30], $0x3000  }
0x1c2: {  	[sflag:s30] =	ssyncset.done $0x0  }
0x1c3: {  	[sflag:s30] =	ssyncadd.s32 $0xFFFFD000  }
0x1c4: {  	v3 =	vld [tilespmem:$0x280];
	_ =	sdelay $0x4  }
0x1c5: {  	v59 =	vshrl.u32 v3, $0x3  }
0x1c6: {  	v4 =	vmul.u32 $0xC0, v59  }
0x1c7: {  	v3 =	vand.u32 $0x7, v3  }
0x1c8: {  	v3 =	vor.u32 v3, v4  }
0x1c9: {  	v4 =	vperm.xlane v3, v0;
	_ =	sdelay $0x1  }
0x1ca: {  	v4 =	vadd.s32 v1, v4;
	_ =	sdelay $0x4  }
0x1cb: {  	[tilespmem:s18], [sflag:$0x2] =	stream.indirect_vreg.gather [hbm4b:s23+s3], $0x80, v4, vm0, $0xb8;
	[tilespmem:$0x18500] =	vst v63  }
0x1cc: {  	s18 =	simm.s32 $0xCD00  }
0x1cd: {  	[tilespmem:s18], [sflag:$0x2] =	stream.indirect_vreg.gather [hbm4b:s4+s3], $0x80, v4, vm0, $0xb8;
	[tilespmem:$0x18500] =	vst v63  }
0x1ce: {  	s1 =	simm.s32 $0xD500  }
0x1cf: {  	[tilespmem:s1], [sflag:$0x2] =	stream.indirect_vreg.gather [hbm4b:s5+s3], $0x80, v4, vm0, $0xb8;
	[tilespmem:$0x18500] =	vst v63  }
0x1d0: {  	_ = 	snop  }
0x1d1: {  	[tilespmem:s19], [sflag:$0x2] =	stream.indirect_vreg.gather [hbm4b:s6+s3], $0x80, v4, vm0, $0xb8;
	[tilespmem:$0x18500] =	vst v63  }
0x1d2: {  	s18 =	simm.s32 $0xE500  }
0x1d3: {  	[tilespmem:s18], [sflag:$0x2] =	stream.indirect_vreg.gather [hbm4b:s7+s3], $0x80, v4, vm0, $0xb8;
	[tilespmem:$0x18500] =	vst v63  }
0x1d4: {  	s19 =	simm.s32 $0xED00  }
0x1d5: {  	[tilespmem:s19], [sflag:$0x2] =	stream.indirect_vreg.gather [hbm4b:s8+s3], $0x80, v4, vm0, $0xb8;
	[tilespmem:$0x18500] =	vst v63  }
0x1d6: {  	_ = 	snop  }
0x1d7: {  	[tilespmem:s25], [sflag:$0x2] =	stream.indirect_vreg.gather [hbm4b:s26+s3], $0x80, v4, vm0, $0xb8;
	[tilespmem:$0x18500] =	vst v63  }
0x1d8: {  	s25 =	simm.s32 $0xFD00  }
0x1d9: {  	[tilespmem:s25], [sflag:$0x2] =	stream.indirect_vreg.gather [hbm4b:s9+s3], $0x80, v4, vm0, $0xb8;
	[tilespmem:$0x18500] =	vst v63  }
0x1da: {  	s1 =	simm.s32 $0x10500  }
0x1db: {  	[tilespmem:s1], [sflag:$0x2] =	stream.indirect_vreg.gather [hbm4b:s10+s3], $0x80, v4, vm0, $0xb8;
	[tilespmem:$0x18500] =	vst v63  }
0x1dc: {  	v3 =	vperm.xlane v3, v2  }
0x1dd: {  	[tilespmem:s2], [sflag:$0x2] =	stream.indirect_vreg.gather [hbm4b:s11+s3], $0x80, v4, vm0, $0xb8;
	[tilespmem:$0x18500] =	vst v63  }
0x1de: {  	v3 =	vadd.s32 v1, v3;
	s18 =	simm.s32 $0x11500  }
0x1df: {  	[tilespmem:s18], [sflag:$0x2] =	stream.indirect_vreg.gather [hbm4b:s12+s3], $0x80, v4, vm0, $0xb8;
	[tilespmem:$0x18500] =	vst v63  }
0x1e0: {  	s19 =	simm.s32 $0x11D00  }
0x1e1: {  	[tilespmem:s19], [sflag:$0x2] =	stream.indirect_vreg.gather [hbm4b:s14+s3], $0x80, v4, vm0, $0xb8;
	[tilespmem:$0x18500] =	vst v63  }
0x1e2: {  	_ = 	snop  }
0x1e3: {  	[tilespmem:s15], [sflag:$0x2] =	stream.indirect_vreg.gather [hbm4b:s23+s3], $0x80, v3, vm0, $0xb8;
	[tilespmem:$0x18500] =	vst v63  }
0x1e4: {  	_ = 	snop  }
0x1e5: {  	[tilespmem:s31], [sflag:$0x2] =	stream.indirect_vreg.gather [hbm4b:s4+s3], $0x80, v3, vm0, $0xb8;
	[tilespmem:$0x18500] =	vst v63  }
0x1e6: {  	s31 =	simm.s32 $0x13500  }
0x1e7: {  	[tilespmem:s31], [sflag:$0x2] =	stream.indirect_vreg.gather [hbm4b:s5+s3], $0x80, v3, vm0, $0xb8;
	[tilespmem:$0x18500] =	vst v63  }
0x1e8: {  	_ = 	snop  }
0x1e9: {  	[tilespmem:s16], [sflag:$0x2] =	stream.indirect_vreg.gather [hbm4b:s6+s3], $0x80, v3, vm0, $0xb8;
	[tilespmem:$0x18500] =	vst v63  }
0x1ea: {  	s1 =	simm.s32 $0x14500  }
0x1eb: {  	[tilespmem:s1], [sflag:$0x2] =	stream.indirect_vreg.gather [hbm4b:s7+s3], $0x80, v3, vm0, $0xb8;
	[tilespmem:$0x18500] =	vst v63  }
0x1ec: {  	s2 =	simm.s32 $0x14D00  }
0x1ed: {  	[tilespmem:s2], [sflag:$0x2] =	stream.indirect_vreg.gather [hbm4b:s8+s3], $0x80, v3, vm0, $0xb8;
	[tilespmem:$0x18500] =	vst v63  }
0x1ee: {  	_ = 	snop  }
0x1ef: {  	[tilespmem:s17], [sflag:$0x2] =	stream.indirect_vreg.gather [hbm4b:s26+s3], $0x80, v3, vm0, $0xb8;
	[tilespmem:$0x18500] =	vst v63  }
0x1f0: {  	s15 =	simm.s32 $0x15D00  }
0x1f1: {  	[tilespmem:s15], [sflag:$0x2] =	stream.indirect_vreg.gather [hbm4b:s9+s3], $0x80, v3, vm0, $0xb8;
	[tilespmem:$0x18500] =	vst v63  }
0x1f2: {  	s16 =	simm.s32 $0x16500  }
0x1f3: {  	[tilespmem:s16], [sflag:$0x2] =	stream.indirect_vreg.gather [hbm4b:s10+s3], $0x80, v3, vm0, $0xb8;
	[tilespmem:$0x18500] =	vst v63  }
0x1f4: {  	_ = 	snop  }
0x1f5: {  	[tilespmem:s13], [sflag:$0x2] =	stream.indirect_vreg.gather [hbm4b:s11+s3], $0x80, v3, vm0, $0xb8;
	[tilespmem:$0x18500] =	vst v63  }
0x1f6: {  	s17 =	simm.s32 $0x17500  }
0x1f7: {  	[tilespmem:s17], [sflag:$0x2] =	stream.indirect_vreg.gather [hbm4b:s12+s3], $0x80, v3, vm0, $0xb8;
	[tilespmem:$0x18500] =	vst v63  }
0x1f8: {  	s18 =	simm.s32 $0x17D00  }
0x1f9: {  	[tilespmem:s18], [sflag:$0x2] =	stream.indirect_vreg.gather [hbm4b:s14+s3], $0x80, v3, vm0, $0xb8;
	[tilespmem:$0x18500] =	vst v63  }
0x1fa: {  	_ =	swait.ge [sflag:s28], $0xC000  }
0x1fb: {  	[sflag:s28] =	ssyncset.done $0x0  }
0x1fc: {  	s17 =	simm.s32 $0x500;
	s19 =	rddreg [dreg:$0x16];
	[sflag:s28] =	ssyncadd.s32 $0xFFFF4000  }
0x1fd: {  	[hbm4b:s19+s3] =	stream.linear.scatter [tilespmem:s17], [sflag:$0x3], $0x1800, $0x38;
	[tilespmem:$0x18500] =	vst v63  }
0x1fe: {  	s0 =	sadd.s32 $0x300, s19  }
0x1ff: {  	[hbm4b:s0+s3] =	stream.linear.scatter [tilespmem:s29], [sflag:$0x3], $0x1800, $0x38;
	[tilespmem:$0x18500] =	vst v63  }
0x200: {  	s1 =	simm.s32 $0x1D00;
	s31 =	rddreg [dreg:$0x17]  }
0x201: {  	[hbm4b:s31+s3] =	stream.linear.scatter [tilespmem:s1], [sflag:$0x3], $0x1800, $0x38;
	[tilespmem:$0x18500] =	vst v63  }
0x202: {  	s16 =	simm.s32 $0x7D00;
	s0 =	sadd.s32 $0x300, s31  }
0x203: {  	[hbm4b:s0+s3] =	stream.linear.scatter [tilespmem:s16], [sflag:$0x3], $0x1800, $0x38;
	[tilespmem:$0x18500] =	vst v63  }
0x204: {  	s13 =	simm.s32 $0x3500;
	s2 =	rddreg [dreg:$0x18]  }
0x205: {  	[hbm4b:s2+s3] =	stream.linear.scatter [tilespmem:s13], [sflag:$0x3], $0x1800, $0x38;
	[tilespmem:$0x18500] =	vst v63  }
0x206: {  	s15 =	simm.s32 $0x9500;
	s0 =	sadd.s32 $0x300, s2  }
0x207: {  	[hbm4b:s0+s3] =	stream.linear.scatter [tilespmem:s15], [sflag:$0x3], $0x1800, $0x38;
	[tilespmem:$0x18500] =	vst v63  }
0x208: {  	s18 =	rddreg [dreg:$0x19];
	s29 =	simm.s32 $0x4D00  }
0x209: {  	[hbm4b:s18+s3] =	stream.linear.scatter [tilespmem:s29], [sflag:$0x3], $0x1800, $0x38;
	[tilespmem:$0x18500] =	vst v63  }
0x20a: {  	s0 =	sadd.s32 $0x300, s18;
	s18 =	simm.s32 $0xAD00  }
0x20b: {  	[hbm4b:s0+s3] =	stream.linear.scatter [tilespmem:s18], [sflag:$0x3], $0x1800, $0x38;
	[tilespmem:$0x18500] =	vst v63  }
0x20c: {  	_ =	swait.ge [sflag:s21], $0x3000  }
0x20d: {  	[sflag:s21] =	ssyncset.done $0x0  }
0x20e: {  	[sflag:s21] =	ssyncadd.s32 $0xFFFFD000  }
0x20f: {  	_ =	swait.ge [sflag:s21], $0x3000  }
0x210: {  	[sflag:s21] =	ssyncset.done $0x0  }
0x211: {  	[sflag:s21] =	ssyncadd.s32 $0xFFFFD000  }
0x212: {  	_ =	swait.ge [sflag:s21], $0x3000  }
0x213: {  	[sflag:s21] =	ssyncset.done $0x0  }
0x214: {  	[sflag:s21] =	ssyncadd.s32 $0xFFFFD000  }
0x215: {  	_ =	swait.ge [sflag:s21], $0x3000  }
0x216: {  	[sflag:s21] =	ssyncset.done $0x0  }
0x217: {  	[sflag:s21] =	ssyncadd.s32 $0xFFFFD000  }
0x218: {  	v3 =	vld [tilespmem:$0x300];
	_ =	sdelay $0x4  }
0x219: {  	v60 =	vshrl.u32 v3, $0x3  }
0x21a: {  	v4 =	vmul.u32 $0xC0, v60  }
0x21b: {  	v3 =	vand.u32 $0x7, v3  }
0x21c: {  	v3 =	vor.u32 v3, v4  }
0x21d: {  	v4 =	vperm.xlane v3, v0;
	_ =	sdelay $0x1  }
0x21e: {  	v4 =	vadd.s32 v1, v4;
	_ =	sdelay $0x4  }
0x21f: {  	[tilespmem:s17], [sflag:$0x1] =	stream.indirect_vreg.gather [hbm4b:s23+s3], $0x80, v4, vm0, $0xb8;
	[tilespmem:$0x18500] =	vst v63  }
0x220: {  	s31 =	simm.s32 $0xD00  }
0x221: {  	[tilespmem:s31], [sflag:$0x1] =	stream.indirect_vreg.gather [hbm4b:s4+s3], $0x80, v4, vm0, $0xb8;
	[tilespmem:$0x18500] =	vst v63  }
0x222: {  	_ = 	snop  }
0x223: {  	[tilespmem:s20], [sflag:$0x1] =	stream.indirect_vreg.gather [hbm4b:s5+s3], $0x80, v4, vm0, $0xb8;
	[tilespmem:$0x18500] =	vst v63  }
0x224: {  	_ = 	snop  }
0x225: {  	[tilespmem:s1], [sflag:$0x1] =	stream.indirect_vreg.gather [hbm4b:s6+s3], $0x80, v4, vm0, $0xb8;
	[tilespmem:$0x18500] =	vst v63  }
0x226: {  	_ = 	snop  }
0x227: {  	[tilespmem:s22], [sflag:$0x1] =	stream.indirect_vreg.gather [hbm4b:s7+s3], $0x80, v4, vm0, $0xb8;
	[tilespmem:$0x18500] =	vst v63  }
0x228: {  	s1 =	simm.s32 $0x2D00  }
0x229: {  	[tilespmem:s1], [sflag:$0x1] =	stream.indirect_vreg.gather [hbm4b:s8+s3], $0x80, v4, vm0, $0xb8;
	[tilespmem:$0x18500] =	vst v63  }
0x22a: {  	_ = 	snop  }
0x22b: {  	[tilespmem:s13], [sflag:$0x1] =	stream.indirect_vreg.gather [hbm4b:s26+s3], $0x80, v4, vm0, $0xb8;
	[tilespmem:$0x18500] =	vst v63  }
0x22c: {  	s17 =	simm.s32 $0x3D00  }
0x22d: {  	[tilespmem:s17], [sflag:$0x1] =	stream.indirect_vreg.gather [hbm4b:s9+s3], $0x80, v4, vm0, $0xb8;
	[tilespmem:$0x18500] =	vst v63  }
0x22e: {  	s20 =	simm.s32 $0x4500  }
0x22f: {  	[tilespmem:s20], [sflag:$0x1] =	stream.indirect_vreg.gather [hbm4b:s10+s3], $0x80, v4, vm0, $0xb8;
	[tilespmem:$0x18500] =	vst v63  }
0x230: {  	v3 =	vperm.xlane v3, v2  }
0x231: {  	[tilespmem:s29], [sflag:$0x1] =	stream.indirect_vreg.gather [hbm4b:s11+s3], $0x80, v4, vm0, $0xb8;
	[tilespmem:$0x18500] =	vst v63  }
0x232: {  	v3 =	vadd.s32 v1, v3;
	s22 =	simm.s32 $0x5500  }
0x233: {  	[tilespmem:s22], [sflag:$0x1] =	stream.indirect_vreg.gather [hbm4b:s12+s3], $0x80, v4, vm0, $0xb8;
	[tilespmem:$0x18500] =	vst v63  }
0x234: {  	s29 =	simm.s32 $0x5D00  }
0x235: {  	[tilespmem:s29], [sflag:$0x1] =	stream.indirect_vreg.gather [hbm4b:s14+s3], $0x80, v4, vm0, $0xb8;
	[tilespmem:$0x18500] =	vst v63  }
0x236: {  	s19 =	simm.s32 $0x6500  }
0x237: {  	[tilespmem:s19], [sflag:$0x1] =	stream.indirect_vreg.gather [hbm4b:s23+s3], $0x80, v3, vm0, $0xb8;
	[tilespmem:$0x18500] =	vst v63  }
0x238: {  	s31 =	simm.s32 $0x6D00  }
0x239: {  	[tilespmem:s31], [sflag:$0x1] =	stream.indirect_vreg.gather [hbm4b:s4+s3], $0x80, v3, vm0, $0xb8;
	[tilespmem:$0x18500] =	vst v63  }
0x23a: {  	s1 =	simm.s32 $0x7500  }
0x23b: {  	[tilespmem:s1], [sflag:$0x1] =	stream.indirect_vreg.gather [hbm4b:s5+s3], $0x80, v3, vm0, $0xb8;
	[tilespmem:$0x18500] =	vst v63  }
0x23c: {  	_ = 	snop  }
0x23d: {  	[tilespmem:s16], [sflag:$0x1] =	stream.indirect_vreg.gather [hbm4b:s6+s3], $0x80, v3, vm0, $0xb8;
	[tilespmem:$0x18500] =	vst v63  }
0x23e: {  	s2 =	simm.s32 $0x8500  }
0x23f: {  	[tilespmem:s2], [sflag:$0x1] =	stream.indirect_vreg.gather [hbm4b:s7+s3], $0x80, v3, vm0, $0xb8;
	[tilespmem:$0x18500] =	vst v63  }
0x240: {  	s13 =	simm.s32 $0x8D00  }
0x241: {  	[tilespmem:s13], [sflag:$0x1] =	stream.indirect_vreg.gather [hbm4b:s8+s3], $0x80, v3, vm0, $0xb8;
	[tilespmem:$0x18500] =	vst v63  }
0x242: {  	_ = 	snop  }
0x243: {  	[tilespmem:s15], [sflag:$0x1] =	stream.indirect_vreg.gather [hbm4b:s26+s3], $0x80, v3, vm0, $0xb8;
	[tilespmem:$0x18500] =	vst v63  }
0x244: {  	s16 =	simm.s32 $0x9D00  }
0x245: {  	[tilespmem:s16], [sflag:$0x1] =	stream.indirect_vreg.gather [hbm4b:s9+s3], $0x80, v3, vm0, $0xb8;
	[tilespmem:$0x18500] =	vst v63  }
0x246: {  	s17 =	simm.s32 $0xA500  }
0x247: {  	[tilespmem:s17], [sflag:$0x1] =	stream.indirect_vreg.gather [hbm4b:s10+s3], $0x80, v3, vm0, $0xb8;
	[tilespmem:$0x18500] =	vst v63  }
0x248: {  	_ = 	snop  }
0x249: {  	[tilespmem:s18], [sflag:$0x1] =	stream.indirect_vreg.gather [hbm4b:s11+s3], $0x80, v3, vm0, $0xb8;
	[tilespmem:$0x18500] =	vst v63  }
0x24a: {  	s19 =	simm.s32 $0xB500  }
0x24b: {  	[tilespmem:s19], [sflag:$0x1] =	stream.indirect_vreg.gather [hbm4b:s12+s3], $0x80, v3, vm0, $0xb8;
	[tilespmem:$0x18500] =	vst v63  }
0x24c: {  	s20 =	simm.s32 $0xBD00  }
0x24d: {  	[tilespmem:s20], [sflag:$0x1] =	stream.indirect_vreg.gather [hbm4b:s14+s3], $0x80, v3, vm0, $0xb8;
	[tilespmem:$0x18500] =	vst v63  }
0x24e: {  	_ =	swait.ge [sflag:s24], $0xC000  }
0x24f: {  	[sflag:s24] =	ssyncset.done $0x0  }
0x250: {  	s29 =	simm.s32 $0xC500;
	s22 =	rddreg [dreg:$0x1a];
	[sflag:s24] =	ssyncadd.s32 $0xFFFF4000  }
0x251: {  	[hbm4b:s22+s3] =	stream.linear.scatter [tilespmem:s29], [sflag:$0x4], $0x1800, $0x38;
	[tilespmem:$0x18500] =	vst v63  }
0x252: {  	s16 =	simm.s32 $0x12500;
	s0 =	sadd.s32 $0x300, s22  }
0x253: {  	[hbm4b:s0+s3] =	stream.linear.scatter [tilespmem:s16], [sflag:$0x4], $0x1800, $0x38;
	[tilespmem:$0x18500] =	vst v63  }
0x254: {  	s1 =	simm.s32 $0xDD00;
	s2 =	rddreg [dreg:$0x1b]  }
0x255: {  	[hbm4b:s2+s3] =	stream.linear.scatter [tilespmem:s1], [sflag:$0x4], $0x1800, $0x38;
	[tilespmem:$0x18500] =	vst v63  }
0x256: {  	s31 =	simm.s32 $0x13D00;
	s0 =	sadd.s32 $0x300, s2  }
0x257: {  	[hbm4b:s0+s3] =	stream.linear.scatter [tilespmem:s31], [sflag:$0x4], $0x1800, $0x38;
	[tilespmem:$0x18500] =	vst v63  }
0x258: {  	s17 =	simm.s32 $0xF500;
	s13 =	rddreg [dreg:$0x1c]  }
0x259: {  	[hbm4b:s13+s3] =	stream.linear.scatter [tilespmem:s17], [sflag:$0x4], $0x1800, $0x38;
	[tilespmem:$0x18500] =	vst v63  }
0x25a: {  	s18 =	simm.s32 $0x15500;
	s0 =	sadd.s32 $0x300, s13  }
0x25b: {  	[hbm4b:s0+s3] =	stream.linear.scatter [tilespmem:s18], [sflag:$0x4], $0x1800, $0x38;
	[tilespmem:$0x18500] =	vst v63  }
0x25c: {  	s20 =	simm.s32 $0x10D00;
	s19 =	rddreg [dreg:$0x1d]  }
0x25d: {  	[hbm4b:s19+s3] =	stream.linear.scatter [tilespmem:s20], [sflag:$0x4], $0x1800, $0x38;
	[tilespmem:$0x18500] =	vst v63  }
0x25e: {  	s2 =	simm.s32 $0x16D00;
	s0 =	sadd.s32 $0x300, s19  }
0x25f: {  	[hbm4b:s0+s3] =	stream.linear.scatter [tilespmem:s2], [sflag:$0x4], $0x1800, $0x38;
	[tilespmem:$0x18500] =	vst v63  }
0x260: {  	_ =	swait.ge [sflag:s30], $0x3000  }
0x261: {  	[sflag:s30] =	ssyncset.done $0x0  }
0x262: {  	[sflag:s30] =	ssyncadd.s32 $0xFFFFD000  }
0x263: {  	_ =	swait.ge [sflag:s30], $0x3000  }
0x264: {  	[sflag:s30] =	ssyncset.done $0x0  }
0x265: {  	[sflag:s30] =	ssyncadd.s32 $0xFFFFD000  }
0x266: {  	_ =	swait.ge [sflag:s30], $0x3000  }
0x267: {  	[sflag:s30] =	ssyncset.done $0x0  }
0x268: {  	[sflag:s30] =	ssyncadd.s32 $0xFFFFD000  }
0x269: {  	_ =	swait.ge [sflag:s30], $0x3000  }
0x26a: {  	[sflag:s30] =	ssyncset.done $0x0  }
0x26b: {  	[sflag:s30] =	ssyncadd.s32 $0xFFFFD000  }
0x26c: {  	v3 =	vld [tilespmem:$0x380];
	_ =	sdelay $0x4  }
0x26d: {  	v61 =	vshrl.u32 v3, $0x3  }
0x26e: {  	v4 =	vmul.u32 $0xC0, v61  }
0x26f: {  	v3 =	vand.u32 $0x7, v3  }
0x270: {  	v3 =	vor.u32 v3, v4  }
0x271: {  	v4 =	vperm.xlane v3, v0;
	_ =	sdelay $0x1  }
0x272: {  	v4 =	vadd.s32 v1, v4;
	_ =	sdelay $0x4  }
0x273: {  	[tilespmem:s29], [sflag:$0x2] =	stream.indirect_vreg.gather [hbm4b:s23+s3], $0x80, v4, vm0, $0xb8;
	[tilespmem:$0x18500] =	vst v63  }
0x274: {  	s22 =	simm.s32 $0xCD00  }
0x275: {  	[tilespmem:s22], [sflag:$0x2] =	stream.indirect_vreg.gather [hbm4b:s4+s3], $0x80, v4, vm0, $0xb8;
	[tilespmem:$0x18500] =	vst v63  }
0x276: {  	s29 =	simm.s32 $0xD500  }
0x277: {  	[tilespmem:s29], [sflag:$0x2] =	stream.indirect_vreg.gather [hbm4b:s5+s3], $0x80, v4, vm0, $0xb8;
	[tilespmem:$0x18500] =	vst v63  }
0x278: {  	_ = 	snop  }
0x279: {  	[tilespmem:s1], [sflag:$0x2] =	stream.indirect_vreg.gather [hbm4b:s6+s3], $0x80, v4, vm0, $0xb8;
	[tilespmem:$0x18500] =	vst v63  }
0x27a: {  	s1 =	simm.s32 $0xE500  }
0x27b: {  	[tilespmem:s1], [sflag:$0x2] =	stream.indirect_vreg.gather [hbm4b:s7+s3], $0x80, v4, vm0, $0xb8;
	[tilespmem:$0x18500] =	vst v63  }
0x27c: {  	s15 =	simm.s32 $0xED00  }
0x27d: {  	[tilespmem:s15], [sflag:$0x2] =	stream.indirect_vreg.gather [hbm4b:s8+s3], $0x80, v4, vm0, $0xb8;
	[tilespmem:$0x18500] =	vst v63  }
0x27e: {  	_ = 	snop  }
0x27f: {  	[tilespmem:s17], [sflag:$0x2] =	stream.indirect_vreg.gather [hbm4b:s26+s3], $0x80, v4, vm0, $0xb8;
	[tilespmem:$0x18500] =	vst v63  }
0x280: {  	_ = 	snop  }
0x281: {  	[tilespmem:s25], [sflag:$0x2] =	stream.indirect_vreg.gather [hbm4b:s9+s3], $0x80, v4, vm0, $0xb8;
	[tilespmem:$0x18500] =	vst v63  }
0x282: {  	s19 =	simm.s32 $0x10500  }
0x283: {  	[tilespmem:s19], [sflag:$0x2] =	stream.indirect_vreg.gather [hbm4b:s10+s3], $0x80, v4, vm0, $0xb8;
	[tilespmem:$0x18500] =	vst v63  }
0x284: {  	v3 =	vperm.xlane v3, v2  }
0x285: {  	[tilespmem:s20], [sflag:$0x2] =	stream.indirect_vreg.gather [hbm4b:s11+s3], $0x80, v4, vm0, $0xb8;
	[tilespmem:$0x18500] =	vst v63  }
0x286: {  	v3 =	vadd.s32 v1, v3;
	s20 =	simm.s32 $0x11500  }
0x287: {  	[tilespmem:s20], [sflag:$0x2] =	stream.indirect_vreg.gather [hbm4b:s12+s3], $0x80, v4, vm0, $0xb8;
	[tilespmem:$0x18500] =	vst v63  }
0x288: {  	s22 =	simm.s32 $0x11D00  }
0x289: {  	[tilespmem:s22], [sflag:$0x2] =	stream.indirect_vreg.gather [hbm4b:s14+s3], $0x80, v4, vm0, $0xb8;
	[tilespmem:$0x18500] =	vst v63  }
0x28a: {  	_ = 	snop  }
0x28b: {  	[tilespmem:s16], [sflag:$0x2] =	stream.indirect_vreg.gather [hbm4b:s23+s3], $0x80, v3, vm0, $0xb8;
	[tilespmem:$0x18500] =	vst v63  }
0x28c: {  	s25 =	simm.s32 $0x12D00  }
0x28d: {  	[tilespmem:s25], [sflag:$0x2] =	stream.indirect_vreg.gather [hbm4b:s4+s3], $0x80, v3, vm0, $0xb8;
	[tilespmem:$0x18500] =	vst v63  }
0x28e: {  	s29 =	simm.s32 $0x13500  }
0x28f: {  	[tilespmem:s29], [sflag:$0x2] =	stream.indirect_vreg.gather [hbm4b:s5+s3], $0x80, v3, vm0, $0xb8;
	[tilespmem:$0x18500] =	vst v63  }
0x290: {  	_ = 	snop  }
0x291: {  	[tilespmem:s31], [sflag:$0x2] =	stream.indirect_vreg.gather [hbm4b:s6+s3], $0x80, v3, vm0, $0xb8;
	[tilespmem:$0x18500] =	vst v63  }
0x292: {  	s1 =	simm.s32 $0x14500  }
0x293: {  	[tilespmem:s1], [sflag:$0x2] =	stream.indirect_vreg.gather [hbm4b:s7+s3], $0x80, v3, vm0, $0xb8;
	[tilespmem:$0x18500] =	vst v63  }
0x294: {  	s13 =	simm.s32 $0x14D00  }
0x295: {  	[tilespmem:s13], [sflag:$0x2] =	stream.indirect_vreg.gather [hbm4b:s8+s3], $0x80, v3, vm0, $0xb8;
	[tilespmem:$0x18500] =	vst v63  }
0x296: {  	_ = 	snop  }
0x297: {  	[tilespmem:s18], [sflag:$0x2] =	stream.indirect_vreg.gather [hbm4b:s26+s3], $0x80, v3, vm0, $0xb8;
	[tilespmem:$0x18500] =	vst v63  }
0x298: {  	s15 =	simm.s32 $0x15D00  }
0x299: {  	[tilespmem:s15], [sflag:$0x2] =	stream.indirect_vreg.gather [hbm4b:s9+s3], $0x80, v3, vm0, $0xb8;
	[tilespmem:$0x18500] =	vst v63  }
0x29a: {  	s16 =	simm.s32 $0x16500  }
0x29b: {  	[tilespmem:s16], [sflag:$0x2] =	stream.indirect_vreg.gather [hbm4b:s10+s3], $0x80, v3, vm0, $0xb8;
	[tilespmem:$0x18500] =	vst v63  }
0x29c: {  	_ = 	snop  }
0x29d: {  	[tilespmem:s2], [sflag:$0x2] =	stream.indirect_vreg.gather [hbm4b:s11+s3], $0x80, v3, vm0, $0xb8;
	[tilespmem:$0x18500] =	vst v63  }
0x29e: {  	s31 =	simm.s32 $0x17500  }
0x29f: {  	[tilespmem:s31], [sflag:$0x2] =	stream.indirect_vreg.gather [hbm4b:s12+s3], $0x80, v3, vm0, $0xb8;
	[tilespmem:$0x18500] =	vst v63  }
0x2a0: {  	s17 =	simm.s32 $0x17D00  }
0x2a1: {  	[tilespmem:s17], [sflag:$0x2] =	stream.indirect_vreg.gather [hbm4b:s14+s3], $0x80, v3, vm0, $0xb8;
	[tilespmem:$0x18500] =	vst v63  }
0x2a2: {  	_ =	swait.ge [sflag:s28], $0xC000  }
0x2a3: {  	[sflag:s28] =	ssyncset.done $0x0  }
0x2a4: {  	s1 =	simm.s32 $0x500;
	s18 =	rddreg [dreg:$0x1e];
	[sflag:s28] =	ssyncadd.s32 $0xFFFF4000  }
0x2a5: {  	[hbm4b:s18+s3] =	stream.linear.scatter [tilespmem:s1], [sflag:$0x3], $0x1800, $0x38;
	[tilespmem:$0x18500] =	vst v63  }
0x2a6: {  	s0 =	sadd.s32 $0x300, s18;
	s18 =	simm.s32 $0x6500  }
0x2a7: {  	[hbm4b:s0+s3] =	stream.linear.scatter [tilespmem:s18], [sflag:$0x3], $0x1800, $0x38;
	[tilespmem:$0x18500] =	vst v63  }
0x2a8: {  	s2 =	simm.s32 $0x1D00;
	s25 =	rddreg [dreg:$0x1f]  }
0x2a9: {  	[hbm4b:s25+s3] =	stream.linear.scatter [tilespmem:s2], [sflag:$0x3], $0x1800, $0x38;
	[tilespmem:$0x18500] =	vst v63  }
0x2aa: {  	s17 =	simm.s32 $0x7D00;
	s13 =	sld [smem:$0x7EF];
	s0 =	sadd.s32 $0x300, s25  }
0x2ab: {  	[hbm4b:s0+s3] =	stream.linear.scatter [tilespmem:s17], [sflag:$0x3], $0x1800, $0x38;
	[tilespmem:$0x18500] =	vst v63  }
0x2ac: {  	s25 =	simm.s32 $0x3500  }
0x2ad: {  	[hbm4b:s13+s3] =	stream.linear.scatter [tilespmem:s25], [sflag:$0x3], $0x1800, $0x38;
	[tilespmem:$0x18500] =	vst v63  }
0x2ae: {  	s16 =	simm.s32 $0x9500;
	s15 =	sld [smem:$0x7F0];
	s0 =	sadd.s32 $0x300, s13  }
0x2af: {  	[hbm4b:s0+s3] =	stream.linear.scatter [tilespmem:s16], [sflag:$0x3], $0x1800, $0x38;
	[tilespmem:$0x18500] =	vst v63  }
0x2b0: {  	s13 =	simm.s32 $0x4D00  }
0x2b1: {  	[hbm4b:s15+s3] =	stream.linear.scatter [tilespmem:s13], [sflag:$0x3], $0x1800, $0x38;
	[tilespmem:$0x18500] =	vst v63  }
0x2b2: {  	s0 =	sadd.s32 $0x300, s15;
	s15 =	simm.s32 $0xAD00  }
0x2b3: {  	[hbm4b:s0+s3] =	stream.linear.scatter [tilespmem:s15], [sflag:$0x3], $0x1800, $0x38;
	[tilespmem:$0x18500] =	vst v63  }
0x2b4: {  	_ =	swait.ge [sflag:s21], $0x3000  }
0x2b5: {  	[sflag:s21] =	ssyncset.done $0x0  }
0x2b6: {  	[sflag:s21] =	ssyncadd.s32 $0xFFFFD000  }
0x2b7: {  	_ =	swait.ge [sflag:s21], $0x3000  }
0x2b8: {  	[sflag:s21] =	ssyncset.done $0x0  }
0x2b9: {  	[sflag:s21] =	ssyncadd.s32 $0xFFFFD000  }
0x2ba: {  	_ =	swait.ge [sflag:s21], $0x3000  }
0x2bb: {  	[sflag:s21] =	ssyncset.done $0x0  }
0x2bc: {  	[sflag:s21] =	ssyncadd.s32 $0xFFFFD000  }
0x2bd: {  	_ =	swait.ge [sflag:s21], $0x3000  }
0x2be: {  	[sflag:s21] =	ssyncset.done $0x0  }
0x2bf: {  	[sflag:s21] =	ssyncadd.s32 $0xFFFFD000  }
0x2c0: {  	v3 =	vld [tilespmem:$0x400];
	_ =	sdelay $0x4  }
0x2c1: {  	v62 =	vshrl.u32 v3, $0x3  }
0x2c2: {  	v4 =	vmul.u32 $0xC0, v62  }
0x2c3: {  	v3 =	vand.u32 $0x7, v3  }
0x2c4: {  	v3 =	vor.u32 v3, v4  }
0x2c5: {  	v4 =	vperm.xlane v3, v0;
	_ =	sdelay $0x1  }
0x2c6: {  	v4 =	vadd.s32 v1, v4;
	_ =	sdelay $0x4  }
0x2c7: {  	[tilespmem:s1], [sflag:$0x1] =	stream.indirect_vreg.gather [hbm4b:s23+s3], $0x80, v4, vm0, $0xb8;
	[tilespmem:$0x18500] =	vst v63  }
0x2c8: {  	s1 =	simm.s32 $0xD00  }
0x2c9: {  	[tilespmem:s1], [sflag:$0x1] =	stream.indirect_vreg.gather [hbm4b:s4+s3], $0x80, v4, vm0, $0xb8;
	[tilespmem:$0x18500] =	vst v63  }
0x2ca: {  	s1 =	simm.s32 $0x1500  }
0x2cb: {  	[tilespmem:s1], [sflag:$0x1] =	stream.indirect_vreg.gather [hbm4b:s5+s3], $0x80, v4, vm0, $0xb8;
	[tilespmem:$0x18500] =	vst v63  }
0x2cc: {  	_ = 	snop  }
0x2cd: {  	[tilespmem:s2], [sflag:$0x1] =	stream.indirect_vreg.gather [hbm4b:s6+s3], $0x80, v4, vm0, $0xb8;
	[tilespmem:$0x18500] =	vst v63  }
0x2ce: {  	s1 =	simm.s32 $0x2500  }
0x2cf: {  	[tilespmem:s1], [sflag:$0x1] =	stream.indirect_vreg.gather [hbm4b:s7+s3], $0x80, v4, vm0, $0xb8;
	[tilespmem:$0x18500] =	vst v63  }
0x2d0: {  	s2 =	simm.s32 $0x2D00  }
0x2d1: {  	[tilespmem:s2], [sflag:$0x1] =	stream.indirect_vreg.gather [hbm4b:s8+s3], $0x80, v4, vm0, $0xb8;
	[tilespmem:$0x18500] =	vst v63  }
0x2d2: {  	_ = 	snop  }
0x2d3: {  	[tilespmem:s25], [sflag:$0x1] =	stream.indirect_vreg.gather [hbm4b:s26+s3], $0x80, v4, vm0, $0xb8;
	[tilespmem:$0x18500] =	vst v63  }
0x2d4: {  	s1 =	simm.s32 $0x3D00  }
0x2d5: {  	[tilespmem:s1], [sflag:$0x1] =	stream.indirect_vreg.gather [hbm4b:s9+s3], $0x80, v4, vm0, $0xb8;
	[tilespmem:$0x18500] =	vst v63  }
0x2d6: {  	s2 =	simm.s32 $0x4500  }
0x2d7: {  	[tilespmem:s2], [sflag:$0x1] =	stream.indirect_vreg.gather [hbm4b:s10+s3], $0x80, v4, vm0, $0xb8;
	[tilespmem:$0x18500] =	vst v63  }
0x2d8: {  	v3 =	vperm.xlane v3, v2  }
0x2d9: {  	[tilespmem:s13], [sflag:$0x1] =	stream.indirect_vreg.gather [hbm4b:s11+s3], $0x80, v4, vm0, $0xb8;
	[tilespmem:$0x18500] =	vst v63  }
0x2da: {  	v3 =	vadd.s32 v1, v3;
	s25 =	simm.s32 $0x5500  }
0x2db: {  	[tilespmem:s25], [sflag:$0x1] =	stream.indirect_vreg.gather [hbm4b:s12+s3], $0x80, v4, vm0, $0xb8;
	[tilespmem:$0x18500] =	vst v63  }
0x2dc: {  	s1 =	simm.s32 $0x5D00  }
0x2dd: {  	[tilespmem:s1], [sflag:$0x1] =	stream.indirect_vreg.gather [hbm4b:s14+s3], $0x80, v4, vm0, $0xb8;
	[tilespmem:$0x18500] =	vst v63  }
0x2de: {  	_ = 	snop  }
0x2df: {  	[tilespmem:s18], [sflag:$0x1] =	stream.indirect_vreg.gather [hbm4b:s23+s3], $0x80, v3, vm0, $0xb8;
	[tilespmem:$0x18500] =	vst v63  }
0x2e0: {  	s2 =	simm.s32 $0x6D00  }
0x2e1: {  	[tilespmem:s2], [sflag:$0x1] =	stream.indirect_vreg.gather [hbm4b:s4+s3], $0x80, v3, vm0, $0xb8;
	[tilespmem:$0x18500] =	vst v63  }
0x2e2: {  	s13 =	simm.s32 $0x7500  }
0x2e3: {  	[tilespmem:s13], [sflag:$0x1] =	stream.indirect_vreg.gather [hbm4b:s5+s3], $0x80, v3, vm0, $0xb8;
	[tilespmem:$0x18500] =	vst v63  }
0x2e4: {  	_ = 	snop  }
0x2e5: {  	[tilespmem:s17], [sflag:$0x1] =	stream.indirect_vreg.gather [hbm4b:s6+s3], $0x80, v3, vm0, $0xb8;
	[tilespmem:$0x18500] =	vst v63  }
0x2e6: {  	s18 =	simm.s32 $0x8500  }
0x2e7: {  	[tilespmem:s18], [sflag:$0x1] =	stream.indirect_vreg.gather [hbm4b:s7+s3], $0x80, v3, vm0, $0xb8;
	[tilespmem:$0x18500] =	vst v63  }
0x2e8: {  	s1 =	simm.s32 $0x8D00  }
0x2e9: {  	[tilespmem:s1], [sflag:$0x1] =	stream.indirect_vreg.gather [hbm4b:s8+s3], $0x80, v3, vm0, $0xb8;
	[tilespmem:$0x18500] =	vst v63  }
0x2ea: {  	_ = 	snop  }
0x2eb: {  	[tilespmem:s16], [sflag:$0x1] =	stream.indirect_vreg.gather [hbm4b:s26+s3], $0x80, v3, vm0, $0xb8;
	[tilespmem:$0x18500] =	vst v63  }
0x2ec: {  	s13 =	simm.s32 $0x9D00  }
0x2ed: {  	[tilespmem:s13], [sflag:$0x1] =	stream.indirect_vreg.gather [hbm4b:s9+s3], $0x80, v3, vm0, $0xb8;
	[tilespmem:$0x18500] =	vst v63  }
0x2ee: {  	s16 =	simm.s32 $0xA500  }
0x2ef: {  	[tilespmem:s16], [sflag:$0x1] =	stream.indirect_vreg.gather [hbm4b:s10+s3], $0x80, v3, vm0, $0xb8;
	[tilespmem:$0x18500] =	vst v63  }
0x2f0: {  	_ = 	snop  }
0x2f1: {  	[tilespmem:s15], [sflag:$0x1] =	stream.indirect_vreg.gather [hbm4b:s11+s3], $0x80, v3, vm0, $0xb8;
	[tilespmem:$0x18500] =	vst v63  }
0x2f2: {  	s17 =	simm.s32 $0xB500  }
0x2f3: {  	[tilespmem:s17], [sflag:$0x1] =	stream.indirect_vreg.gather [hbm4b:s12+s3], $0x80, v3, vm0, $0xb8;
	[tilespmem:$0x18500] =	vst v63  }
0x2f4: {  	s18 =	simm.s32 $0xBD00  }
0x2f5: {  	[tilespmem:s18], [sflag:$0x1] =	stream.indirect_vreg.gather [hbm4b:s14+s3], $0x80, v3, vm0, $0xb8;
	[tilespmem:$0x18500] =	vst v63  }
0x2f6: {  	_ =	swait.ge [sflag:s24], $0xC000  }
0x2f7: {  	s15 =	sld [smem:$0x7F1]  }
0x2f8: {  	[sflag:s24] =	ssyncset.done $0x0  }
0x2f9: {  	s17 =	simm.s32 $0xC500;
	[sflag:s24] =	ssyncadd.s32 $0xFFFF4000  }
0x2fa: {  	[hbm4b:s15+s3] =	stream.linear.scatter [tilespmem:s17], [sflag:$0x4], $0x1800, $0x38;
	[tilespmem:$0x18500] =	vst v63  }
0x2fb: {  	s20 =	simm.s32 $0x12500;
	s16 =	sld [smem:$0x7F2];
	s0 =	sadd.s32 $0x300, s15  }
0x2fc: {  	[hbm4b:s0+s3] =	stream.linear.scatter [tilespmem:s20], [sflag:$0x4], $0x1800, $0x38;
	[tilespmem:$0x18500] =	vst v63  }
0x2fd: {  	s15 =	simm.s32 $0xDD00  }
0x2fe: {  	[hbm4b:s16+s3] =	stream.linear.scatter [tilespmem:s15], [sflag:$0x4], $0x1800, $0x38;
	[tilespmem:$0x18500] =	vst v63  }
0x2ff: {  	s29 =	simm.s32 $0x13D00;
	s18 =	sld [smem:$0x7F3];
	s0 =	sadd.s32 $0x300, s16  }
0x300: {  	[hbm4b:s0+s3] =	stream.linear.scatter [tilespmem:s29], [sflag:$0x4], $0x1800, $0x38;
	[tilespmem:$0x18500] =	vst v63  }
0x301: {  	s16 =	simm.s32 $0xF500  }
0x302: {  	[hbm4b:s18+s3] =	stream.linear.scatter [tilespmem:s16], [sflag:$0x4], $0x1800, $0x38;
	[tilespmem:$0x18500] =	vst v63  }
0x303: {  	s19 =	simm.s32 $0x15500;
	s0 =	sadd.s32 $0x300, s18  }
0x304: {  	[hbm4b:s0+s3] =	stream.linear.scatter [tilespmem:s19], [sflag:$0x4], $0x1800, $0x38;
	[tilespmem:$0x18500] =	vst v63  }
0x305: {  	s0 =	sld [smem:$0x7F4];
	_ =	sdelay $0x1  }
0x306: {  	s18 =	simm.s32 $0x10D00  }
0x307: {  	[hbm4b:s0+s3] =	stream.linear.scatter [tilespmem:s18], [sflag:$0x4], $0x1800, $0x38;
	[tilespmem:$0x18500] =	vst v63  }
0x308: {  	s22 =	simm.s32 $0x16D00;
	s0 =	sadd.s32 $0x300, s0  }
0x309: {  	[hbm4b:s0+s3] =	stream.linear.scatter [tilespmem:s22], [sflag:$0x4], $0x1800, $0x38;
	[tilespmem:$0x18500] =	vst v63  }
0x30a: {  	_ =	swait.ge [sflag:s30], $0x3000  }
0x30b: {  	[sflag:s30] =	ssyncset.done $0x0  }
0x30c: {  	[sflag:s30] =	ssyncadd.s32 $0xFFFFD000  }
0x30d: {  	_ =	swait.ge [sflag:s30], $0x3000  }
0x30e: {  	[sflag:s30] =	ssyncset.done $0x0  }
0x30f: {  	[sflag:s30] =	ssyncadd.s32 $0xFFFFD000  }
0x310: {  	_ =	swait.ge [sflag:s30], $0x3000  }
0x311: {  	[sflag:s30] =	ssyncset.done $0x0  }
0x312: {  	[sflag:s30] =	ssyncadd.s32 $0xFFFFD000  }
0x313: {  	_ =	swait.ge [sflag:s30], $0x3000  }
0x314: {  	[sflag:s30] =	ssyncset.done $0x0  }
0x315: {  	[sflag:s30] =	ssyncadd.s32 $0xFFFFD000  }
0x316: {  	v3 =	vld [tilespmem:$0x480];
	_ =	sdelay $0x4  }
0x317: {  	v63 =	vshrl.u32 v3, $0x3  }
0x318: {  	v4 =	vmul.u32 $0xC0, v63  }
0x319: {  	v3 =	vand.u32 $0x7, v3  }
0x31a: {  	v3 =	vor.u32 v3, v4  }
0x31b: {  	v4 =	vperm.xlane v3, v0;
	_ =	sdelay $0x1  }
0x31c: {  	v4 =	vadd.s32 v1, v4;
	_ =	sdelay $0x4  }
0x31d: {  	[tilespmem:s17], [sflag:$0x2] =	stream.indirect_vreg.gather [hbm4b:s23+s3], $0x80, v4, vm0, $0xb8;
	[tilespmem:$0x18500] =	vst v63  }
0x31e: {  	s0 =	simm.s32 $0xCD00  }
0x31f: {  	[tilespmem:s0], [sflag:$0x2] =	stream.indirect_vreg.gather [hbm4b:s4+s3], $0x80, v4, vm0, $0xb8;
	[tilespmem:$0x18500] =	vst v63  }
0x320: {  	s0 =	simm.s32 $0xD500  }
0x321: {  	[tilespmem:s0], [sflag:$0x2] =	stream.indirect_vreg.gather [hbm4b:s5+s3], $0x80, v4, vm0, $0xb8;
	[tilespmem:$0x18500] =	vst v63  }
0x322: {  	_ = 	snop  }
0x323: {  	[tilespmem:s15], [sflag:$0x2] =	stream.indirect_vreg.gather [hbm4b:s6+s3], $0x80, v4, vm0, $0xb8;
	[tilespmem:$0x18500] =	vst v63  }
0x324: {  	s0 =	simm.s32 $0xE500  }
0x325: {  	[tilespmem:s0], [sflag:$0x2] =	stream.indirect_vreg.gather [hbm4b:s7+s3], $0x80, v4, vm0, $0xb8;
	[tilespmem:$0x18500] =	vst v63  }
0x326: {  	s0 =	simm.s32 $0xED00  }
0x327: {  	[tilespmem:s0], [sflag:$0x2] =	stream.indirect_vreg.gather [hbm4b:s8+s3], $0x80, v4, vm0, $0xb8;
	[tilespmem:$0x18500] =	vst v63  }
0x328: {  	_ = 	snop  }
0x329: {  	[tilespmem:s16], [sflag:$0x2] =	stream.indirect_vreg.gather [hbm4b:s26+s3], $0x80, v4, vm0, $0xb8;
	[tilespmem:$0x18500] =	vst v63  }
0x32a: {  	s0 =	simm.s32 $0xFD00  }
0x32b: {  	[tilespmem:s0], [sflag:$0x2] =	stream.indirect_vreg.gather [hbm4b:s9+s3], $0x80, v4, vm0, $0xb8;
	[tilespmem:$0x18500] =	vst v63  }
0x32c: {  	s0 =	simm.s32 $0x10500  }
0x32d: {  	[tilespmem:s0], [sflag:$0x2] =	stream.indirect_vreg.gather [hbm4b:s10+s3], $0x80, v4, vm0, $0xb8;
	[tilespmem:$0x18500] =	vst v63  }
0x32e: {  	v3 =	vperm.xlane v3, v2  }
0x32f: {  	[tilespmem:s18], [sflag:$0x2] =	stream.indirect_vreg.gather [hbm4b:s11+s3], $0x80, v4, vm0, $0xb8;
	[tilespmem:$0x18500] =	vst v63  }
0x330: {  	v3 =	vadd.s32 v1, v3;
	s0 =	simm.s32 $0x11500  }
0x331: {  	[tilespmem:s0], [sflag:$0x2] =	stream.indirect_vreg.gather [hbm4b:s12+s3], $0x80, v4, vm0, $0xb8;
	[tilespmem:$0x18500] =	vst v63  }
0x332: {  	s0 =	simm.s32 $0x11D00  }
0x333: {  	[tilespmem:s0], [sflag:$0x2] =	stream.indirect_vreg.gather [hbm4b:s14+s3], $0x80, v4, vm0, $0xb8;
	[tilespmem:$0x18500] =	vst v63  }
0x334: {  	_ = 	snop  }
0x335: {  	[tilespmem:s20], [sflag:$0x2] =	stream.indirect_vreg.gather [hbm4b:s23+s3], $0x80, v3, vm0, $0xb8;
	[tilespmem:$0x18500] =	vst v63  }
0x336: {  	s23 =	simm.s32 $0x12D00  }
0x337: {  	[tilespmem:s23], [sflag:$0x2] =	stream.indirect_vreg.gather [hbm4b:s4+s3], $0x80, v3, vm0, $0xb8;
	[tilespmem:$0x18500] =	vst v63  }
0x338: {  	s23 =	simm.s32 $0x13500  }
0x339: {  	[tilespmem:s23], [sflag:$0x2] =	stream.indirect_vreg.gather [hbm4b:s5+s3], $0x80, v3, vm0, $0xb8;
	[tilespmem:$0x18500] =	vst v63  }
0x33a: {  	_ = 	snop  }
0x33b: {  	[tilespmem:s29], [sflag:$0x2] =	stream.indirect_vreg.gather [hbm4b:s6+s3], $0x80, v3, vm0, $0xb8;
	[tilespmem:$0x18500] =	vst v63  }
0x33c: {  	s23 =	simm.s32 $0x14500  }
0x33d: {  	[tilespmem:s23], [sflag:$0x2] =	stream.indirect_vreg.gather [hbm4b:s7+s3], $0x80, v3, vm0, $0xb8;
	[tilespmem:$0x18500] =	vst v63  }
0x33e: {  	s23 =	simm.s32 $0x14D00  }
0x33f: {  	[tilespmem:s23], [sflag:$0x2] =	stream.indirect_vreg.gather [hbm4b:s8+s3], $0x80, v3, vm0, $0xb8;
	[tilespmem:$0x18500] =	vst v63  }
0x340: {  	_ = 	snop  }
0x341: {  	[tilespmem:s19], [sflag:$0x2] =	stream.indirect_vreg.gather [hbm4b:s26+s3], $0x80, v3, vm0, $0xb8;
	[tilespmem:$0x18500] =	vst v63  }
0x342: {  	s23 =	simm.s32 $0x15D00  }
0x343: {  	[tilespmem:s23], [sflag:$0x2] =	stream.indirect_vreg.gather [hbm4b:s9+s3], $0x80, v3, vm0, $0xb8;
	[tilespmem:$0x18500] =	vst v63  }
0x344: {  	s23 =	simm.s32 $0x16500  }
0x345: {  	[tilespmem:s23], [sflag:$0x2] =	stream.indirect_vreg.gather [hbm4b:s10+s3], $0x80, v3, vm0, $0xb8;
	[tilespmem:$0x18500] =	vst v63  }
0x346: {  	_ = 	snop  }
0x347: {  	[tilespmem:s22], [sflag:$0x2] =	stream.indirect_vreg.gather [hbm4b:s11+s3], $0x80, v3, vm0, $0xb8;
	[tilespmem:$0x18500] =	vst v63  }
0x348: {  	_ = 	snop  }
0x349: {  	[tilespmem:s31], [sflag:$0x2] =	stream.indirect_vreg.gather [hbm4b:s12+s3], $0x80, v3, vm0, $0xb8;
	[tilespmem:$0x18500] =	vst v63  }
0x34a: {  	s23 =	simm.s32 $0x17D00  }
0x34b: {  	[tilespmem:s23], [sflag:$0x2] =	stream.indirect_vreg.gather [hbm4b:s14+s3], $0x80, v3, vm0, $0xb8;
	[tilespmem:$0x18500] =	vst v63  }
0x34c: {  	_ =	swait.ge [sflag:s28], $0xC000  }
0x34d: {  	s0 =	sld [smem:$0x7F5]  }
0x34e: {  	[sflag:s28] =	ssyncset.done $0x0  }
0x34f: {  	s31 =	simm.s32 $0x500;
	[sflag:s28] =	ssyncadd.s32 $0xFFFF4000  }
0x350: {  	[hbm4b:s0+s3] =	stream.linear.scatter [tilespmem:s31], [sflag:$0x3], $0x1800, $0x38;
	[tilespmem:$0x18500] =	vst v63  }
0x351: {  	s25 =	simm.s32 $0x6500;
	s0 =	sadd.s32 $0x300, s0  }
0x352: {  	[hbm4b:s0+s3] =	stream.linear.scatter [tilespmem:s25], [sflag:$0x3], $0x1800, $0x38;
	[tilespmem:$0x18500] =	vst v63  }
0x353: {  	s25 =	sld [smem:$0x7F6];
	_ =	sdelay $0x1  }
0x354: {  	s31 =	simm.s32 $0x1D00  }
0x355: {  	[hbm4b:s25+s3] =	stream.linear.scatter [tilespmem:s31], [sflag:$0x3], $0x1800, $0x38;
	[tilespmem:$0x18500] =	vst v63  }
0x356: {  	s2 =	simm.s32 $0x7D00;
	s23 =	sld [smem:$0x7F7];
	s0 =	sadd.s32 $0x300, s25  }
0x357: {  	[hbm4b:s0+s3] =	stream.linear.scatter [tilespmem:s2], [sflag:$0x3], $0x1800, $0x38;
	[tilespmem:$0x18500] =	vst v63  }
0x358: {  	s25 =	simm.s32 $0x3500  }
0x359: {  	[hbm4b:s23+s3] =	stream.linear.scatter [tilespmem:s25], [sflag:$0x3], $0x1800, $0x38;
	[tilespmem:$0x18500] =	vst v63  }
0x35a: {  	s1 =	simm.s32 $0x9500;
	s31 =	sld [smem:$0x7F8];
	s0 =	sadd.s32 $0x300, s23  }
0x35b: {  	[hbm4b:s0+s3] =	stream.linear.scatter [tilespmem:s1], [sflag:$0x3], $0x1800, $0x38;
	[tilespmem:$0x18500] =	vst v63  }
0x35c: {  	s23 =	simm.s32 $0x4D00  }
0x35d: {  	[hbm4b:s31+s3] =	stream.linear.scatter [tilespmem:s23], [sflag:$0x3], $0x1800, $0x38;
	[tilespmem:$0x18500] =	vst v63  }
0x35e: {  	s13 =	simm.s32 $0xAD00;
	s0 =	sadd.s32 $0x300, s31  }
0x35f: {  	[hbm4b:s0+s3] =	stream.linear.scatter [tilespmem:s13], [sflag:$0x3], $0x1800, $0x38;
	[tilespmem:$0x18500] =	vst v63  }
0x360: {  	s2 =	sld [smem:$0x7EE];
	_ =	swait.ge [sflag:s24], $0xC000  }
0x361: {  	[sflag:s24] =	ssyncset.done $0x0  }
0x362: {  	[sflag:s24] =	ssyncadd.s32 $0xFFFF4000;
	s24 =	sld [smem:$0x7F9];
	_ =	sdelay $0x1  }
0x363: {  	s17 =	simm.s32 $0xC500  }
0x364: {  	[hbm4b:s24+s3] =	stream.linear.scatter [tilespmem:s17], [sflag:$0x4], $0x1800, $0x38;
	[tilespmem:$0x18500] =	vst v63  }
0x365: {  	s25 =	sld [smem:$0x7FB];
	s0 =	sadd.s32 $0x300, s24  }
0x366: {  	[hbm4b:s0+s3] =	stream.linear.scatter [tilespmem:s20], [sflag:$0x4], $0x1800, $0x38;
	[tilespmem:$0x18500] =	vst v63  }
0x367: {  	s15 =	simm.s32 $0xDD00  }
0x368: {  	[hbm4b:s25+s3] =	stream.linear.scatter [tilespmem:s15], [sflag:$0x4], $0x1800, $0x38;
	[tilespmem:$0x18500] =	vst v63  }
0x369: {  	s0 =	sadd.s32 $0x300, s25  }
0x36a: {  	[hbm4b:s0+s3] =	stream.linear.scatter [tilespmem:s29], [sflag:$0x4], $0x1800, $0x38;
	[tilespmem:$0x18500] =	vst v63  }
0x36b: {  	s29 =	sld [smem:$0x7FC];
	_ =	sdelay $0x1  }
0x36c: {  	s16 =	simm.s32 $0xF500  }
0x36d: {  	[hbm4b:s29+s3] =	stream.linear.scatter [tilespmem:s16], [sflag:$0x4], $0x1800, $0x38;
	[tilespmem:$0x18500] =	vst v63  }
0x36e: {  	s31 =	sld [smem:$0x7FD];
	s0 =	sadd.s32 $0x300, s29  }
0x36f: {  	[hbm4b:s0+s3] =	stream.linear.scatter [tilespmem:s19], [sflag:$0x4], $0x1800, $0x38;
	[tilespmem:$0x18500] =	vst v63  }
0x370: {  	s18 =	simm.s32 $0x10D00  }
0x371: {  	[hbm4b:s31+s3] =	stream.linear.scatter [tilespmem:s18], [sflag:$0x4], $0x1800, $0x38;
	[tilespmem:$0x18500] =	vst v63  }
0x372: {  	s0 =	sadd.s32 $0x300, s31  }
0x373: {  	[hbm4b:s0+s3] =	stream.linear.scatter [tilespmem:s22], [sflag:$0x4], $0x1800, $0x38;
	[tilespmem:$0x18500] =	vst v63  }
0x374: {  	_ =	swait.ge [sflag:s21], $0x3000  }
0x375: {  	[sflag:s21] =	ssyncset.done $0x0  }
0x376: {  	[sflag:s21] =	ssyncadd.s32 $0xFFFFD000  }
0x377: {  	_ =	swait.ge [sflag:s21], $0x3000  }
0x378: {  	[sflag:s21] =	ssyncset.done $0x0  }
0x379: {  	[sflag:s21] =	ssyncadd.s32 $0xFFFFD000  }
0x37a: {  	_ =	swait.ge [sflag:s21], $0x3000  }
0x37b: {  	[sflag:s21] =	ssyncset.done $0x0  }
0x37c: {  	[sflag:s21] =	ssyncadd.s32 $0xFFFFD000  }
0x37d: {  	_ =	swait.ge [sflag:s21], $0x3000  }
0x37e: {  	[sflag:s21] =	ssyncset.done $0x0  }
0x37f: {  	[sflag:s21] =	ssyncadd.s32 $0xFFFFD000  }
0x380: {  	_ =	swait.ge [sflag:s30], $0x3000  }
0x381: {  	[sflag:s30] =	ssyncset.done $0x0  }
0x382: {  	[sflag:s30] =	ssyncadd.s32 $0xFFFFD000  }
0x383: {  	_ =	swait.ge [sflag:s30], $0x3000  }
0x384: {  	[sflag:s30] =	ssyncset.done $0x0  }
0x385: {  	[sflag:s30] =	ssyncadd.s32 $0xFFFFD000  }
0x386: {  	p0 =	sne.s32 s2, $0x1;
	_ =	swait.ge [sflag:s30], $0x3000  }
.Ltmp0:
0x387: {  	[sflag:s30] =	ssyncset.done $0x0;
	(pc) =	sbr.rel @p0 .LBB2_1-.Ltmp0, $4  }
0x388: {  	[sflag:s30] =	ssyncadd.s32 $0xFFFFD000  }
0x389: {  	_ =	swait.ge [sflag:s30], $0x3000  }
0x38a: {  	[sflag:s30] =	ssyncset.done $0x0  }
0x38b: {  	s2 =	sadd.s32 $0xFFFFFFFF, s2;
	[sflag:s30] =	ssyncadd.s32 $0xFFFFD000  }
0x38c: {  	_ =	sfence.sel $0x180000  }
0x38d: {  	[bflag:$0x0] =	sbarrier.arrive $0xFFFF  }
0x38e: {  	_ =	strace $0x90000047  }
0x38f: {  	s0 =	stileid.u32;
	[bflag:$0x2] =	sbarrier.arrive $0xFFFF  }
0x390: {  	p0 =	sne.s32 s0, $0x0;
	s0 =	rddreg [dreg:$0x3]  }
0x391: {  	s0 =	sadd.s32 @!p0 $0x100000, s0  }
0x392: {  	[sflag:s0] =	ssyncadd.tile.s32 @!p0 $0x1;
	_ =	shalt  }
.Lfunc_end2:
_tile_overlayer_lowered:
.L_overlay_start_2:
0x393: {  	(tag) =	ssettag $0x2  }
0x394: {  	s0 =	rddreg [dreg:$0x0];
	s2 =	stileid.u32  }
0x395: {  	s1 =	rddreg [dreg:$0x1];
	p0 =	sne.s32 s2, $0x0  }
0x396: {  	s3 =	rddreg [dreg:$0x2];
	[bflag:$0x3] =	sbarrier.arrive $0xFFFF;
	s2 =	simm.s32 @!p0 $0x1C05  }
0x397: {  	[timem:s3], [sflag:s2] =	dma.local @!p0 [hbm:s0], s1  }
0x398: {  	s0 =	simm.s32 @!p0 $0x5  }
0x399: {  	_ =	swait.ge @!p0 [sflag:s0], s1  }
0x39a: {  	s1 =	ssub.s32 @!p0 $0x0, s1;
	[sflag:s0] =	ssyncset.done @!p0 $0x0  }
0x39b: {  	[sflag:s0] =	ssyncadd.s32 @!p0 s1  }
0x39c: {  	[bflag:$0x3] =	sbarrier.arrive $0xFFFF  }
0x39d: {  	_ =	shalt  }

</sc_bundles>
